<compile_context>
chip_gen: v7x
topology: tpu7x:2x2x1
jax: 0.10.2.dev20260603
libtpu: 0.0.44.dev20260713+nightly
codegen_flags: <defaults>
</compile_context>

<pallas_src>
import functools

import jax
import jax.numpy as jnp
import numpy as np
from jax import lax
from jax.experimental import pallas as pl
from jax.experimental.pallas import tpu as pltpu
from jax.experimental.pallas import tpu_sc as plsc

HEAD_DIM = 128
BASE = 10000
FREQ_ALLOCATION = 20
HALF = HEAD_DIM // 2
SPLIT = HALF - FREQ_ALLOCATION

SEQ = 8192
NPAIRS = 4 * SEQ
NWORK = 32
PW = NPAIRS // NWORK
CHUNK = 64
NCHUNK = PW // CHUNK
T_BLK = 2048


def _freq_phase_tables():
    inv_freq = 1.0 / (BASE ** (np.arange(0, HEAD_DIM, 2, dtype=np.float32) / HEAD_DIM))
    freq = np.zeros(HEAD_DIM, np.float32)
    phase = np.zeros(HEAD_DIM, np.float32)
    hp = np.float32(np.pi / 2)
    segs = [
        (0, np.arange(SPLIT, HALF), 0.0),
        (20, np.arange(SPLIT, HALF), hp),
        (40, np.arange(0, SPLIT, 2), 0.0),
        (62, np.arange(0, SPLIT, 2), hp),
        (84, np.arange(1, SPLIT, 2), 0.0),
        (106, np.arange(1, SPLIT, 2), hp),
    ]
    for base, js, ph in segs:
        freq[base:base + len(js)] = inv_freq[js]
        phase[base:base + len(js)] = ph
    return jnp.asarray(freq)[None], jnp.asarray(phase)[None]


def _off_table():
    off = np.zeros(256, np.int32)
    for cp in range(256):
        trig, c = divmod(cp, HEAD_DIM)
        j = c // 2
        if j >= SPLIT:
            sec, col = 0, (j - SPLIT) + 20 * trig
        elif j % 2 == 0:
            sec, col = 1, 40 + j // 2 + 22 * trig
        else:
            sec, col = 2, 84 + (j - 1) // 2 + 22 * trig
        off[cp] = sec * CHUNK * HEAD_DIM + col
    return jnp.asarray(off)


def _table_body(freq_ref, phase_ref, out_ref):
    i = pl.program_id(0)
    p = (lax.broadcasted_iota(jnp.int32, (T_BLK, HEAD_DIM), 0) + i * T_BLK)
    out_ref[...] = jnp.sin(p.astype(jnp.float32) * freq_ref[...] + phase_ref[...])


def _build_table(freqs, phases):
    return pl.pallas_call(
        _table_body,
        grid=(SEQ // T_BLK,),
        in_specs=[
            pl.BlockSpec((1, HEAD_DIM), lambda i: (0, 0)),
            pl.BlockSpec((1, HEAD_DIM), lambda i: (0, 0)),
        ],
        out_specs=pl.BlockSpec((T_BLK, HEAD_DIM), lambda i: (i, 0)),
        out_shape=jax.ShapeDtypeStruct((SEQ, HEAD_DIM), jnp.float32),
    )(freqs, phases)


def _sc_gather_kernel(table_hbm, pid_hbm, off_hbm, out_hbm,
                      pid_v, idx_t, idx_h, idx_w, gbuf, obuf, offv,
                      sem_a, sem_b, sem_oa, sem_ob):
    wid = lax.axis_index("s") * 2 + lax.axis_index("c")
    b = wid // 8
    srow = (wid % 8) * PW
    pltpu.sync_copy(off_hbm, offv)
    pltpu.sync_copy(pid_hbm.at[pl.ds(wid * (3 * PW // 128), 3 * PW // 128)], pid_v)
    i16 = lax.broadcasted_iota(jnp.int32, (16,), 0)
    i3 = i16 * 3
    zero = i16 * 0
    sems = (sem_a, sem_b)
    osems = (sem_oa, sem_ob)

    def build_and_fire(chk, par, sem):
        fb = chk * (3 * CHUNK)
        for v in range(CHUNK // 16):
            g = i3 + (fb + v * 48)
            idx_t[pl.ds(v * 16, 16)] = plsc.load_gather(pid_v, [zero, g])
            idx_h[pl.ds(v * 16, 16)] = plsc.load_gather(pid_v, [zero, g + 1])
            idx_w[pl.ds(v * 16, 16)] = plsc.load_gather(pid_v, [zero, g + 2])
        base = par * 3 * CHUNK
        pltpu.async_copy(table_hbm.at[idx_t], gbuf.at[pl.ds(base, CHUNK)], sem)
        pltpu.async_copy(table_hbm.at[idx_h], gbuf.at[pl.ds(base + CHUNK, CHUNK)], sem)
        pltpu.async_copy(table_hbm.at[idx_w], gbuf.at[pl.ds(base + 2 * CHUNK, CHUNK)], sem)

    def wait_gathers(par, sem):
        base = par * 3 * CHUNK
        for s in range(3):
            pltpu.make_async_copy(
                table_hbm.at[idx_t],
                gbuf.at[pl.ds(base + s * CHUNK, CHUNK)], sem).wait()

    def drain_out(sub, s0):
        pltpu.make_async_copy(
            obuf.at[sub, 0], out_hbm.at[b, pl.ds(s0, CHUNK), 0], osems[sub]).wait()
        pltpu.make_async_copy(
            obuf.at[sub, 1], out_hbm.at[b + 4, pl.ds(s0, CHUNK), 0], osems[sub]).wait()

    build_and_fire(0, 0, sem_a)

    def loop_body(i2, carry):
        for sub in range(2):
            chk = i2 * 2 + sub
            s0 = srow + chk * CHUNK
            wait_gathers(sub, sems[sub])

            @pl.when(chk + 1 < NCHUNK)
            def _():
                build_and_fire(chk + 1, 1 - sub, sems[1 - sub])

            @pl.when(i2 > 0)
            def _():
                drain_out(sub, s0)

            offs0 = tuple(offv[pl.ds(v * 16, 16)] + sub * 3 * CHUNK * HEAD_DIM
                          for v in range(16))

            @plsc.parallel_loop(0, CHUNK, carry=offs0, unroll=4)
            def pair_body(k, offs):
                for v in range(16):
                    vals = plsc.load_gather(gbuf, [zero, offs[v]])
                    obuf[sub, v // 8, k, pl.ds((v % 8) * 16, 16)] = vals
                return tuple(o + HEAD_DIM for o in offs)

            pltpu.async_copy(obuf.at[sub, 0], out_hbm.at[b, pl.ds(s0, CHUNK), 0],
                             osems[sub])
            pltpu.async_copy(obuf.at[sub, 1], out_hbm.at[b + 4, pl.ds(s0, CHUNK), 0],
                             osems[sub])
        return carry

    lax.fori_loop(0, NCHUNK // 2, loop_body, 0)
    drain_out(0, srow + (NCHUNK - 2) * CHUNK)
    drain_out(1, srow + (NCHUNK - 1) * CHUNK)


def kernel(position_ids):
    B, S, _ = position_ids.shape
    freqs, phases = _freq_phase_tables()
    table = _build_table(freqs, phases)
    offs = _off_table()

    sc = functools.partial(
        pl.kernel,
        mesh=plsc.VectorSubcoreMesh(core_axis_name="c", subcore_axis_name="s"),
        out_type=jax.ShapeDtypeStruct((2 * B, S, 1, HEAD_DIM), jnp.float32),
        scratch_types=[
            pltpu.VMEM((3 * PW // 128, 128), jnp.int32),
            pltpu.VMEM((CHUNK,), jnp.int32),
            pltpu.VMEM((CHUNK,), jnp.int32),
            pltpu.VMEM((CHUNK,), jnp.int32),
            pltpu.VMEM((2 * 3 * CHUNK, HEAD_DIM), jnp.float32),
            pltpu.VMEM((2, 2, CHUNK, HEAD_DIM), jnp.float32),
            pltpu.VMEM((256,), jnp.int32),
            pltpu.SemaphoreType.DMA,
            pltpu.SemaphoreType.DMA,
            pltpu.SemaphoreType.DMA,
            pltpu.SemaphoreType.DMA,
        ],
        compiler_params=pltpu.CompilerParams(
            needs_layout_passes=False, use_tc_tiling_on_sc=False),
    )(_sc_gather_kernel)
    pid2 = position_ids.reshape(3 * NPAIRS // 128, 128)
    return sc(table, pid2, offs)

# --- scband reference (transcript-rebuilt; emitter-appended) ---
"""Pipeline reference for scband-ernie-rope-embedding-57612691308716 (READ-ONLY COPY).

The authoritative reference and input builder live on the scoring server;
editing this copy changes nothing except your own understanding.
"""

import jax, jax.numpy as jnp
import numpy as np

HEAD_DIM = 128
COMPRESSION_RATIO = 1.0
BASE = 10000
FREQ_ALLOCATION = 20


def setup_inputs(seed: int = 0) -> dict:
    key = jax.random.key(seed)
    position_ids = jax.random.randint(key, (4, 8192, 3), 0, 8192, dtype=jnp.int32)
    return {"position_ids": position_ids}


def reference(position_ids):
    seq_length = position_ids.shape[1]
    idx = jnp.arange(0, HEAD_DIM, 2, dtype=jnp.float32)
    inv_freq = 1.0 / (BASE ** (idx / HEAD_DIM))
    pos = jnp.arange(0, seq_length, dtype=jnp.float32)[:, None] / COMPRESSION_RATIO
    sinusoid_inp = pos * inv_freq[None, :]
    pos_emb = jnp.concatenate([jnp.sin(sinusoid_inp), jnp.cos(sinusoid_inp)], axis=-1)
    pos_emb = pos_emb.reshape(-1, 1, seq_length, HEAD_DIM)
    pos_emb = jnp.transpose(pos_emb, (0, 2, 1, 3))  # [1, S, 1, head_dim]
    sin, cos = jnp.split(pos_emb, 2, axis=-1)  # each [1, S, 1, head_dim//2]
    B = position_ids.shape[0]
    bi = jnp.arange(B)[:, None]
    sin = jnp.tile(sin, (B, 1, 1, 1))
    cos = jnp.tile(cos, (B, 1, 1, 1))
    half = HEAD_DIM // 2
    fa = FREQ_ALLOCATION
    sin_t = sin[bi, position_ids[..., 0], :, half - fa:]
    sin_h = sin[bi, position_ids[..., 1], :, 0:half - fa:2]
    sin_w = sin[bi, position_ids[..., 2], :, 1:half - fa:2]
    sin_hw = jnp.stack([sin_h, sin_w], axis=-1).reshape(sin_h.shape[:-1] + (sin_h.shape[-1] * 2,))
    sin_thw = jnp.concatenate([sin_hw, sin_t], axis=-1)
    cos_t = cos[bi, position_ids[..., 0], :, half - fa:]
    cos_h = cos[bi, position_ids[..., 1], :, 0:half - fa:2]
    cos_w = cos[bi, position_ids[..., 2], :, 1:half - fa:2]
    cos_hw = jnp.stack([cos_h, cos_w], axis=-1).reshape(cos_h.shape[:-1] + (cos_h.shape[-1] * 2,))
    cos_thw = jnp.concatenate([cos_hw, cos_t], axis=-1)
    sin_pos = jnp.stack([sin_thw, sin_thw], axis=-1).reshape(sin_thw.shape[:3] + (sin_thw.shape[-1] * 2,))
    cos_pos = jnp.stack([cos_thw, cos_thw], axis=-1).reshape(cos_thw.shape[:3] + (cos_thw.shape[-1] * 2,))
    return jnp.concatenate([sin_pos, cos_pos], axis=0)

if __name__ == "__main__":
    import jax
    _d = setup_inputs()
    print(jax.jit(kernel)(*tuple(_d.values())))

</pallas_src>

<mosaic_0001>
#map = affine_map<(d0, d1) -> (0, 0)>
#map1 = affine_map<(d0, d1) -> (0)>
#map2 = affine_map<(d0, d1) -> (0, 0, 0, 0)>
module attributes {stable_mosaic.version = 14 : i64} {
  func.func @_sc_gather_kernel(%arg0: i32, %arg1: i32, %arg2: memref<8192x128xf32, #tpu.memory_space<hbm>>, %arg3: memref<768x128xi32, #tpu.memory_space<hbm>>, %arg4: memref<256xi32, #tpu.memory_space<hbm>>, %arg5: memref<8x8192x1x128xf32, #tpu.memory_space<hbm>>, %arg6: memref<24x128xi32, #tpu.memory_space<vmem>>, %arg7: memref<64xi32, #tpu.memory_space<vmem>>, %arg8: memref<64xi32, #tpu.memory_space<vmem>>, %arg9: memref<64xi32, #tpu.memory_space<vmem>>, %arg10: memref<384x128xf32, #tpu.memory_space<vmem>>, %arg11: memref<2x2x64x128xf32, #tpu.memory_space<vmem>>, %arg12: memref<256xi32, #tpu.memory_space<vmem>>, %arg13: memref<!tpu.dma_semaphore, #tpu.memory_space<semaphore_mem>>, %arg14: memref<!tpu.dma_semaphore, #tpu.memory_space<semaphore_mem>>, %arg15: memref<!tpu.dma_semaphore, #tpu.memory_space<semaphore_mem>>, %arg16: memref<!tpu.dma_semaphore, #tpu.memory_space<semaphore_mem>>) attributes {dimension_semantics = [#tpu.dimension_semantics<core_parallel>, #tpu.dimension_semantics<subcore_parallel>], iteration_bounds = array<i64: 2, 16>, scalar_prefetch = 0 : i64, scratch_operands = 11 : i64, tpu.core_type = #tpu.core_type<sc_vector_subcore>, window_params = [{transform_indices = #map}, {transform_indices = #map}, {transform_indices = #map1}, {transform_indices = #map2}]} {
    %mul3A = arith.constant 2 : i32
    %mul3A_0 = arith.muli %arg1, %mul3A : i32
    %add3A = arith.addi %mul3A_0, %arg0 : i32
    %jit3A = arith.constant 8 : i32
    %div3A = arith.divsi %add3A, %jit3A : i32
    %sign3A = arith.constant 0 : i32
    %sign3A_1 = arith.cmpi sgt, %add3A, %sign3A : i32
    %sign3A_2 = arith.extui %sign3A_1 : i1 to i32
    %sign3A_3 = arith.constant 0 : i32
    %sign3A_4 = arith.cmpi slt, %add3A, %sign3A_3 : i32
    %sign3A_5 = arith.extui %sign3A_4 : i1 to i32
    %sign3A_6 = arith.subi %sign3A_2, %sign3A_5 : i32
    %sign3A_7 = arith.constant 0 : i32
    %sign3A_8 = arith.cmpi sgt, %jit3A, %sign3A_7 : i32
    %sign3A_9 = arith.extui %sign3A_8 : i1 to i32
    %sign3A_10 = arith.constant 0 : i32
    %sign3A_11 = arith.cmpi slt, %jit3A, %sign3A_10 : i32
    %sign3A_12 = arith.extui %sign3A_11 : i1 to i32
    %sign3A_13 = arith.subi %sign3A_9, %sign3A_12 : i32
    %ne3A = arith.cmpi ne, %sign3A_6, %sign3A_13 : i32
    %rem3A = arith.remsi %add3A, %jit3A : i32
    %ne3A_14 = arith.constant 0 : i32
    %ne3A_15 = arith.cmpi ne, %rem3A, %ne3A_14 : i32
    %and3A = arith.andi %ne3A, %ne3A_15 : i1
    %sub3A = arith.constant 1 : i32
    %sub3A_16 = arith.subi %div3A, %sub3A : i32
    %select_n3A = arith.select %and3A, %sub3A_16, %div3A : i32
    %jit3A_17 = arith.constant 8 : i32
    %eq3A = arith.constant 0 : i32
    %eq3A_18 = arith.cmpi eq, %jit3A_17, %eq3A : i32
    %jit3A_19 = arith.constant 1 : i32
    %select_n3A_20 = arith.select %eq3A_18, %jit3A_19, %jit3A_17 : i32
    %rem3A_21 = arith.remsi %add3A, %select_n3A_20 : i32
    %ne3A_22 = arith.constant 0 : i32
    %ne3A_23 = arith.cmpi ne, %rem3A_21, %ne3A_22 : i32
    %lt3A = arith.constant 0 : i32
    %lt3A_24 = arith.cmpi slt, %rem3A_21, %lt3A : i32
    %lt3A_25 = arith.constant 0 : i32
    %lt3A_26 = arith.cmpi slt, %select_n3A_20, %lt3A_25 : i32
    %ne3A_27 = arith.xori %lt3A_24, %lt3A_26 : i1
    %and3A_28 = arith.andi %ne3A_27, %ne3A_23 : i1
    %add3A_29 = arith.addi %rem3A_21, %select_n3A_20 : i32
    %select_n3A_30 = arith.select %and3A_28, %add3A_29, %rem3A_21 : i32
    %mul3A_31 = arith.constant 1024 : i32
    %mul3A_32 = arith.muli %select_n3A_30, %mul3A_31 : i32
    "tpu.region"() ({
      %run_scoped3A = tpu.sem_alloc : memref<!tpu.dma_semaphore, #tpu.memory_space<semaphore_mem>>
      tpu.enqueue_dma source(%arg4 : memref<256xi32, #tpu.memory_space<hbm>>) target(%arg12 : memref<256xi32, #tpu.memory_space<vmem>>) target_semaphore(%run_scoped3A : memref<!tpu.dma_semaphore, #tpu.memory_space<semaphore_mem>>)
      tpu.wait_dma2 semaphore(%run_scoped3A : memref<!tpu.dma_semaphore, #tpu.memory_space<semaphore_mem>>) src(%arg4 : memref<256xi32, #tpu.memory_space<hbm>>) dst(%arg12 : memref<256xi32, #tpu.memory_space<vmem>>)
      tpu.yield
    }) : () -> ()
    %mul3A_33 = arith.constant 24 : i32
    %mul3A_34 = arith.muli %add3A, %mul3A_33 : i32
    "tpu.region"() ({
      %run_scoped3A = tpu.sem_alloc : memref<!tpu.dma_semaphore, #tpu.memory_space<semaphore_mem>>
      %dma_start3A_208 = arith.constant 0 : i32
      %dma_start3A_209 = tpu.memref_slice %arg3[%mul3A_34, %dma_start3A_208] : memref<768x128xi32, #tpu.memory_space<hbm>> -> memref<24x128xi32, #tpu.memory_space<hbm>>
      %dma_start3A_210 = arith.constant 0 : i32
      %dma_start3A_211 = tpu.memref_slice %arg3[%mul3A_34, %dma_start3A_210] : memref<768x128xi32, #tpu.memory_space<hbm>> -> memref<24x128xi32, #tpu.memory_space<hbm>>
      tpu.enqueue_dma source(%dma_start3A_211 : memref<24x128xi32, #tpu.memory_space<hbm>>) target(%arg6 : memref<24x128xi32, #tpu.memory_space<vmem>>) target_semaphore(%run_scoped3A : memref<!tpu.dma_semaphore, #tpu.memory_space<semaphore_mem>>)
      %dma_wait3A_212 = arith.constant 0 : i32
      %dma_wait3A_213 = tpu.memref_slice %arg3[%mul3A_34, %dma_wait3A_212] : memref<768x128xi32, #tpu.memory_space<hbm>> -> memref<24x128xi32, #tpu.memory_space<hbm>>
      %dma_wait3A_214 = arith.constant 0 : i32
      %dma_wait3A_215 = tpu.memref_slice %arg3[%mul3A_34, %dma_wait3A_214] : memref<768x128xi32, #tpu.memory_space<hbm>> -> memref<24x128xi32, #tpu.memory_space<hbm>>
      tpu.wait_dma2 semaphore(%run_scoped3A : memref<!tpu.dma_semaphore, #tpu.memory_space<semaphore_mem>>) src(%dma_wait3A_215 : memref<24x128xi32, #tpu.memory_space<hbm>>) dst(%arg6 : memref<24x128xi32, #tpu.memory_space<vmem>>)
      tpu.yield
    }) : () -> ()
    %iota3A = tpu.iota {dimensions = array<i32: 0>} : vector<16xi32>
    %mul3A_35 = arith.constant 3 : i32
    %mul3A_36 = vector.broadcast %mul3A_35 : i32 to vector<16xi32>
    %mul3A_37 = arith.muli %iota3A, %mul3A_36 : vector<16xi32>
    %mul3A_38 = arith.constant 0 : i32
    %mul3A_39 = vector.broadcast %mul3A_38 : i32 to vector<16xi32>
    %mul3A_40 = arith.muli %iota3A, %mul3A_39 : vector<16xi32>
    %add3A_41 = arith.constant 0 : i32
    %add3A_42 = vector.broadcast %add3A_41 : i32 to vector<16xi32>
    %add3A_43 = arith.addi %mul3A_37, %add3A_42 : vector<16xi32>
    %gather3A = tpu.vector_load_idx %arg6[%mul3A_40, %add3A_43] : memref<24x128xi32, #tpu.memory_space<vmem>>[vector<16xi32>, vector<16xi32>], vector<16xi32>,
    %swap3A = arith.constant 0 : index
    %swap3A_44 = tpu.vector_load %arg7[%swap3A] {strides = array<i32>} : memref<64xi32, #tpu.memory_space<vmem>>, vector<16xi32>,
    tpu.vector_store %arg7[%swap3A], %gather3A {strides = array<i32>} : memref<64xi32, #tpu.memory_space<vmem>>, vector<16xi32>,
    %add3A_45 = arith.constant 1 : i32
    %add3A_46 = vector.broadcast %add3A_45 : i32 to vector<16xi32>
    %add3A_47 = arith.addi %add3A_43, %add3A_46 : vector<16xi32>
    %gather3A_48 = tpu.vector_load_idx %arg6[%mul3A_40, %add3A_47] : memref<24x128xi32, #tpu.memory_space<vmem>>[vector<16xi32>, vector<16xi32>], vector<16xi32>,
    %swap3A_49 = arith.constant 0 : index
    %swap3A_50 = tpu.vector_load %arg8[%swap3A_49] {strides = array<i32>} : memref<64xi32, #tpu.memory_space<vmem>>, vector<16xi32>,
    tpu.vector_store %arg8[%swap3A_49], %gather3A_48 {strides = array<i32>} : memref<64xi32, #tpu.memory_space<vmem>>, vector<16xi32>,
    %add3A_51 = arith.constant 2 : i32
    %add3A_52 = vector.broadcast %add3A_51 : i32 to vector<16xi32>
    %add3A_53 = arith.addi %add3A_43, %add3A_52 : vector<16xi32>
    %gather3A_54 = tpu.vector_load_idx %arg6[%mul3A_40, %add3A_53] : memref<24x128xi32, #tpu.memory_space<vmem>>[vector<16xi32>, vector<16xi32>], vector<16xi32>,
    %swap3A_55 = arith.constant 0 : index
    %swap3A_56 = tpu.vector_load %arg9[%swap3A_55] {strides = array<i32>} : memref<64xi32, #tpu.memory_space<vmem>>, vector<16xi32>,
    tpu.vector_store %arg9[%swap3A_55], %gather3A_54 {strides = array<i32>} : memref<64xi32, #tpu.memory_space<vmem>>, vector<16xi32>,
    %add3A_57 = arith.constant 48 : i32
    %add3A_58 = vector.broadcast %add3A_57 : i32 to vector<16xi32>
    %add3A_59 = arith.addi %mul3A_37, %add3A_58 : vector<16xi32>
    %gather3A_60 = tpu.vector_load_idx %arg6[%mul3A_40, %add3A_59] : memref<24x128xi32, #tpu.memory_space<vmem>>[vector<16xi32>, vector<16xi32>], vector<16xi32>,
    %swap3A_61 = arith.constant 16 : index
    %swap3A_62 = tpu.vector_load %arg7[%swap3A_61] {strides = array<i32>} : memref<64xi32, #tpu.memory_space<vmem>>, vector<16xi32>,
    tpu.vector_store %arg7[%swap3A_61], %gather3A_60 {strides = array<i32>} : memref<64xi32, #tpu.memory_space<vmem>>, vector<16xi32>,
    %add3A_63 = arith.constant 1 : i32
    %add3A_64 = vector.broadcast %add3A_63 : i32 to vector<16xi32>
    %add3A_65 = arith.addi %add3A_59, %add3A_64 : vector<16xi32>
    %gather3A_66 = tpu.vector_load_idx %arg6[%mul3A_40, %add3A_65] : memref<24x128xi32, #tpu.memory_space<vmem>>[vector<16xi32>, vector<16xi32>], vector<16xi32>,
    %swap3A_67 = arith.constant 16 : index
    %swap3A_68 = tpu.vector_load %arg8[%swap3A_67] {strides = array<i32>} : memref<64xi32, #tpu.memory_space<vmem>>, vector<16xi32>,
    tpu.vector_store %arg8[%swap3A_67], %gather3A_66 {strides = array<i32>} : memref<64xi32, #tpu.memory_space<vmem>>, vector<16xi32>,
    %add3A_69 = arith.constant 2 : i32
    %add3A_70 = vector.broadcast %add3A_69 : i32 to vector<16xi32>
    %add3A_71 = arith.addi %add3A_59, %add3A_70 : vector<16xi32>
    %gather3A_72 = tpu.vector_load_idx %arg6[%mul3A_40, %add3A_71] : memref<24x128xi32, #tpu.memory_space<vmem>>[vector<16xi32>, vector<16xi32>], vector<16xi32>,
    %swap3A_73 = arith.constant 16 : index
    %swap3A_74 = tpu.vector_load %arg9[%swap3A_73] {strides = array<i32>} : memref<64xi32, #tpu.memory_space<vmem>>, vector<16xi32>,
    tpu.vector_store %arg9[%swap3A_73], %gather3A_72 {strides = array<i32>} : memref<64xi32, #tpu.memory_space<vmem>>, vector<16xi32>,
    %add3A_75 = arith.constant 96 : i32
    %add3A_76 = vector.broadcast %add3A_75 : i32 to vector<16xi32>
    %add3A_77 = arith.addi %mul3A_37, %add3A_76 : vector<16xi32>
    %gather3A_78 = tpu.vector_load_idx %arg6[%mul3A_40, %add3A_77] : memref<24x128xi32, #tpu.memory_space<vmem>>[vector<16xi32>, vector<16xi32>], vector<16xi32>,
    %swap3A_79 = arith.constant 32 : index
    %swap3A_80 = tpu.vector_load %arg7[%swap3A_79] {strides = array<i32>} : memref<64xi32, #tpu.memory_space<vmem>>, vector<16xi32>,
    tpu.vector_store %arg7[%swap3A_79], %gather3A_78 {strides = array<i32>} : memref<64xi32, #tpu.memory_space<vmem>>, vector<16xi32>,
    %add3A_81 = arith.constant 1 : i32
    %add3A_82 = vector.broadcast %add3A_81 : i32 to vector<16xi32>
    %add3A_83 = arith.addi %add3A_77, %add3A_82 : vector<16xi32>
    %gather3A_84 = tpu.vector_load_idx %arg6[%mul3A_40, %add3A_83] : memref<24x128xi32, #tpu.memory_space<vmem>>[vector<16xi32>, vector<16xi32>], vector<16xi32>,
    %swap3A_85 = arith.constant 32 : index
    %swap3A_86 = tpu.vector_load %arg8[%swap3A_85] {strides = array<i32>} : memref<64xi32, #tpu.memory_space<vmem>>, vector<16xi32>,
    tpu.vector_store %arg8[%swap3A_85], %gather3A_84 {strides = array<i32>} : memref<64xi32, #tpu.memory_space<vmem>>, vector<16xi32>,
    %add3A_87 = arith.constant 2 : i32
    %add3A_88 = vector.broadcast %add3A_87 : i32 to vector<16xi32>
    %add3A_89 = arith.addi %add3A_77, %add3A_88 : vector<16xi32>
    %gather3A_90 = tpu.vector_load_idx %arg6[%mul3A_40, %add3A_89] : memref<24x128xi32, #tpu.memory_space<vmem>>[vector<16xi32>, vector<16xi32>], vector<16xi32>,
    %swap3A_91 = arith.constant 32 : index
    %swap3A_92 = tpu.vector_load %arg9[%swap3A_91] {strides = array<i32>} : memref<64xi32, #tpu.memory_space<vmem>>, vector<16xi32>,
    tpu.vector_store %arg9[%swap3A_91], %gather3A_90 {strides = array<i32>} : memref<64xi32, #tpu.memory_space<vmem>>, vector<16xi32>,
    %add3A_93 = arith.constant 144 : i32
    %add3A_94 = vector.broadcast %add3A_93 : i32 to vector<16xi32>
    %add3A_95 = arith.addi %mul3A_37, %add3A_94 : vector<16xi32>
    %gather3A_96 = tpu.vector_load_idx %arg6[%mul3A_40, %add3A_95] : memref<24x128xi32, #tpu.memory_space<vmem>>[vector<16xi32>, vector<16xi32>], vector<16xi32>,
    %swap3A_97 = arith.constant 48 : index
    %swap3A_98 = tpu.vector_load %arg7[%swap3A_97] {strides = array<i32>} : memref<64xi32, #tpu.memory_space<vmem>>, vector<16xi32>,
    tpu.vector_store %arg7[%swap3A_97], %gather3A_96 {strides = array<i32>} : memref<64xi32, #tpu.memory_space<vmem>>, vector<16xi32>,
    %add3A_99 = arith.constant 1 : i32
    %add3A_100 = vector.broadcast %add3A_99 : i32 to vector<16xi32>
    %add3A_101 = arith.addi %add3A_95, %add3A_100 : vector<16xi32>
    %gather3A_102 = tpu.vector_load_idx %arg6[%mul3A_40, %add3A_101] : memref<24x128xi32, #tpu.memory_space<vmem>>[vector<16xi32>, vector<16xi32>], vector<16xi32>,
    %swap3A_103 = arith.constant 48 : index
    %swap3A_104 = tpu.vector_load %arg8[%swap3A_103] {strides = array<i32>} : memref<64xi32, #tpu.memory_space<vmem>>, vector<16xi32>,
    tpu.vector_store %arg8[%swap3A_103], %gather3A_102 {strides = array<i32>} : memref<64xi32, #tpu.memory_space<vmem>>, vector<16xi32>,
    %add3A_105 = arith.constant 2 : i32
    %add3A_106 = vector.broadcast %add3A_105 : i32 to vector<16xi32>
    %add3A_107 = arith.addi %add3A_95, %add3A_106 : vector<16xi32>
    %gather3A_108 = tpu.vector_load_idx %arg6[%mul3A_40, %add3A_107] : memref<24x128xi32, #tpu.memory_space<vmem>>[vector<16xi32>, vector<16xi32>], vector<16xi32>,
    %swap3A_109 = arith.constant 48 : index
    %swap3A_110 = tpu.vector_load %arg9[%swap3A_109] {strides = array<i32>} : memref<64xi32, #tpu.memory_space<vmem>>, vector<16xi32>,
    tpu.vector_store %arg9[%swap3A_109], %gather3A_108 {strides = array<i32>} : memref<64xi32, #tpu.memory_space<vmem>>, vector<16xi32>,
    %dma_start3A = arith.constant 0 : i32
    %dma_start3A_111 = arith.constant 0 : i32
    %dma_start3A_112 = tpu.memref_slice %arg10[%dma_start3A, %dma_start3A_111] : memref<384x128xf32, #tpu.memory_space<vmem>> -> memref<64x128xf32, #tpu.memory_space<vmem>>
    %dma_start3A_113 = arith.constant 0 : i32
    %dma_start3A_114 = arith.constant 0 : i32
    %dma_start3A_115 = tpu.memref_slice %arg2[%dma_start3A_113, %dma_start3A_114] : memref<8192x128xf32, #tpu.memory_space<hbm>> -> memref<8192x128xf32, #tpu.memory_space<hbm>>
    tpu.enqueue_indirect_dma source(%dma_start3A_115 : memref<8192x128xf32, #tpu.memory_space<hbm>>) target(%dma_start3A_112 : memref<64x128xf32, #tpu.memory_space<vmem>>) offsets(%arg7 : memref<64xi32, #tpu.memory_space<vmem>>) semaphore(%arg13 : memref<!tpu.dma_semaphore, #tpu.memory_space<semaphore_mem>>)
    %dma_start3A_116 = arith.constant 64 : i32
    %dma_start3A_117 = arith.constant 0 : i32
    %dma_start3A_118 = tpu.memref_slice %arg10[%dma_start3A_116, %dma_start3A_117] : memref<384x128xf32, #tpu.memory_space<vmem>> -> memref<64x128xf32, #tpu.memory_space<vmem>>
    %dma_start3A_119 = arith.constant 0 : i32
    %dma_start3A_120 = arith.constant 0 : i32
    %dma_start3A_121 = tpu.memref_slice %arg2[%dma_start3A_119, %dma_start3A_120] : memref<8192x128xf32, #tpu.memory_space<hbm>> -> memref<8192x128xf32, #tpu.memory_space<hbm>>
    tpu.enqueue_indirect_dma source(%dma_start3A_121 : memref<8192x128xf32, #tpu.memory_space<hbm>>) target(%dma_start3A_118 : memref<64x128xf32, #tpu.memory_space<vmem>>) offsets(%arg8 : memref<64xi32, #tpu.memory_space<vmem>>) semaphore(%arg13 : memref<!tpu.dma_semaphore, #tpu.memory_space<semaphore_mem>>)
    %dma_start3A_122 = arith.constant 128 : i32
    %dma_start3A_123 = arith.constant 0 : i32
    %dma_start3A_124 = tpu.memref_slice %arg10[%dma_start3A_122, %dma_start3A_123] : memref<384x128xf32, #tpu.memory_space<vmem>> -> memref<64x128xf32, #tpu.memory_space<vmem>>
    %dma_start3A_125 = arith.constant 0 : i32
    %dma_start3A_126 = arith.constant 0 : i32
    %dma_start3A_127 = tpu.memref_slice %arg2[%dma_start3A_125, %dma_start3A_126] : memref<8192x128xf32, #tpu.memory_space<hbm>> -> memref<8192x128xf32, #tpu.memory_space<hbm>>
    tpu.enqueue_indirect_dma source(%dma_start3A_127 : memref<8192x128xf32, #tpu.memory_space<hbm>>) target(%dma_start3A_124 : memref<64x128xf32, #tpu.memory_space<vmem>>) offsets(%arg9 : memref<64xi32, #tpu.memory_space<vmem>>) semaphore(%arg13 : memref<!tpu.dma_semaphore, #tpu.memory_space<semaphore_mem>>)
    %scan3A = arith.constant 0 : i32
    %scan3A_128 = arith.constant 0 : i32
    %scan3A_129 = arith.constant 8 : i32
    %scan3A_130 = arith.addi %scan3A_128, %scan3A_129 : i32
    %scan3A_131 = arith.constant 1 : i32
    scf.for %scan3A_208 = %scan3A_128 to %scan3A_130 step %scan3A_131  : i32 {
      %mul3A_209 = arith.constant 2 : i32
      %mul3A_210 = arith.muli %scan3A_208, %mul3A_209 : i32
      %add3A_211 = arith.constant 0 : i32
      %add3A_212 = arith.addi %mul3A_210, %add3A_211 : i32
      %mul3A_213 = arith.constant 64 : i32
      %mul3A_214 = arith.muli %add3A_212, %mul3A_213 : i32
      %add3A_215 = arith.addi %mul3A_32, %mul3A_214 : i32
      %dma_wait3A_216 = arith.constant 0 : i32
      %dma_wait3A_217 = arith.constant 0 : i32
      %dma_wait3A_218 = tpu.memref_slice %arg10[%dma_wait3A_216, %dma_wait3A_217] : memref<384x128xf32, #tpu.memory_space<vmem>> -> memref<64x128xf32, #tpu.memory_space<vmem>>
      %dma_wait3A_219 = arith.constant 0 : i32
      %dma_wait3A_220 = arith.constant 0 : i32
      %dma_wait3A_221 = tpu.memref_slice %arg2[%dma_wait3A_219, %dma_wait3A_220] : memref<8192x128xf32, #tpu.memory_space<hbm>> -> memref<8192x128xf32, #tpu.memory_space<hbm>>
      tpu.wait_indirect_dma semaphore(%arg13 : memref<!tpu.dma_semaphore, #tpu.memory_space<semaphore_mem>>) src(%dma_wait3A_221 : memref<8192x128xf32, #tpu.memory_space<hbm>>) dst(%dma_wait3A_218 : memref<64x128xf32, #tpu.memory_space<vmem>>)
      %dma_wait3A_222 = arith.constant 64 : i32
      %dma_wait3A_223 = arith.constant 0 : i32
      %dma_wait3A_224 = tpu.memref_slice %arg10[%dma_wait3A_222, %dma_wait3A_223] : memref<384x128xf32, #tpu.memory_space<vmem>> -> memref<64x128xf32, #tpu.memory_space<vmem>>
      %dma_wait3A_225 = arith.constant 0 : i32
      %dma_wait3A_226 = arith.constant 0 : i32
      %dma_wait3A_227 = tpu.memref_slice %arg2[%dma_wait3A_225, %dma_wait3A_226] : memref<8192x128xf32, #tpu.memory_space<hbm>> -> memref<8192x128xf32, #tpu.memory_space<hbm>>
      tpu.wait_indirect_dma semaphore(%arg13 : memref<!tpu.dma_semaphore, #tpu.memory_space<semaphore_mem>>) src(%dma_wait3A_227 : memref<8192x128xf32, #tpu.memory_space<hbm>>) dst(%dma_wait3A_224 : memref<64x128xf32, #tpu.memory_space<vmem>>)
      %dma_wait3A_228 = arith.constant 128 : i32
      %dma_wait3A_229 = arith.constant 0 : i32
      %dma_wait3A_230 = tpu.memref_slice %arg10[%dma_wait3A_228, %dma_wait3A_229] : memref<384x128xf32, #tpu.memory_space<vmem>> -> memref<64x128xf32, #tpu.memory_space<vmem>>
      %dma_wait3A_231 = arith.constant 0 : i32
      %dma_wait3A_232 = arith.constant 0 : i32
      %dma_wait3A_233 = tpu.memref_slice %arg2[%dma_wait3A_231, %dma_wait3A_232] : memref<8192x128xf32, #tpu.memory_space<hbm>> -> memref<8192x128xf32, #tpu.memory_space<hbm>>
      tpu.wait_indirect_dma semaphore(%arg13 : memref<!tpu.dma_semaphore, #tpu.memory_space<semaphore_mem>>) src(%dma_wait3A_233 : memref<8192x128xf32, #tpu.memory_space<hbm>>) dst(%dma_wait3A_230 : memref<64x128xf32, #tpu.memory_space<vmem>>)
      %add3A_234 = arith.constant 1 : i32
      %add3A_235 = arith.addi %add3A_212, %add3A_234 : i32
      %lt3A_236 = arith.constant 16 : i32
      %lt3A_237 = arith.cmpi slt, %add3A_235, %lt3A_236 : i32
      %convert_element_type3A = arith.extui %lt3A_237 : i1 to i32
      %cond3A = arith.constant 0 : i32
      %cond3A_238 = arith.cmpi ne, %convert_element_type3A, %cond3A : i32
      scf.if %cond3A_238 {
        %add3A_518 = arith.constant 1 : i32
        %add3A_519 = arith.addi %add3A_212, %add3A_518 : i32
        %mul3A_520 = arith.constant 192 : i32
        %mul3A_521 = arith.muli %add3A_519, %mul3A_520 : i32
        %add3A_522 = arith.constant 0 : i32
        %add3A_523 = arith.addi %mul3A_521, %add3A_522 : i32
        %add3A_524 = vector.broadcast %add3A_523 : i32 to vector<16xi32>
        %add3A_525 = arith.addi %mul3A_37, %add3A_524 : vector<16xi32>
        %gather3A_526 = tpu.vector_load_idx %arg6[%mul3A_40, %add3A_525] : memref<24x128xi32, #tpu.memory_space<vmem>>[vector<16xi32>, vector<16xi32>], vector<16xi32>,
        %swap3A_527 = arith.constant 0 : index
        %swap3A_528 = tpu.vector_load %arg7[%swap3A_527] {strides = array<i32>} : memref<64xi32, #tpu.memory_space<vmem>>, vector<16xi32>,
        tpu.vector_store %arg7[%swap3A_527], %gather3A_526 {strides = array<i32>} : memref<64xi32, #tpu.memory_space<vmem>>, vector<16xi32>,
        %add3A_529 = arith.constant 1 : i32
        %add3A_530 = vector.broadcast %add3A_529 : i32 to vector<16xi32>
        %add3A_531 = arith.addi %add3A_525, %add3A_530 : vector<16xi32>
        %gather3A_532 = tpu.vector_load_idx %arg6[%mul3A_40, %add3A_531] : memref<24x128xi32, #tpu.memory_space<vmem>>[vector<16xi32>, vector<16xi32>], vector<16xi32>,
        %swap3A_533 = arith.constant 0 : index
        %swap3A_534 = tpu.vector_load %arg8[%swap3A_533] {strides = array<i32>} : memref<64xi32, #tpu.memory_space<vmem>>, vector<16xi32>,
        tpu.vector_store %arg8[%swap3A_533], %gather3A_532 {strides = array<i32>} : memref<64xi32, #tpu.memory_space<vmem>>, vector<16xi32>,
        %add3A_535 = arith.constant 2 : i32
        %add3A_536 = vector.broadcast %add3A_535 : i32 to vector<16xi32>
        %add3A_537 = arith.addi %add3A_525, %add3A_536 : vector<16xi32>
        %gather3A_538 = tpu.vector_load_idx %arg6[%mul3A_40, %add3A_537] : memref<24x128xi32, #tpu.memory_space<vmem>>[vector<16xi32>, vector<16xi32>], vector<16xi32>,
        %swap3A_539 = arith.constant 0 : index
        %swap3A_540 = tpu.vector_load %arg9[%swap3A_539] {strides = array<i32>} : memref<64xi32, #tpu.memory_space<vmem>>, vector<16xi32>,
        tpu.vector_store %arg9[%swap3A_539], %gather3A_538 {strides = array<i32>} : memref<64xi32, #tpu.memory_space<vmem>>, vector<16xi32>,
        %add3A_541 = arith.constant 48 : i32
        %add3A_542 = arith.addi %mul3A_521, %add3A_541 : i32
        %add3A_543 = vector.broadcast %add3A_542 : i32 to vector<16xi32>
        %add3A_544 = arith.addi %mul3A_37, %add3A_543 : vector<16xi32>
        %gather3A_545 = tpu.vector_load_idx %arg6[%mul3A_40, %add3A_544] : memref<24x128xi32, #tpu.memory_space<vmem>>[vector<16xi32>, vector<16xi32>], vector<16xi32>,
        %swap3A_546 = arith.constant 16 : index
        %swap3A_547 = tpu.vector_load %arg7[%swap3A_546] {strides = array<i32>} : memref<64xi32, #tpu.memory_space<vmem>>, vector<16xi32>,
        tpu.vector_store %arg7[%swap3A_546], %gather3A_545 {strides = array<i32>} : memref<64xi32, #tpu.memory_space<vmem>>, vector<16xi32>,
        %add3A_548 = arith.constant 1 : i32
        %add3A_549 = vector.broadcast %add3A_548 : i32 to vector<16xi32>
        %add3A_550 = arith.addi %add3A_544, %add3A_549 : vector<16xi32>
        %gather3A_551 = tpu.vector_load_idx %arg6[%mul3A_40, %add3A_550] : memref<24x128xi32, #tpu.memory_space<vmem>>[vector<16xi32>, vector<16xi32>], vector<16xi32>,
        %swap3A_552 = arith.constant 16 : index
        %swap3A_553 = tpu.vector_load %arg8[%swap3A_552] {strides = array<i32>} : memref<64xi32, #tpu.memory_space<vmem>>, vector<16xi32>,
        tpu.vector_store %arg8[%swap3A_552], %gather3A_551 {strides = array<i32>} : memref<64xi32, #tpu.memory_space<vmem>>, vector<16xi32>,
        %add3A_554 = arith.constant 2 : i32
        %add3A_555 = vector.broadcast %add3A_554 : i32 to vector<16xi32>
        %add3A_556 = arith.addi %add3A_544, %add3A_555 : vector<16xi32>
        %gather3A_557 = tpu.vector_load_idx %arg6[%mul3A_40, %add3A_556] : memref<24x128xi32, #tpu.memory_space<vmem>>[vector<16xi32>, vector<16xi32>], vector<16xi32>,
        %swap3A_558 = arith.constant 16 : index
        %swap3A_559 = tpu.vector_load %arg9[%swap3A_558] {strides = array<i32>} : memref<64xi32, #tpu.memory_space<vmem>>, vector<16xi32>,
        tpu.vector_store %arg9[%swap3A_558], %gather3A_557 {strides = array<i32>} : memref<64xi32, #tpu.memory_space<vmem>>, vector<16xi32>,
        %add3A_560 = arith.constant 96 : i32
        %add3A_561 = arith.addi %mul3A_521, %add3A_560 : i32
        %add3A_562 = vector.broadcast %add3A_561 : i32 to vector<16xi32>
        %add3A_563 = arith.addi %mul3A_37, %add3A_562 : vector<16xi32>
        %gather3A_564 = tpu.vector_load_idx %arg6[%mul3A_40, %add3A_563] : memref<24x128xi32, #tpu.memory_space<vmem>>[vector<16xi32>, vector<16xi32>], vector<16xi32>,
        %swap3A_565 = arith.constant 32 : index
        %swap3A_566 = tpu.vector_load %arg7[%swap3A_565] {strides = array<i32>} : memref<64xi32, #tpu.memory_space<vmem>>, vector<16xi32>,
        tpu.vector_store %arg7[%swap3A_565], %gather3A_564 {strides = array<i32>} : memref<64xi32, #tpu.memory_space<vmem>>, vector<16xi32>,
        %add3A_567 = arith.constant 1 : i32
        %add3A_568 = vector.broadcast %add3A_567 : i32 to vector<16xi32>
        %add3A_569 = arith.addi %add3A_563, %add3A_568 : vector<16xi32>
        %gather3A_570 = tpu.vector_load_idx %arg6[%mul3A_40, %add3A_569] : memref<24x128xi32, #tpu.memory_space<vmem>>[vector<16xi32>, vector<16xi32>], vector<16xi32>,
        %swap3A_571 = arith.constant 32 : index
        %swap3A_572 = tpu.vector_load %arg8[%swap3A_571] {strides = array<i32>} : memref<64xi32, #tpu.memory_space<vmem>>, vector<16xi32>,
        tpu.vector_store %arg8[%swap3A_571], %gather3A_570 {strides = array<i32>} : memref<64xi32, #tpu.memory_space<vmem>>, vector<16xi32>,
        %add3A_573 = arith.constant 2 : i32
        %add3A_574 = vector.broadcast %add3A_573 : i32 to vector<16xi32>
        %add3A_575 = arith.addi %add3A_563, %add3A_574 : vector<16xi32>
        %gather3A_576 = tpu.vector_load_idx %arg6[%mul3A_40, %add3A_575] : memref<24x128xi32, #tpu.memory_space<vmem>>[vector<16xi32>, vector<16xi32>], vector<16xi32>,
        %swap3A_577 = arith.constant 32 : index
        %swap3A_578 = tpu.vector_load %arg9[%swap3A_577] {strides = array<i32>} : memref<64xi32, #tpu.memory_space<vmem>>, vector<16xi32>,
        tpu.vector_store %arg9[%swap3A_577], %gather3A_576 {strides = array<i32>} : memref<64xi32, #tpu.memory_space<vmem>>, vector<16xi32>,
        %add3A_579 = arith.constant 144 : i32
        %add3A_580 = arith.addi %mul3A_521, %add3A_579 : i32
        %add3A_581 = vector.broadcast %add3A_580 : i32 to vector<16xi32>
        %add3A_582 = arith.addi %mul3A_37, %add3A_581 : vector<16xi32>
        %gather3A_583 = tpu.vector_load_idx %arg6[%mul3A_40, %add3A_582] : memref<24x128xi32, #tpu.memory_space<vmem>>[vector<16xi32>, vector<16xi32>], vector<16xi32>,
        %swap3A_584 = arith.constant 48 : index
        %swap3A_585 = tpu.vector_load %arg7[%swap3A_584] {strides = array<i32>} : memref<64xi32, #tpu.memory_space<vmem>>, vector<16xi32>,
        tpu.vector_store %arg7[%swap3A_584], %gather3A_583 {strides = array<i32>} : memref<64xi32, #tpu.memory_space<vmem>>, vector<16xi32>,
        %add3A_586 = arith.constant 1 : i32
        %add3A_587 = vector.broadcast %add3A_586 : i32 to vector<16xi32>
        %add3A_588 = arith.addi %add3A_582, %add3A_587 : vector<16xi32>
        %gather3A_589 = tpu.vector_load_idx %arg6[%mul3A_40, %add3A_588] : memref<24x128xi32, #tpu.memory_space<vmem>>[vector<16xi32>, vector<16xi32>], vector<16xi32>,
        %swap3A_590 = arith.constant 48 : index
        %swap3A_591 = tpu.vector_load %arg8[%swap3A_590] {strides = array<i32>} : memref<64xi32, #tpu.memory_space<vmem>>, vector<16xi32>,
        tpu.vector_store %arg8[%swap3A_590], %gather3A_589 {strides = array<i32>} : memref<64xi32, #tpu.memory_space<vmem>>, vector<16xi32>,
        %add3A_592 = arith.constant 2 : i32
        %add3A_593 = vector.broadcast %add3A_592 : i32 to vector<16xi32>
        %add3A_594 = arith.addi %add3A_582, %add3A_593 : vector<16xi32>
        %gather3A_595 = tpu.vector_load_idx %arg6[%mul3A_40, %add3A_594] : memref<24x128xi32, #tpu.memory_space<vmem>>[vector<16xi32>, vector<16xi32>], vector<16xi32>,
        %swap3A_596 = arith.constant 48 : index
        %swap3A_597 = tpu.vector_load %arg9[%swap3A_596] {strides = array<i32>} : memref<64xi32, #tpu.memory_space<vmem>>, vector<16xi32>,
        tpu.vector_store %arg9[%swap3A_596], %gather3A_595 {strides = array<i32>} : memref<64xi32, #tpu.memory_space<vmem>>, vector<16xi32>,
        %dma_start3A_598 = arith.constant 192 : i32
        %dma_start3A_599 = arith.constant 0 : i32
        %dma_start3A_600 = tpu.memref_slice %arg10[%dma_start3A_598, %dma_start3A_599] : memref<384x128xf32, #tpu.memory_space<vmem>> -> memref<64x128xf32, #tpu.memory_space<vmem>>
        %dma_start3A_601 = arith.constant 0 : i32
        %dma_start3A_602 = arith.constant 0 : i32
        %dma_start3A_603 = tpu.memref_slice %arg2[%dma_start3A_601, %dma_start3A_602] : memref<8192x128xf32, #tpu.memory_space<hbm>> -> memref<8192x128xf32, #tpu.memory_space<hbm>>
        tpu.enqueue_indirect_dma source(%dma_start3A_603 : memref<8192x128xf32, #tpu.memory_space<hbm>>) target(%dma_start3A_600 : memref<64x128xf32, #tpu.memory_space<vmem>>) offsets(%arg7 : memref<64xi32, #tpu.memory_space<vmem>>) semaphore(%arg14 : memref<!tpu.dma_semaphore, #tpu.memory_space<semaphore_mem>>)
        %dma_start3A_604 = arith.constant 256 : i32
        %dma_start3A_605 = arith.constant 0 : i32
        %dma_start3A_606 = tpu.memref_slice %arg10[%dma_start3A_604, %dma_start3A_605] : memref<384x128xf32, #tpu.memory_space<vmem>> -> memref<64x128xf32, #tpu.memory_space<vmem>>
        %dma_start3A_607 = arith.constant 0 : i32
        %dma_start3A_608 = arith.constant 0 : i32
        %dma_start3A_609 = tpu.memref_slice %arg2[%dma_start3A_607, %dma_start3A_608] : memref<8192x128xf32, #tpu.memory_space<hbm>> -> memref<8192x128xf32, #tpu.memory_space<hbm>>
        tpu.enqueue_indirect_dma source(%dma_start3A_609 : memref<8192x128xf32, #tpu.memory_space<hbm>>) target(%dma_start3A_606 : memref<64x128xf32, #tpu.memory_space<vmem>>) offsets(%arg8 : memref<64xi32, #tpu.memory_space<vmem>>) semaphore(%arg14 : memref<!tpu.dma_semaphore, #tpu.memory_space<semaphore_mem>>)
        %dma_start3A_610 = arith.constant 320 : i32
        %dma_start3A_611 = arith.constant 0 : i32
        %dma_start3A_612 = tpu.memref_slice %arg10[%dma_start3A_610, %dma_start3A_611] : memref<384x128xf32, #tpu.memory_space<vmem>> -> memref<64x128xf32, #tpu.memory_space<vmem>>
        %dma_start3A_613 = arith.constant 0 : i32
        %dma_start3A_614 = arith.constant 0 : i32
        %dma_start3A_615 = tpu.memref_slice %arg2[%dma_start3A_613, %dma_start3A_614] : memref<8192x128xf32, #tpu.memory_space<hbm>> -> memref<8192x128xf32, #tpu.memory_space<hbm>>
        tpu.enqueue_indirect_dma source(%dma_start3A_615 : memref<8192x128xf32, #tpu.memory_space<hbm>>) target(%dma_start3A_612 : memref<64x128xf32, #tpu.memory_space<vmem>>) offsets(%arg9 : memref<64xi32, #tpu.memory_space<vmem>>) semaphore(%arg14 : memref<!tpu.dma_semaphore, #tpu.memory_space<semaphore_mem>>)
      } else {
      }
      %gt3A = arith.constant 0 : i32
      %gt3A_239 = arith.cmpi sgt, %scan3A_208, %gt3A : i32
      %convert_element_type3A_240 = arith.extui %gt3A_239 : i1 to i32
      %cond3A_241 = arith.constant 0 : i32
      %cond3A_242 = arith.cmpi ne, %convert_element_type3A_240, %cond3A_241 : i32
      scf.if %cond3A_242 {
        %dma_wait3A_518 = arith.constant 0 : i32
        %dma_wait3A_519 = arith.constant 0 : i32
        %dma_wait3A_520 = arith.constant 0 : i32
        %dma_wait3A_521 = arith.constant 0 : i32
        %dma_wait3A_522 = arith.constant 0 : i32
        %dma_wait3A_523 = tpu.memref_slice %arg11[%dma_wait3A_518, %dma_wait3A_519, %dma_wait3A_521, %dma_wait3A_522] : memref<2x2x64x128xf32, #tpu.memory_space<vmem>> -> memref<1x1x64x128xf32, #tpu.memory_space<vmem>>
        %dma_wait3A_524 = tpu.memref_squeeze %dma_wait3A_523 : memref<1x1x64x128xf32, #tpu.memory_space<vmem>> -> memref<64x128xf32, #tpu.memory_space<vmem>>
        %dma_wait3A_525 = arith.constant 0 : i32
        %dma_wait3A_526 = tpu.memref_slice %arg5[%select_n3A, %add3A_215, %dma_wait3A_520, %dma_wait3A_525] : memref<8x8192x1x128xf32, #tpu.memory_space<hbm>> -> memref<1x64x1x128xf32, #tpu.memory_space<hbm>>
        %dma_wait3A_527 = tpu.memref_squeeze %dma_wait3A_526 : memref<1x64x1x128xf32, #tpu.memory_space<hbm>> -> memref<64x128xf32, #tpu.memory_space<hbm>>
        %dma_wait3A_528 = arith.constant 0 : i32
        %dma_wait3A_529 = tpu.memref_slice %arg5[%select_n3A, %add3A_215, %dma_wait3A_520, %dma_wait3A_528] : memref<8x8192x1x128xf32, #tpu.memory_space<hbm>> -> memref<1x64x1x128xf32, #tpu.memory_space<hbm>>
        %dma_wait3A_530 = tpu.memref_squeeze %dma_wait3A_529 : memref<1x64x1x128xf32, #tpu.memory_space<hbm>> -> memref<64x128xf32, #tpu.memory_space<hbm>>
        %dma_wait3A_531 = arith.constant 0 : i32
        %dma_wait3A_532 = arith.constant 0 : i32
        %dma_wait3A_533 = tpu.memref_slice %arg11[%dma_wait3A_518, %dma_wait3A_519, %dma_wait3A_531, %dma_wait3A_532] : memref<2x2x64x128xf32, #tpu.memory_space<vmem>> -> memref<1x1x64x128xf32, #tpu.memory_space<vmem>>
        %dma_wait3A_534 = tpu.memref_squeeze %dma_wait3A_533 : memref<1x1x64x128xf32, #tpu.memory_space<vmem>> -> memref<64x128xf32, #tpu.memory_space<vmem>>
        tpu.wait_dma2 semaphore(%arg15 : memref<!tpu.dma_semaphore, #tpu.memory_space<semaphore_mem>>) src(%dma_wait3A_534 : memref<64x128xf32, #tpu.memory_space<vmem>>) dst(%dma_wait3A_530 : memref<64x128xf32, #tpu.memory_space<hbm>>)
        %add3A_535 = arith.constant 4 : i32
        %add3A_536 = arith.addi %select_n3A, %add3A_535 : i32
        %dma_wait3A_537 = arith.constant 0 : i32
        %dma_wait3A_538 = arith.constant 1 : i32
        %dma_wait3A_539 = arith.constant 0 : i32
        %dma_wait3A_540 = arith.constant 0 : i32
        %dma_wait3A_541 = arith.constant 0 : i32
        %dma_wait3A_542 = tpu.memref_slice %arg11[%dma_wait3A_537, %dma_wait3A_538, %dma_wait3A_540, %dma_wait3A_541] : memref<2x2x64x128xf32, #tpu.memory_space<vmem>> -> memref<1x1x64x128xf32, #tpu.memory_space<vmem>>
        %dma_wait3A_543 = tpu.memref_squeeze %dma_wait3A_542 : memref<1x1x64x128xf32, #tpu.memory_space<vmem>> -> memref<64x128xf32, #tpu.memory_space<vmem>>
        %dma_wait3A_544 = arith.constant 0 : i32
        %dma_wait3A_545 = tpu.memref_slice %arg5[%add3A_536, %add3A_215, %dma_wait3A_539, %dma_wait3A_544] : memref<8x8192x1x128xf32, #tpu.memory_space<hbm>> -> memref<1x64x1x128xf32, #tpu.memory_space<hbm>>
        %dma_wait3A_546 = tpu.memref_squeeze %dma_wait3A_545 : memref<1x64x1x128xf32, #tpu.memory_space<hbm>> -> memref<64x128xf32, #tpu.memory_space<hbm>>
        %dma_wait3A_547 = arith.constant 0 : i32
        %dma_wait3A_548 = tpu.memref_slice %arg5[%add3A_536, %add3A_215, %dma_wait3A_539, %dma_wait3A_547] : memref<8x8192x1x128xf32, #tpu.memory_space<hbm>> -> memref<1x64x1x128xf32, #tpu.memory_space<hbm>>
        %dma_wait3A_549 = tpu.memref_squeeze %dma_wait3A_548 : memref<1x64x1x128xf32, #tpu.memory_space<hbm>> -> memref<64x128xf32, #tpu.memory_space<hbm>>
        %dma_wait3A_550 = arith.constant 0 : i32
        %dma_wait3A_551 = arith.constant 0 : i32
        %dma_wait3A_552 = tpu.memref_slice %arg11[%dma_wait3A_537, %dma_wait3A_538, %dma_wait3A_550, %dma_wait3A_551] : memref<2x2x64x128xf32, #tpu.memory_space<vmem>> -> memref<1x1x64x128xf32, #tpu.memory_space<vmem>>
        %dma_wait3A_553 = tpu.memref_squeeze %dma_wait3A_552 : memref<1x1x64x128xf32, #tpu.memory_space<vmem>> -> memref<64x128xf32, #tpu.memory_space<vmem>>
        tpu.wait_dma2 semaphore(%arg15 : memref<!tpu.dma_semaphore, #tpu.memory_space<semaphore_mem>>) src(%dma_wait3A_553 : memref<64x128xf32, #tpu.memory_space<vmem>>) dst(%dma_wait3A_549 : memref<64x128xf32, #tpu.memory_space<hbm>>)
      } else {
      }
      %get3A = arith.constant 0 : index
      %get3A_243 = tpu.vector_load %arg12[%get3A] {strides = array<i32>} : memref<256xi32, #tpu.memory_space<vmem>>, vector<16xi32>,
      %add3A_244 = arith.constant 0 : i32
      %add3A_245 = vector.broadcast %add3A_244 : i32 to vector<16xi32>
      %add3A_246 = arith.addi %get3A_243, %add3A_245 : vector<16xi32>
      %get3A_247 = arith.constant 16 : index
      %get3A_248 = tpu.vector_load %arg12[%get3A_247] {strides = array<i32>} : memref<256xi32, #tpu.memory_space<vmem>>, vector<16xi32>,
      %add3A_249 = arith.constant 0 : i32
      %add3A_250 = vector.broadcast %add3A_249 : i32 to vector<16xi32>
      %add3A_251 = arith.addi %get3A_248, %add3A_250 : vector<16xi32>
      %get3A_252 = arith.constant 32 : index
      %get3A_253 = tpu.vector_load %arg12[%get3A_252] {strides = array<i32>} : memref<256xi32, #tpu.memory_space<vmem>>, vector<16xi32>,
      %add3A_254 = arith.constant 0 : i32
      %add3A_255 = vector.broadcast %add3A_254 : i32 to vector<16xi32>
      %add3A_256 = arith.addi %get3A_253, %add3A_255 : vector<16xi32>
      %get3A_257 = arith.constant 48 : index
      %get3A_258 = tpu.vector_load %arg12[%get3A_257] {strides = array<i32>} : memref<256xi32, #tpu.memory_space<vmem>>, vector<16xi32>,
      %add3A_259 = arith.constant 0 : i32
      %add3A_260 = vector.broadcast %add3A_259 : i32 to vector<16xi32>
      %add3A_261 = arith.addi %get3A_258, %add3A_260 : vector<16xi32>
      %get3A_262 = arith.constant 64 : index
      %get3A_263 = tpu.vector_load %arg12[%get3A_262] {strides = array<i32>} : memref<256xi32, #tpu.memory_space<vmem>>, vector<16xi32>,
      %add3A_264 = arith.constant 0 : i32
      %add3A_265 = vector.broadcast %add3A_264 : i32 to vector<16xi32>
      %add3A_266 = arith.addi %get3A_263, %add3A_265 : vector<16xi32>
      %get3A_267 = arith.constant 80 : index
      %get3A_268 = tpu.vector_load %arg12[%get3A_267] {strides = array<i32>} : memref<256xi32, #tpu.memory_space<vmem>>, vector<16xi32>,
      %add3A_269 = arith.constant 0 : i32
      %add3A_270 = vector.broadcast %add3A_269 : i32 to vector<16xi32>
      %add3A_271 = arith.addi %get3A_268, %add3A_270 : vector<16xi32>
      %get3A_272 = arith.constant 96 : index
      %get3A_273 = tpu.vector_load %arg12[%get3A_272] {strides = array<i32>} : memref<256xi32, #tpu.memory_space<vmem>>, vector<16xi32>,
      %add3A_274 = arith.constant 0 : i32
      %add3A_275 = vector.broadcast %add3A_274 : i32 to vector<16xi32>
      %add3A_276 = arith.addi %get3A_273, %add3A_275 : vector<16xi32>
      %get3A_277 = arith.constant 112 : index
      %get3A_278 = tpu.vector_load %arg12[%get3A_277] {strides = array<i32>} : memref<256xi32, #tpu.memory_space<vmem>>, vector<16xi32>,
      %add3A_279 = arith.constant 0 : i32
      %add3A_280 = vector.broadcast %add3A_279 : i32 to vector<16xi32>
      %add3A_281 = arith.addi %get3A_278, %add3A_280 : vector<16xi32>
      %get3A_282 = arith.constant 128 : index
      %get3A_283 = tpu.vector_load %arg12[%get3A_282] {strides = array<i32>} : memref<256xi32, #tpu.memory_space<vmem>>, vector<16xi32>,
      %add3A_284 = arith.constant 0 : i32
      %add3A_285 = vector.broadcast %add3A_284 : i32 to vector<16xi32>
      %add3A_286 = arith.addi %get3A_283, %add3A_285 : vector<16xi32>
      %get3A_287 = arith.constant 144 : index
      %get3A_288 = tpu.vector_load %arg12[%get3A_287] {strides = array<i32>} : memref<256xi32, #tpu.memory_space<vmem>>, vector<16xi32>,
      %add3A_289 = arith.constant 0 : i32
      %add3A_290 = vector.broadcast %add3A_289 : i32 to vector<16xi32>
      %add3A_291 = arith.addi %get3A_288, %add3A_290 : vector<16xi32>
      %get3A_292 = arith.constant 160 : index
      %get3A_293 = tpu.vector_load %arg12[%get3A_292] {strides = array<i32>} : memref<256xi32, #tpu.memory_space<vmem>>, vector<16xi32>,
      %add3A_294 = arith.constant 0 : i32
      %add3A_295 = vector.broadcast %add3A_294 : i32 to vector<16xi32>
      %add3A_296 = arith.addi %get3A_293, %add3A_295 : vector<16xi32>
      %get3A_297 = arith.constant 176 : index
      %get3A_298 = tpu.vector_load %arg12[%get3A_297] {strides = array<i32>} : memref<256xi32, #tpu.memory_space<vmem>>, vector<16xi32>,
      %add3A_299 = arith.constant 0 : i32
      %add3A_300 = vector.broadcast %add3A_299 : i32 to vector<16xi32>
      %add3A_301 = arith.addi %get3A_298, %add3A_300 : vector<16xi32>
      %get3A_302 = arith.constant 192 : index
      %get3A_303 = tpu.vector_load %arg12[%get3A_302] {strides = array<i32>} : memref<256xi32, #tpu.memory_space<vmem>>, vector<16xi32>,
      %add3A_304 = arith.constant 0 : i32
      %add3A_305 = vector.broadcast %add3A_304 : i32 to vector<16xi32>
      %add3A_306 = arith.addi %get3A_303, %add3A_305 : vector<16xi32>
      %get3A_307 = arith.constant 208 : index
      %get3A_308 = tpu.vector_load %arg12[%get3A_307] {strides = array<i32>} : memref<256xi32, #tpu.memory_space<vmem>>, vector<16xi32>,
      %add3A_309 = arith.constant 0 : i32
      %add3A_310 = vector.broadcast %add3A_309 : i32 to vector<16xi32>
      %add3A_311 = arith.addi %get3A_308, %add3A_310 : vector<16xi32>
      %get3A_312 = arith.constant 224 : index
      %get3A_313 = tpu.vector_load %arg12[%get3A_312] {strides = array<i32>} : memref<256xi32, #tpu.memory_space<vmem>>, vector<16xi32>,
      %add3A_314 = arith.constant 0 : i32
      %add3A_315 = vector.broadcast %add3A_314 : i32 to vector<16xi32>
      %add3A_316 = arith.addi %get3A_313, %add3A_315 : vector<16xi32>
      %get3A_317 = arith.constant 240 : index
      %get3A_318 = tpu.vector_load %arg12[%get3A_317] {strides = array<i32>} : memref<256xi32, #tpu.memory_space<vmem>>, vector<16xi32>,
      %add3A_319 = arith.constant 0 : i32
      %add3A_320 = vector.broadcast %add3A_319 : i32 to vector<16xi32>
      %add3A_321 = arith.addi %get3A_318, %add3A_320 : vector<16xi32>
      %parallel_loop3A = arith.constant 0 : i32
      %parallel_loop3A_322 = arith.constant 64 : i32
      %parallel_loop3A_323 = arith.constant 1 : i32
      %parallel_loop3A_324:16 = scf.for %parallel_loop3A_518 = %parallel_loop3A to %parallel_loop3A_322 step %parallel_loop3A_323 iter_args(%parallel_loop3A_519 = %add3A_246, %parallel_loop3A_520 = %add3A_251, %parallel_loop3A_521 = %add3A_256, %parallel_loop3A_522 = %add3A_261, %parallel_loop3A_523 = %add3A_266, %parallel_loop3A_524 = %add3A_271, %parallel_loop3A_525 = %add3A_276, %parallel_loop3A_526 = %add3A_281, %parallel_loop3A_527 = %add3A_286, %parallel_loop3A_528 = %add3A_291, %parallel_loop3A_529 = %add3A_296, %parallel_loop3A_530 = %add3A_301, %parallel_loop3A_531 = %add3A_306, %parallel_loop3A_532 = %add3A_311, %parallel_loop3A_533 = %add3A_316, %parallel_loop3A_534 = %add3A_321) -> (vector<16xi32>, vector<16xi32>, vector<16xi32>, vector<16xi32>, vector<16xi32>, vector<16xi32>, vector<16xi32>, vector<16xi32>, vector<16xi32>, vector<16xi32>, vector<16xi32>, vector<16xi32>, vector<16xi32>, vector<16xi32>, vector<16xi32>, vector<16xi32>)  : i32 {
        %parallel_loop3A_535 = tpu.vector_load_idx %arg10[%mul3A_40, %parallel_loop3A_519] : memref<384x128xf32, #tpu.memory_space<vmem>>[vector<16xi32>, vector<16xi32>], vector<16xf32>,
        %parallel_loop3A_536 = arith.constant 0 : i32
        %parallel_loop3A_537 = arith.constant 0 : i32
        %parallel_loop3A_538 = arith.index_cast %parallel_loop3A_536 : i32 to index
        %parallel_loop3A_539 = arith.index_cast %parallel_loop3A_537 : i32 to index
        %parallel_loop3A_540 = arith.index_cast %parallel_loop3A_518 : i32 to index
        %parallel_loop3A_541 = arith.constant 0 : index
        %parallel_loop3A_542 = tpu.vector_load %arg11[%parallel_loop3A_538, %parallel_loop3A_539, %parallel_loop3A_540, %parallel_loop3A_541] {strides = array<i32>} : memref<2x2x64x128xf32, #tpu.memory_space<vmem>>, vector<16xf32>,
        tpu.vector_store %arg11[%parallel_loop3A_538, %parallel_loop3A_539, %parallel_loop3A_540, %parallel_loop3A_541], %parallel_loop3A_535 {strides = array<i32>} : memref<2x2x64x128xf32, #tpu.memory_space<vmem>>, vector<16xf32>,
        %parallel_loop3A_543 = tpu.vector_load_idx %arg10[%mul3A_40, %parallel_loop3A_520] : memref<384x128xf32, #tpu.memory_space<vmem>>[vector<16xi32>, vector<16xi32>], vector<16xf32>,
        %parallel_loop3A_544 = arith.constant 0 : i32
        %parallel_loop3A_545 = arith.constant 0 : i32
        %parallel_loop3A_546 = arith.index_cast %parallel_loop3A_544 : i32 to index
        %parallel_loop3A_547 = arith.index_cast %parallel_loop3A_545 : i32 to index
        %parallel_loop3A_548 = arith.index_cast %parallel_loop3A_518 : i32 to index
        %parallel_loop3A_549 = arith.constant 16 : index
        %parallel_loop3A_550 = tpu.vector_load %arg11[%parallel_loop3A_546, %parallel_loop3A_547, %parallel_loop3A_548, %parallel_loop3A_549] {strides = array<i32>} : memref<2x2x64x128xf32, #tpu.memory_space<vmem>>, vector<16xf32>,
        tpu.vector_store %arg11[%parallel_loop3A_546, %parallel_loop3A_547, %parallel_loop3A_548, %parallel_loop3A_549], %parallel_loop3A_543 {strides = array<i32>} : memref<2x2x64x128xf32, #tpu.memory_space<vmem>>, vector<16xf32>,
        %parallel_loop3A_551 = tpu.vector_load_idx %arg10[%mul3A_40, %parallel_loop3A_521] : memref<384x128xf32, #tpu.memory_space<vmem>>[vector<16xi32>, vector<16xi32>], vector<16xf32>,
        %parallel_loop3A_552 = arith.constant 0 : i32
        %parallel_loop3A_553 = arith.constant 0 : i32
        %parallel_loop3A_554 = arith.index_cast %parallel_loop3A_552 : i32 to index
        %parallel_loop3A_555 = arith.index_cast %parallel_loop3A_553 : i32 to index
        %parallel_loop3A_556 = arith.index_cast %parallel_loop3A_518 : i32 to index
        %parallel_loop3A_557 = arith.constant 32 : index
        %parallel_loop3A_558 = tpu.vector_load %arg11[%parallel_loop3A_554, %parallel_loop3A_555, %parallel_loop3A_556, %parallel_loop3A_557] {strides = array<i32>} : memref<2x2x64x128xf32, #tpu.memory_space<vmem>>, vector<16xf32>,
        tpu.vector_store %arg11[%parallel_loop3A_554, %parallel_loop3A_555, %parallel_loop3A_556, %parallel_loop3A_557], %parallel_loop3A_551 {strides = array<i32>} : memref<2x2x64x128xf32, #tpu.memory_space<vmem>>, vector<16xf32>,
        %parallel_loop3A_559 = tpu.vector_load_idx %arg10[%mul3A_40, %parallel_loop3A_522] : memref<384x128xf32, #tpu.memory_space<vmem>>[vector<16xi32>, vector<16xi32>], vector<16xf32>,
        %parallel_loop3A_560 = arith.constant 0 : i32
        %parallel_loop3A_561 = arith.constant 0 : i32
        %parallel_loop3A_562 = arith.index_cast %parallel_loop3A_560 : i32 to index
        %parallel_loop3A_563 = arith.index_cast %parallel_loop3A_561 : i32 to index
        %parallel_loop3A_564 = arith.index_cast %parallel_loop3A_518 : i32 to index
        %parallel_loop3A_565 = arith.constant 48 : index
        %parallel_loop3A_566 = tpu.vector_load %arg11[%parallel_loop3A_562, %parallel_loop3A_563, %parallel_loop3A_564, %parallel_loop3A_565] {strides = array<i32>} : memref<2x2x64x128xf32, #tpu.memory_space<vmem>>, vector<16xf32>,
        tpu.vector_store %arg11[%parallel_loop3A_562, %parallel_loop3A_563, %parallel_loop3A_564, %parallel_loop3A_565], %parallel_loop3A_559 {strides = array<i32>} : memref<2x2x64x128xf32, #tpu.memory_space<vmem>>, vector<16xf32>,
        %parallel_loop3A_567 = tpu.vector_load_idx %arg10[%mul3A_40, %parallel_loop3A_523] : memref<384x128xf32, #tpu.memory_space<vmem>>[vector<16xi32>, vector<16xi32>], vector<16xf32>,
        %parallel_loop3A_568 = arith.constant 0 : i32
        %parallel_loop3A_569 = arith.constant 0 : i32
        %parallel_loop3A_570 = arith.index_cast %parallel_loop3A_568 : i32 to index
        %parallel_loop3A_571 = arith.index_cast %parallel_loop3A_569 : i32 to index
        %parallel_loop3A_572 = arith.index_cast %parallel_loop3A_518 : i32 to index
        %parallel_loop3A_573 = arith.constant 64 : index
        %parallel_loop3A_574 = tpu.vector_load %arg11[%parallel_loop3A_570, %parallel_loop3A_571, %parallel_loop3A_572, %parallel_loop3A_573] {strides = array<i32>} : memref<2x2x64x128xf32, #tpu.memory_space<vmem>>, vector<16xf32>,
        tpu.vector_store %arg11[%parallel_loop3A_570, %parallel_loop3A_571, %parallel_loop3A_572, %parallel_loop3A_573], %parallel_loop3A_567 {strides = array<i32>} : memref<2x2x64x128xf32, #tpu.memory_space<vmem>>, vector<16xf32>,
        %parallel_loop3A_575 = tpu.vector_load_idx %arg10[%mul3A_40, %parallel_loop3A_524] : memref<384x128xf32, #tpu.memory_space<vmem>>[vector<16xi32>, vector<16xi32>], vector<16xf32>,
        %parallel_loop3A_576 = arith.constant 0 : i32
        %parallel_loop3A_577 = arith.constant 0 : i32
        %parallel_loop3A_578 = arith.index_cast %parallel_loop3A_576 : i32 to index
        %parallel_loop3A_579 = arith.index_cast %parallel_loop3A_577 : i32 to index
        %parallel_loop3A_580 = arith.index_cast %parallel_loop3A_518 : i32 to index
        %parallel_loop3A_581 = arith.constant 80 : index
        %parallel_loop3A_582 = tpu.vector_load %arg11[%parallel_loop3A_578, %parallel_loop3A_579, %parallel_loop3A_580, %parallel_loop3A_581] {strides = array<i32>} : memref<2x2x64x128xf32, #tpu.memory_space<vmem>>, vector<16xf32>,
        tpu.vector_store %arg11[%parallel_loop3A_578, %parallel_loop3A_579, %parallel_loop3A_580, %parallel_loop3A_581], %parallel_loop3A_575 {strides = array<i32>} : memref<2x2x64x128xf32, #tpu.memory_space<vmem>>, vector<16xf32>,
        %parallel_loop3A_583 = tpu.vector_load_idx %arg10[%mul3A_40, %parallel_loop3A_525] : memref<384x128xf32, #tpu.memory_space<vmem>>[vector<16xi32>, vector<16xi32>], vector<16xf32>,
        %parallel_loop3A_584 = arith.constant 0 : i32
        %parallel_loop3A_585 = arith.constant 0 : i32
        %parallel_loop3A_586 = arith.index_cast %parallel_loop3A_584 : i32 to index
        %parallel_loop3A_587 = arith.index_cast %parallel_loop3A_585 : i32 to index
        %parallel_loop3A_588 = arith.index_cast %parallel_loop3A_518 : i32 to index
        %parallel_loop3A_589 = arith.constant 96 : index
        %parallel_loop3A_590 = tpu.vector_load %arg11[%parallel_loop3A_586, %parallel_loop3A_587, %parallel_loop3A_588, %parallel_loop3A_589] {strides = array<i32>} : memref<2x2x64x128xf32, #tpu.memory_space<vmem>>, vector<16xf32>,
        tpu.vector_store %arg11[%parallel_loop3A_586, %parallel_loop3A_587, %parallel_loop3A_588, %parallel_loop3A_589], %parallel_loop3A_583 {strides = array<i32>} : memref<2x2x64x128xf32, #tpu.memory_space<vmem>>, vector<16xf32>,
        %parallel_loop3A_591 = tpu.vector_load_idx %arg10[%mul3A_40, %parallel_loop3A_526] : memref<384x128xf32, #tpu.memory_space<vmem>>[vector<16xi32>, vector<16xi32>], vector<16xf32>,
        %parallel_loop3A_592 = arith.constant 0 : i32
        %parallel_loop3A_593 = arith.constant 0 : i32
        %parallel_loop3A_594 = arith.index_cast %parallel_loop3A_592 : i32 to index
        %parallel_loop3A_595 = arith.index_cast %parallel_loop3A_593 : i32 to index
        %parallel_loop3A_596 = arith.index_cast %parallel_loop3A_518 : i32 to index
        %parallel_loop3A_597 = arith.constant 112 : index
        %parallel_loop3A_598 = tpu.vector_load %arg11[%parallel_loop3A_594, %parallel_loop3A_595, %parallel_loop3A_596, %parallel_loop3A_597] {strides = array<i32>} : memref<2x2x64x128xf32, #tpu.memory_space<vmem>>, vector<16xf32>,
        tpu.vector_store %arg11[%parallel_loop3A_594, %parallel_loop3A_595, %parallel_loop3A_596, %parallel_loop3A_597], %parallel_loop3A_591 {strides = array<i32>} : memref<2x2x64x128xf32, #tpu.memory_space<vmem>>, vector<16xf32>,
        %parallel_loop3A_599 = tpu.vector_load_idx %arg10[%mul3A_40, %parallel_loop3A_527] : memref<384x128xf32, #tpu.memory_space<vmem>>[vector<16xi32>, vector<16xi32>], vector<16xf32>,
        %parallel_loop3A_600 = arith.constant 0 : i32
        %parallel_loop3A_601 = arith.constant 1 : i32
        %parallel_loop3A_602 = arith.index_cast %parallel_loop3A_600 : i32 to index
        %parallel_loop3A_603 = arith.index_cast %parallel_loop3A_601 : i32 to index
        %parallel_loop3A_604 = arith.index_cast %parallel_loop3A_518 : i32 to index
        %parallel_loop3A_605 = arith.constant 0 : index
        %parallel_loop3A_606 = tpu.vector_load %arg11[%parallel_loop3A_602, %parallel_loop3A_603, %parallel_loop3A_604, %parallel_loop3A_605] {strides = array<i32>} : memref<2x2x64x128xf32, #tpu.memory_space<vmem>>, vector<16xf32>,
        tpu.vector_store %arg11[%parallel_loop3A_602, %parallel_loop3A_603, %parallel_loop3A_604, %parallel_loop3A_605], %parallel_loop3A_599 {strides = array<i32>} : memref<2x2x64x128xf32, #tpu.memory_space<vmem>>, vector<16xf32>,
        %parallel_loop3A_607 = tpu.vector_load_idx %arg10[%mul3A_40, %parallel_loop3A_528] : memref<384x128xf32, #tpu.memory_space<vmem>>[vector<16xi32>, vector<16xi32>], vector<16xf32>,
        %parallel_loop3A_608 = arith.constant 0 : i32
        %parallel_loop3A_609 = arith.constant 1 : i32
        %parallel_loop3A_610 = arith.index_cast %parallel_loop3A_608 : i32 to index
        %parallel_loop3A_611 = arith.index_cast %parallel_loop3A_609 : i32 to index
        %parallel_loop3A_612 = arith.index_cast %parallel_loop3A_518 : i32 to index
        %parallel_loop3A_613 = arith.constant 16 : index
        %parallel_loop3A_614 = tpu.vector_load %arg11[%parallel_loop3A_610, %parallel_loop3A_611, %parallel_loop3A_612, %parallel_loop3A_613] {strides = array<i32>} : memref<2x2x64x128xf32, #tpu.memory_space<vmem>>, vector<16xf32>,
        tpu.vector_store %arg11[%parallel_loop3A_610, %parallel_loop3A_611, %parallel_loop3A_612, %parallel_loop3A_613], %parallel_loop3A_607 {strides = array<i32>} : memref<2x2x64x128xf32, #tpu.memory_space<vmem>>, vector<16xf32>,
        %parallel_loop3A_615 = tpu.vector_load_idx %arg10[%mul3A_40, %parallel_loop3A_529] : memref<384x128xf32, #tpu.memory_space<vmem>>[vector<16xi32>, vector<16xi32>], vector<16xf32>,
        %parallel_loop3A_616 = arith.constant 0 : i32
        %parallel_loop3A_617 = arith.constant 1 : i32
        %parallel_loop3A_618 = arith.index_cast %parallel_loop3A_616 : i32 to index
        %parallel_loop3A_619 = arith.index_cast %parallel_loop3A_617 : i32 to index
        %parallel_loop3A_620 = arith.index_cast %parallel_loop3A_518 : i32 to index
        %parallel_loop3A_621 = arith.constant 32 : index
        %parallel_loop3A_622 = tpu.vector_load %arg11[%parallel_loop3A_618, %parallel_loop3A_619, %parallel_loop3A_620, %parallel_loop3A_621] {strides = array<i32>} : memref<2x2x64x128xf32, #tpu.memory_space<vmem>>, vector<16xf32>,
        tpu.vector_store %arg11[%parallel_loop3A_618, %parallel_loop3A_619, %parallel_loop3A_620, %parallel_loop3A_621], %parallel_loop3A_615 {strides = array<i32>} : memref<2x2x64x128xf32, #tpu.memory_space<vmem>>, vector<16xf32>,
        %parallel_loop3A_623 = tpu.vector_load_idx %arg10[%mul3A_40, %parallel_loop3A_530] : memref<384x128xf32, #tpu.memory_space<vmem>>[vector<16xi32>, vector<16xi32>], vector<16xf32>,
        %parallel_loop3A_624 = arith.constant 0 : i32
        %parallel_loop3A_625 = arith.constant 1 : i32
        %parallel_loop3A_626 = arith.index_cast %parallel_loop3A_624 : i32 to index
        %parallel_loop3A_627 = arith.index_cast %parallel_loop3A_625 : i32 to index
        %parallel_loop3A_628 = arith.index_cast %parallel_loop3A_518 : i32 to index
        %parallel_loop3A_629 = arith.constant 48 : index
        %parallel_loop3A_630 = tpu.vector_load %arg11[%parallel_loop3A_626, %parallel_loop3A_627, %parallel_loop3A_628, %parallel_loop3A_629] {strides = array<i32>} : memref<2x2x64x128xf32, #tpu.memory_space<vmem>>, vector<16xf32>,
        tpu.vector_store %arg11[%parallel_loop3A_626, %parallel_loop3A_627, %parallel_loop3A_628, %parallel_loop3A_629], %parallel_loop3A_623 {strides = array<i32>} : memref<2x2x64x128xf32, #tpu.memory_space<vmem>>, vector<16xf32>,
        %parallel_loop3A_631 = tpu.vector_load_idx %arg10[%mul3A_40, %parallel_loop3A_531] : memref<384x128xf32, #tpu.memory_space<vmem>>[vector<16xi32>, vector<16xi32>], vector<16xf32>,
        %parallel_loop3A_632 = arith.constant 0 : i32
        %parallel_loop3A_633 = arith.constant 1 : i32
        %parallel_loop3A_634 = arith.index_cast %parallel_loop3A_632 : i32 to index
        %parallel_loop3A_635 = arith.index_cast %parallel_loop3A_633 : i32 to index
        %parallel_loop3A_636 = arith.index_cast %parallel_loop3A_518 : i32 to index
        %parallel_loop3A_637 = arith.constant 64 : index
        %parallel_loop3A_638 = tpu.vector_load %arg11[%parallel_loop3A_634, %parallel_loop3A_635, %parallel_loop3A_636, %parallel_loop3A_637] {strides = array<i32>} : memref<2x2x64x128xf32, #tpu.memory_space<vmem>>, vector<16xf32>,
        tpu.vector_store %arg11[%parallel_loop3A_634, %parallel_loop3A_635, %parallel_loop3A_636, %parallel_loop3A_637], %parallel_loop3A_631 {strides = array<i32>} : memref<2x2x64x128xf32, #tpu.memory_space<vmem>>, vector<16xf32>,
        %parallel_loop3A_639 = tpu.vector_load_idx %arg10[%mul3A_40, %parallel_loop3A_532] : memref<384x128xf32, #tpu.memory_space<vmem>>[vector<16xi32>, vector<16xi32>], vector<16xf32>,
        %parallel_loop3A_640 = arith.constant 0 : i32
        %parallel_loop3A_641 = arith.constant 1 : i32
        %parallel_loop3A_642 = arith.index_cast %parallel_loop3A_640 : i32 to index
        %parallel_loop3A_643 = arith.index_cast %parallel_loop3A_641 : i32 to index
        %parallel_loop3A_644 = arith.index_cast %parallel_loop3A_518 : i32 to index
        %parallel_loop3A_645 = arith.constant 80 : index
        %parallel_loop3A_646 = tpu.vector_load %arg11[%parallel_loop3A_642, %parallel_loop3A_643, %parallel_loop3A_644, %parallel_loop3A_645] {strides = array<i32>} : memref<2x2x64x128xf32, #tpu.memory_space<vmem>>, vector<16xf32>,
        tpu.vector_store %arg11[%parallel_loop3A_642, %parallel_loop3A_643, %parallel_loop3A_644, %parallel_loop3A_645], %parallel_loop3A_639 {strides = array<i32>} : memref<2x2x64x128xf32, #tpu.memory_space<vmem>>, vector<16xf32>,
        %parallel_loop3A_647 = tpu.vector_load_idx %arg10[%mul3A_40, %parallel_loop3A_533] : memref<384x128xf32, #tpu.memory_space<vmem>>[vector<16xi32>, vector<16xi32>], vector<16xf32>,
        %parallel_loop3A_648 = arith.constant 0 : i32
        %parallel_loop3A_649 = arith.constant 1 : i32
        %parallel_loop3A_650 = arith.index_cast %parallel_loop3A_648 : i32 to index
        %parallel_loop3A_651 = arith.index_cast %parallel_loop3A_649 : i32 to index
        %parallel_loop3A_652 = arith.index_cast %parallel_loop3A_518 : i32 to index
        %parallel_loop3A_653 = arith.constant 96 : index
        %parallel_loop3A_654 = tpu.vector_load %arg11[%parallel_loop3A_650, %parallel_loop3A_651, %parallel_loop3A_652, %parallel_loop3A_653] {strides = array<i32>} : memref<2x2x64x128xf32, #tpu.memory_space<vmem>>, vector<16xf32>,
        tpu.vector_store %arg11[%parallel_loop3A_650, %parallel_loop3A_651, %parallel_loop3A_652, %parallel_loop3A_653], %parallel_loop3A_647 {strides = array<i32>} : memref<2x2x64x128xf32, #tpu.memory_space<vmem>>, vector<16xf32>,
        %parallel_loop3A_655 = tpu.vector_load_idx %arg10[%mul3A_40, %parallel_loop3A_534] : memref<384x128xf32, #tpu.memory_space<vmem>>[vector<16xi32>, vector<16xi32>], vector<16xf32>,
        %parallel_loop3A_656 = arith.constant 0 : i32
        %parallel_loop3A_657 = arith.constant 1 : i32
        %parallel_loop3A_658 = arith.index_cast %parallel_loop3A_656 : i32 to index
        %parallel_loop3A_659 = arith.index_cast %parallel_loop3A_657 : i32 to index
        %parallel_loop3A_660 = arith.index_cast %parallel_loop3A_518 : i32 to index
        %parallel_loop3A_661 = arith.constant 112 : index
        %parallel_loop3A_662 = tpu.vector_load %arg11[%parallel_loop3A_658, %parallel_loop3A_659, %parallel_loop3A_660, %parallel_loop3A_661] {strides = array<i32>} : memref<2x2x64x128xf32, #tpu.memory_space<vmem>>, vector<16xf32>,
        tpu.vector_store %arg11[%parallel_loop3A_658, %parallel_loop3A_659, %parallel_loop3A_660, %parallel_loop3A_661], %parallel_loop3A_655 {strides = array<i32>} : memref<2x2x64x128xf32, #tpu.memory_space<vmem>>, vector<16xf32>,
        %parallel_loop3A_663 = arith.constant 128 : i32
        %parallel_loop3A_664 = vector.broadcast %parallel_loop3A_663 : i32 to vector<16xi32>
        %parallel_loop3A_665 = arith.addi %parallel_loop3A_519, %parallel_loop3A_664 : vector<16xi32>
        %parallel_loop3A_666 = arith.constant 128 : i32
        %parallel_loop3A_667 = vector.broadcast %parallel_loop3A_666 : i32 to vector<16xi32>
        %parallel_loop3A_668 = arith.addi %parallel_loop3A_520, %parallel_loop3A_667 : vector<16xi32>
        %parallel_loop3A_669 = arith.constant 128 : i32
        %parallel_loop3A_670 = vector.broadcast %parallel_loop3A_669 : i32 to vector<16xi32>
        %parallel_loop3A_671 = arith.addi %parallel_loop3A_521, %parallel_loop3A_670 : vector<16xi32>
        %parallel_loop3A_672 = arith.constant 128 : i32
        %parallel_loop3A_673 = vector.broadcast %parallel_loop3A_672 : i32 to vector<16xi32>
        %parallel_loop3A_674 = arith.addi %parallel_loop3A_522, %parallel_loop3A_673 : vector<16xi32>
        %parallel_loop3A_675 = arith.constant 128 : i32
        %parallel_loop3A_676 = vector.broadcast %parallel_loop3A_675 : i32 to vector<16xi32>
        %parallel_loop3A_677 = arith.addi %parallel_loop3A_523, %parallel_loop3A_676 : vector<16xi32>
        %parallel_loop3A_678 = arith.constant 128 : i32
        %parallel_loop3A_679 = vector.broadcast %parallel_loop3A_678 : i32 to vector<16xi32>
        %parallel_loop3A_680 = arith.addi %parallel_loop3A_524, %parallel_loop3A_679 : vector<16xi32>
        %parallel_loop3A_681 = arith.constant 128 : i32
        %parallel_loop3A_682 = vector.broadcast %parallel_loop3A_681 : i32 to vector<16xi32>
        %parallel_loop3A_683 = arith.addi %parallel_loop3A_525, %parallel_loop3A_682 : vector<16xi32>
        %parallel_loop3A_684 = arith.constant 128 : i32
        %parallel_loop3A_685 = vector.broadcast %parallel_loop3A_684 : i32 to vector<16xi32>
        %parallel_loop3A_686 = arith.addi %parallel_loop3A_526, %parallel_loop3A_685 : vector<16xi32>
        %parallel_loop3A_687 = arith.constant 128 : i32
        %parallel_loop3A_688 = vector.broadcast %parallel_loop3A_687 : i32 to vector<16xi32>
        %parallel_loop3A_689 = arith.addi %parallel_loop3A_527, %parallel_loop3A_688 : vector<16xi32>
        %parallel_loop3A_690 = arith.constant 128 : i32
        %parallel_loop3A_691 = vector.broadcast %parallel_loop3A_690 : i32 to vector<16xi32>
        %parallel_loop3A_692 = arith.addi %parallel_loop3A_528, %parallel_loop3A_691 : vector<16xi32>
        %parallel_loop3A_693 = arith.constant 128 : i32
        %parallel_loop3A_694 = vector.broadcast %parallel_loop3A_693 : i32 to vector<16xi32>
        %parallel_loop3A_695 = arith.addi %parallel_loop3A_529, %parallel_loop3A_694 : vector<16xi32>
        %parallel_loop3A_696 = arith.constant 128 : i32
        %parallel_loop3A_697 = vector.broadcast %parallel_loop3A_696 : i32 to vector<16xi32>
        %parallel_loop3A_698 = arith.addi %parallel_loop3A_530, %parallel_loop3A_697 : vector<16xi32>
        %parallel_loop3A_699 = arith.constant 128 : i32
        %parallel_loop3A_700 = vector.broadcast %parallel_loop3A_699 : i32 to vector<16xi32>
        %parallel_loop3A_701 = arith.addi %parallel_loop3A_531, %parallel_loop3A_700 : vector<16xi32>
        %parallel_loop3A_702 = arith.constant 128 : i32
        %parallel_loop3A_703 = vector.broadcast %parallel_loop3A_702 : i32 to vector<16xi32>
        %parallel_loop3A_704 = arith.addi %parallel_loop3A_532, %parallel_loop3A_703 : vector<16xi32>
        %parallel_loop3A_705 = arith.constant 128 : i32
        %parallel_loop3A_706 = vector.broadcast %parallel_loop3A_705 : i32 to vector<16xi32>
        %parallel_loop3A_707 = arith.addi %parallel_loop3A_533, %parallel_loop3A_706 : vector<16xi32>
        %parallel_loop3A_708 = arith.constant 128 : i32
        %parallel_loop3A_709 = vector.broadcast %parallel_loop3A_708 : i32 to vector<16xi32>
        %parallel_loop3A_710 = arith.addi %parallel_loop3A_534, %parallel_loop3A_709 : vector<16xi32>
        scf.yield %parallel_loop3A_665, %parallel_loop3A_668, %parallel_loop3A_671, %parallel_loop3A_674, %parallel_loop3A_677, %parallel_loop3A_680, %parallel_loop3A_683, %parallel_loop3A_686, %parallel_loop3A_689, %parallel_loop3A_692, %parallel_loop3A_695, %parallel_loop3A_698, %parallel_loop3A_701, %parallel_loop3A_704, %parallel_loop3A_707, %parallel_loop3A_710 : vector<16xi32>, vector<16xi32>, vector<16xi32>, vector<16xi32>, vector<16xi32>, vector<16xi32>, vector<16xi32>, vector<16xi32>, vector<16xi32>, vector<16xi32>, vector<16xi32>, vector<16xi32>, vector<16xi32>, vector<16xi32>, vector<16xi32>, vector<16xi32>
      } {sc.loop_unroll_factor = 4 : i64, sc.parallel_access}
      %dma_start3A_325 = arith.constant 0 : i32
      %dma_start3A_326 = arith.constant 0 : i32
      %dma_start3A_327 = arith.constant 0 : i32
      %dma_start3A_328 = arith.constant 0 : i32
      %dma_start3A_329 = arith.constant 0 : i32
      %dma_start3A_330 = tpu.memref_slice %arg11[%dma_start3A_325, %dma_start3A_326, %dma_start3A_328, %dma_start3A_329] : memref<2x2x64x128xf32, #tpu.memory_space<vmem>> -> memref<1x1x64x128xf32, #tpu.memory_space<vmem>>
      %dma_start3A_331 = tpu.memref_squeeze %dma_start3A_330 : memref<1x1x64x128xf32, #tpu.memory_space<vmem>> -> memref<64x128xf32, #tpu.memory_space<vmem>>
      %dma_start3A_332 = arith.constant 0 : i32
      %dma_start3A_333 = tpu.memref_slice %arg5[%select_n3A, %add3A_215, %dma_start3A_327, %dma_start3A_332] : memref<8x8192x1x128xf32, #tpu.memory_space<hbm>> -> memref<1x64x1x128xf32, #tpu.memory_space<hbm>>
      %dma_start3A_334 = tpu.memref_squeeze %dma_start3A_333 : memref<1x64x1x128xf32, #tpu.memory_space<hbm>> -> memref<64x128xf32, #tpu.memory_space<hbm>>
      %dma_start3A_335 = arith.constant 0 : i32
      %dma_start3A_336 = tpu.memref_slice %arg5[%select_n3A, %add3A_215, %dma_start3A_327, %dma_start3A_335] : memref<8x8192x1x128xf32, #tpu.memory_space<hbm>> -> memref<1x64x1x128xf32, #tpu.memory_space<hbm>>
      %dma_start3A_337 = tpu.memref_squeeze %dma_start3A_336 : memref<1x64x1x128xf32, #tpu.memory_space<hbm>> -> memref<64x128xf32, #tpu.memory_space<hbm>>
      %dma_start3A_338 = arith.constant 0 : i32
      %dma_start3A_339 = arith.constant 0 : i32
      %dma_start3A_340 = tpu.memref_slice %arg11[%dma_start3A_325, %dma_start3A_326, %dma_start3A_338, %dma_start3A_339] : memref<2x2x64x128xf32, #tpu.memory_space<vmem>> -> memref<1x1x64x128xf32, #tpu.memory_space<vmem>>
      %dma_start3A_341 = tpu.memref_squeeze %dma_start3A_340 : memref<1x1x64x128xf32, #tpu.memory_space<vmem>> -> memref<64x128xf32, #tpu.memory_space<vmem>>
      tpu.enqueue_dma source(%dma_start3A_341 : memref<64x128xf32, #tpu.memory_space<vmem>>) target(%dma_start3A_337 : memref<64x128xf32, #tpu.memory_space<hbm>>) target_semaphore(%arg15 : memref<!tpu.dma_semaphore, #tpu.memory_space<semaphore_mem>>)
      %add3A_342 = arith.constant 4 : i32
      %add3A_343 = arith.addi %select_n3A, %add3A_342 : i32
      %dma_start3A_344 = arith.constant 0 : i32
      %dma_start3A_345 = arith.constant 1 : i32
      %dma_start3A_346 = arith.constant 0 : i32
      %dma_start3A_347 = arith.constant 0 : i32
      %dma_start3A_348 = arith.constant 0 : i32
      %dma_start3A_349 = tpu.memref_slice %arg11[%dma_start3A_344, %dma_start3A_345, %dma_start3A_347, %dma_start3A_348] : memref<2x2x64x128xf32, #tpu.memory_space<vmem>> -> memref<1x1x64x128xf32, #tpu.memory_space<vmem>>
      %dma_start3A_350 = tpu.memref_squeeze %dma_start3A_349 : memref<1x1x64x128xf32, #tpu.memory_space<vmem>> -> memref<64x128xf32, #tpu.memory_space<vmem>>
      %dma_start3A_351 = arith.constant 0 : i32
      %dma_start3A_352 = tpu.memref_slice %arg5[%add3A_343, %add3A_215, %dma_start3A_346, %dma_start3A_351] : memref<8x8192x1x128xf32, #tpu.memory_space<hbm>> -> memref<1x64x1x128xf32, #tpu.memory_space<hbm>>
      %dma_start3A_353 = tpu.memref_squeeze %dma_start3A_352 : memref<1x64x1x128xf32, #tpu.memory_space<hbm>> -> memref<64x128xf32, #tpu.memory_space<hbm>>
      %dma_start3A_354 = arith.constant 0 : i32
      %dma_start3A_355 = tpu.memref_slice %arg5[%add3A_343, %add3A_215, %dma_start3A_346, %dma_start3A_354] : memref<8x8192x1x128xf32, #tpu.memory_space<hbm>> -> memref<1x64x1x128xf32, #tpu.memory_space<hbm>>
      %dma_start3A_356 = tpu.memref_squeeze %dma_start3A_355 : memref<1x64x1x128xf32, #tpu.memory_space<hbm>> -> memref<64x128xf32, #tpu.memory_space<hbm>>
      %dma_start3A_357 = arith.constant 0 : i32
      %dma_start3A_358 = arith.constant 0 : i32
      %dma_start3A_359 = tpu.memref_slice %arg11[%dma_start3A_344, %dma_start3A_345, %dma_start3A_357, %dma_start3A_358] : memref<2x2x64x128xf32, #tpu.memory_space<vmem>> -> memref<1x1x64x128xf32, #tpu.memory_space<vmem>>
      %dma_start3A_360 = tpu.memref_squeeze %dma_start3A_359 : memref<1x1x64x128xf32, #tpu.memory_space<vmem>> -> memref<64x128xf32, #tpu.memory_space<vmem>>
      tpu.enqueue_dma source(%dma_start3A_360 : memref<64x128xf32, #tpu.memory_space<vmem>>) target(%dma_start3A_356 : memref<64x128xf32, #tpu.memory_space<hbm>>) target_semaphore(%arg15 : memref<!tpu.dma_semaphore, #tpu.memory_space<semaphore_mem>>)
      %mul3A_361 = arith.constant 2 : i32
      %mul3A_362 = arith.muli %scan3A_208, %mul3A_361 : i32
      %add3A_363 = arith.constant 1 : i32
      %add3A_364 = arith.addi %mul3A_362, %add3A_363 : i32
      %mul3A_365 = arith.constant 64 : i32
      %mul3A_366 = arith.muli %add3A_364, %mul3A_365 : i32
      %add3A_367 = arith.addi %mul3A_32, %mul3A_366 : i32
      %dma_wait3A_368 = arith.constant 192 : i32
      %dma_wait3A_369 = arith.constant 0 : i32
      %dma_wait3A_370 = tpu.memref_slice %arg10[%dma_wait3A_368, %dma_wait3A_369] : memref<384x128xf32, #tpu.memory_space<vmem>> -> memref<64x128xf32, #tpu.memory_space<vmem>>
      %dma_wait3A_371 = arith.constant 0 : i32
      %dma_wait3A_372 = arith.constant 0 : i32
      %dma_wait3A_373 = tpu.memref_slice %arg2[%dma_wait3A_371, %dma_wait3A_372] : memref<8192x128xf32, #tpu.memory_space<hbm>> -> memref<8192x128xf32, #tpu.memory_space<hbm>>
      tpu.wait_indirect_dma semaphore(%arg14 : memref<!tpu.dma_semaphore, #tpu.memory_space<semaphore_mem>>) src(%dma_wait3A_373 : memref<8192x128xf32, #tpu.memory_space<hbm>>) dst(%dma_wait3A_370 : memref<64x128xf32, #tpu.memory_space<vmem>>)
      %dma_wait3A_374 = arith.constant 256 : i32
      %dma_wait3A_375 = arith.constant 0 : i32
      %dma_wait3A_376 = tpu.memref_slice %arg10[%dma_wait3A_374, %dma_wait3A_375] : memref<384x128xf32, #tpu.memory_space<vmem>> -> memref<64x128xf32, #tpu.memory_space<vmem>>
      %dma_wait3A_377 = arith.constant 0 : i32
      %dma_wait3A_378 = arith.constant 0 : i32
      %dma_wait3A_379 = tpu.memref_slice %arg2[%dma_wait3A_377, %dma_wait3A_378] : memref<8192x128xf32, #tpu.memory_space<hbm>> -> memref<8192x128xf32, #tpu.memory_space<hbm>>
      tpu.wait_indirect_dma semaphore(%arg14 : memref<!tpu.dma_semaphore, #tpu.memory_space<semaphore_mem>>) src(%dma_wait3A_379 : memref<8192x128xf32, #tpu.memory_space<hbm>>) dst(%dma_wait3A_376 : memref<64x128xf32, #tpu.memory_space<vmem>>)
      %dma_wait3A_380 = arith.constant 320 : i32
      %dma_wait3A_381 = arith.constant 0 : i32
      %dma_wait3A_382 = tpu.memref_slice %arg10[%dma_wait3A_380, %dma_wait3A_381] : memref<384x128xf32, #tpu.memory_space<vmem>> -> memref<64x128xf32, #tpu.memory_space<vmem>>
      %dma_wait3A_383 = arith.constant 0 : i32
      %dma_wait3A_384 = arith.constant 0 : i32
      %dma_wait3A_385 = tpu.memref_slice %arg2[%dma_wait3A_383, %dma_wait3A_384] : memref<8192x128xf32, #tpu.memory_space<hbm>> -> memref<8192x128xf32, #tpu.memory_space<hbm>>
      tpu.wait_indirect_dma semaphore(%arg14 : memref<!tpu.dma_semaphore, #tpu.memory_space<semaphore_mem>>) src(%dma_wait3A_385 : memref<8192x128xf32, #tpu.memory_space<hbm>>) dst(%dma_wait3A_382 : memref<64x128xf32, #tpu.memory_space<vmem>>)
      %add3A_386 = arith.constant 1 : i32
      %add3A_387 = arith.addi %add3A_364, %add3A_386 : i32
      %lt3A_388 = arith.constant 16 : i32
      %lt3A_389 = arith.cmpi slt, %add3A_387, %lt3A_388 : i32
      %convert_element_type3A_390 = arith.extui %lt3A_389 : i1 to i32
      %cond3A_391 = arith.constant 0 : i32
      %cond3A_392 = arith.cmpi ne, %convert_element_type3A_390, %cond3A_391 : i32
      scf.if %cond3A_392 {
        %add3A_518 = arith.constant 1 : i32
        %add3A_519 = arith.addi %add3A_364, %add3A_518 : i32
        %mul3A_520 = arith.constant 192 : i32
        %mul3A_521 = arith.muli %add3A_519, %mul3A_520 : i32
        %add3A_522 = arith.constant 0 : i32
        %add3A_523 = arith.addi %mul3A_521, %add3A_522 : i32
        %add3A_524 = vector.broadcast %add3A_523 : i32 to vector<16xi32>
        %add3A_525 = arith.addi %mul3A_37, %add3A_524 : vector<16xi32>
        %gather3A_526 = tpu.vector_load_idx %arg6[%mul3A_40, %add3A_525] : memref<24x128xi32, #tpu.memory_space<vmem>>[vector<16xi32>, vector<16xi32>], vector<16xi32>,
        %swap3A_527 = arith.constant 0 : index
        %swap3A_528 = tpu.vector_load %arg7[%swap3A_527] {strides = array<i32>} : memref<64xi32, #tpu.memory_space<vmem>>, vector<16xi32>,
        tpu.vector_store %arg7[%swap3A_527], %gather3A_526 {strides = array<i32>} : memref<64xi32, #tpu.memory_space<vmem>>, vector<16xi32>,
        %add3A_529 = arith.constant 1 : i32
        %add3A_530 = vector.broadcast %add3A_529 : i32 to vector<16xi32>
        %add3A_531 = arith.addi %add3A_525, %add3A_530 : vector<16xi32>
        %gather3A_532 = tpu.vector_load_idx %arg6[%mul3A_40, %add3A_531] : memref<24x128xi32, #tpu.memory_space<vmem>>[vector<16xi32>, vector<16xi32>], vector<16xi32>,
        %swap3A_533 = arith.constant 0 : index
        %swap3A_534 = tpu.vector_load %arg8[%swap3A_533] {strides = array<i32>} : memref<64xi32, #tpu.memory_space<vmem>>, vector<16xi32>,
        tpu.vector_store %arg8[%swap3A_533], %gather3A_532 {strides = array<i32>} : memref<64xi32, #tpu.memory_space<vmem>>, vector<16xi32>,
        %add3A_535 = arith.constant 2 : i32
        %add3A_536 = vector.broadcast %add3A_535 : i32 to vector<16xi32>
        %add3A_537 = arith.addi %add3A_525, %add3A_536 : vector<16xi32>
        %gather3A_538 = tpu.vector_load_idx %arg6[%mul3A_40, %add3A_537] : memref<24x128xi32, #tpu.memory_space<vmem>>[vector<16xi32>, vector<16xi32>], vector<16xi32>,
        %swap3A_539 = arith.constant 0 : index
        %swap3A_540 = tpu.vector_load %arg9[%swap3A_539] {strides = array<i32>} : memref<64xi32, #tpu.memory_space<vmem>>, vector<16xi32>,
        tpu.vector_store %arg9[%swap3A_539], %gather3A_538 {strides = array<i32>} : memref<64xi32, #tpu.memory_space<vmem>>, vector<16xi32>,
        %add3A_541 = arith.constant 48 : i32
        %add3A_542 = arith.addi %mul3A_521, %add3A_541 : i32
        %add3A_543 = vector.broadcast %add3A_542 : i32 to vector<16xi32>
        %add3A_544 = arith.addi %mul3A_37, %add3A_543 : vector<16xi32>
        %gather3A_545 = tpu.vector_load_idx %arg6[%mul3A_40, %add3A_544] : memref<24x128xi32, #tpu.memory_space<vmem>>[vector<16xi32>, vector<16xi32>], vector<16xi32>,
        %swap3A_546 = arith.constant 16 : index
        %swap3A_547 = tpu.vector_load %arg7[%swap3A_546] {strides = array<i32>} : memref<64xi32, #tpu.memory_space<vmem>>, vector<16xi32>,
        tpu.vector_store %arg7[%swap3A_546], %gather3A_545 {strides = array<i32>} : memref<64xi32, #tpu.memory_space<vmem>>, vector<16xi32>,
        %add3A_548 = arith.constant 1 : i32
        %add3A_549 = vector.broadcast %add3A_548 : i32 to vector<16xi32>
        %add3A_550 = arith.addi %add3A_544, %add3A_549 : vector<16xi32>
        %gather3A_551 = tpu.vector_load_idx %arg6[%mul3A_40, %add3A_550] : memref<24x128xi32, #tpu.memory_space<vmem>>[vector<16xi32>, vector<16xi32>], vector<16xi32>,
        %swap3A_552 = arith.constant 16 : index
        %swap3A_553 = tpu.vector_load %arg8[%swap3A_552] {strides = array<i32>} : memref<64xi32, #tpu.memory_space<vmem>>, vector<16xi32>,
        tpu.vector_store %arg8[%swap3A_552], %gather3A_551 {strides = array<i32>} : memref<64xi32, #tpu.memory_space<vmem>>, vector<16xi32>,
        %add3A_554 = arith.constant 2 : i32
        %add3A_555 = vector.broadcast %add3A_554 : i32 to vector<16xi32>
        %add3A_556 = arith.addi %add3A_544, %add3A_555 : vector<16xi32>
        %gather3A_557 = tpu.vector_load_idx %arg6[%mul3A_40, %add3A_556] : memref<24x128xi32, #tpu.memory_space<vmem>>[vector<16xi32>, vector<16xi32>], vector<16xi32>,
        %swap3A_558 = arith.constant 16 : index
        %swap3A_559 = tpu.vector_load %arg9[%swap3A_558] {strides = array<i32>} : memref<64xi32, #tpu.memory_space<vmem>>, vector<16xi32>,
        tpu.vector_store %arg9[%swap3A_558], %gather3A_557 {strides = array<i32>} : memref<64xi32, #tpu.memory_space<vmem>>, vector<16xi32>,
        %add3A_560 = arith.constant 96 : i32
        %add3A_561 = arith.addi %mul3A_521, %add3A_560 : i32
        %add3A_562 = vector.broadcast %add3A_561 : i32 to vector<16xi32>
        %add3A_563 = arith.addi %mul3A_37, %add3A_562 : vector<16xi32>
        %gather3A_564 = tpu.vector_load_idx %arg6[%mul3A_40, %add3A_563] : memref<24x128xi32, #tpu.memory_space<vmem>>[vector<16xi32>, vector<16xi32>], vector<16xi32>,
        %swap3A_565 = arith.constant 32 : index
        %swap3A_566 = tpu.vector_load %arg7[%swap3A_565] {strides = array<i32>} : memref<64xi32, #tpu.memory_space<vmem>>, vector<16xi32>,
        tpu.vector_store %arg7[%swap3A_565], %gather3A_564 {strides = array<i32>} : memref<64xi32, #tpu.memory_space<vmem>>, vector<16xi32>,
        %add3A_567 = arith.constant 1 : i32
        %add3A_568 = vector.broadcast %add3A_567 : i32 to vector<16xi32>
        %add3A_569 = arith.addi %add3A_563, %add3A_568 : vector<16xi32>
        %gather3A_570 = tpu.vector_load_idx %arg6[%mul3A_40, %add3A_569] : memref<24x128xi32, #tpu.memory_space<vmem>>[vector<16xi32>, vector<16xi32>], vector<16xi32>,
        %swap3A_571 = arith.constant 32 : index
        %swap3A_572 = tpu.vector_load %arg8[%swap3A_571] {strides = array<i32>} : memref<64xi32, #tpu.memory_space<vmem>>, vector<16xi32>,
        tpu.vector_store %arg8[%swap3A_571], %gather3A_570 {strides = array<i32>} : memref<64xi32, #tpu.memory_space<vmem>>, vector<16xi32>,
        %add3A_573 = arith.constant 2 : i32
        %add3A_574 = vector.broadcast %add3A_573 : i32 to vector<16xi32>
        %add3A_575 = arith.addi %add3A_563, %add3A_574 : vector<16xi32>
        %gather3A_576 = tpu.vector_load_idx %arg6[%mul3A_40, %add3A_575] : memref<24x128xi32, #tpu.memory_space<vmem>>[vector<16xi32>, vector<16xi32>], vector<16xi32>,
        %swap3A_577 = arith.constant 32 : index
        %swap3A_578 = tpu.vector_load %arg9[%swap3A_577] {strides = array<i32>} : memref<64xi32, #tpu.memory_space<vmem>>, vector<16xi32>,
        tpu.vector_store %arg9[%swap3A_577], %gather3A_576 {strides = array<i32>} : memref<64xi32, #tpu.memory_space<vmem>>, vector<16xi32>,
        %add3A_579 = arith.constant 144 : i32
        %add3A_580 = arith.addi %mul3A_521, %add3A_579 : i32
        %add3A_581 = vector.broadcast %add3A_580 : i32 to vector<16xi32>
        %add3A_582 = arith.addi %mul3A_37, %add3A_581 : vector<16xi32>
        %gather3A_583 = tpu.vector_load_idx %arg6[%mul3A_40, %add3A_582] : memref<24x128xi32, #tpu.memory_space<vmem>>[vector<16xi32>, vector<16xi32>], vector<16xi32>,
        %swap3A_584 = arith.constant 48 : index
        %swap3A_585 = tpu.vector_load %arg7[%swap3A_584] {strides = array<i32>} : memref<64xi32, #tpu.memory_space<vmem>>, vector<16xi32>,
        tpu.vector_store %arg7[%swap3A_584], %gather3A_583 {strides = array<i32>} : memref<64xi32, #tpu.memory_space<vmem>>, vector<16xi32>,
        %add3A_586 = arith.constant 1 : i32
        %add3A_587 = vector.broadcast %add3A_586 : i32 to vector<16xi32>
        %add3A_588 = arith.addi %add3A_582, %add3A_587 : vector<16xi32>
        %gather3A_589 = tpu.vector_load_idx %arg6[%mul3A_40, %add3A_588] : memref<24x128xi32, #tpu.memory_space<vmem>>[vector<16xi32>, vector<16xi32>], vector<16xi32>,
        %swap3A_590 = arith.constant 48 : index
        %swap3A_591 = tpu.vector_load %arg8[%swap3A_590] {strides = array<i32>} : memref<64xi32, #tpu.memory_space<vmem>>, vector<16xi32>,
        tpu.vector_store %arg8[%swap3A_590], %gather3A_589 {strides = array<i32>} : memref<64xi32, #tpu.memory_space<vmem>>, vector<16xi32>,
        %add3A_592 = arith.constant 2 : i32
        %add3A_593 = vector.broadcast %add3A_592 : i32 to vector<16xi32>
        %add3A_594 = arith.addi %add3A_582, %add3A_593 : vector<16xi32>
        %gather3A_595 = tpu.vector_load_idx %arg6[%mul3A_40, %add3A_594] : memref<24x128xi32, #tpu.memory_space<vmem>>[vector<16xi32>, vector<16xi32>], vector<16xi32>,
        %swap3A_596 = arith.constant 48 : index
        %swap3A_597 = tpu.vector_load %arg9[%swap3A_596] {strides = array<i32>} : memref<64xi32, #tpu.memory_space<vmem>>, vector<16xi32>,
        tpu.vector_store %arg9[%swap3A_596], %gather3A_595 {strides = array<i32>} : memref<64xi32, #tpu.memory_space<vmem>>, vector<16xi32>,
        %dma_start3A_598 = arith.constant 0 : i32
        %dma_start3A_599 = arith.constant 0 : i32
        %dma_start3A_600 = tpu.memref_slice %arg10[%dma_start3A_598, %dma_start3A_599] : memref<384x128xf32, #tpu.memory_space<vmem>> -> memref<64x128xf32, #tpu.memory_space<vmem>>
        %dma_start3A_601 = arith.constant 0 : i32
        %dma_start3A_602 = arith.constant 0 : i32
        %dma_start3A_603 = tpu.memref_slice %arg2[%dma_start3A_601, %dma_start3A_602] : memref<8192x128xf32, #tpu.memory_space<hbm>> -> memref<8192x128xf32, #tpu.memory_space<hbm>>
        tpu.enqueue_indirect_dma source(%dma_start3A_603 : memref<8192x128xf32, #tpu.memory_space<hbm>>) target(%dma_start3A_600 : memref<64x128xf32, #tpu.memory_space<vmem>>) offsets(%arg7 : memref<64xi32, #tpu.memory_space<vmem>>) semaphore(%arg13 : memref<!tpu.dma_semaphore, #tpu.memory_space<semaphore_mem>>)
        %dma_start3A_604 = arith.constant 64 : i32
        %dma_start3A_605 = arith.constant 0 : i32
        %dma_start3A_606 = tpu.memref_slice %arg10[%dma_start3A_604, %dma_start3A_605] : memref<384x128xf32, #tpu.memory_space<vmem>> -> memref<64x128xf32, #tpu.memory_space<vmem>>
        %dma_start3A_607 = arith.constant 0 : i32
        %dma_start3A_608 = arith.constant 0 : i32
        %dma_start3A_609 = tpu.memref_slice %arg2[%dma_start3A_607, %dma_start3A_608] : memref<8192x128xf32, #tpu.memory_space<hbm>> -> memref<8192x128xf32, #tpu.memory_space<hbm>>
        tpu.enqueue_indirect_dma source(%dma_start3A_609 : memref<8192x128xf32, #tpu.memory_space<hbm>>) target(%dma_start3A_606 : memref<64x128xf32, #tpu.memory_space<vmem>>) offsets(%arg8 : memref<64xi32, #tpu.memory_space<vmem>>) semaphore(%arg13 : memref<!tpu.dma_semaphore, #tpu.memory_space<semaphore_mem>>)
        %dma_start3A_610 = arith.constant 128 : i32
        %dma_start3A_611 = arith.constant 0 : i32
        %dma_start3A_612 = tpu.memref_slice %arg10[%dma_start3A_610, %dma_start3A_611] : memref<384x128xf32, #tpu.memory_space<vmem>> -> memref<64x128xf32, #tpu.memory_space<vmem>>
        %dma_start3A_613 = arith.constant 0 : i32
        %dma_start3A_614 = arith.constant 0 : i32
        %dma_start3A_615 = tpu.memref_slice %arg2[%dma_start3A_613, %dma_start3A_614] : memref<8192x128xf32, #tpu.memory_space<hbm>> -> memref<8192x128xf32, #tpu.memory_space<hbm>>
        tpu.enqueue_indirect_dma source(%dma_start3A_615 : memref<8192x128xf32, #tpu.memory_space<hbm>>) target(%dma_start3A_612 : memref<64x128xf32, #tpu.memory_space<vmem>>) offsets(%arg9 : memref<64xi32, #tpu.memory_space<vmem>>) semaphore(%arg13 : memref<!tpu.dma_semaphore, #tpu.memory_space<semaphore_mem>>)
      } else {
      }
      %gt3A_393 = arith.constant 0 : i32
      %gt3A_394 = arith.cmpi sgt, %scan3A_208, %gt3A_393 : i32
      %convert_element_type3A_395 = arith.extui %gt3A_394 : i1 to i32
      %cond3A_396 = arith.constant 0 : i32
      %cond3A_397 = arith.cmpi ne, %convert_element_type3A_395, %cond3A_396 : i32
      scf.if %cond3A_397 {
        %dma_wait3A_518 = arith.constant 1 : i32
        %dma_wait3A_519 = arith.constant 0 : i32
        %dma_wait3A_520 = arith.constant 0 : i32
        %dma_wait3A_521 = arith.constant 0 : i32
        %dma_wait3A_522 = arith.constant 0 : i32
        %dma_wait3A_523 = tpu.memref_slice %arg11[%dma_wait3A_518, %dma_wait3A_519, %dma_wait3A_521, %dma_wait3A_522] : memref<2x2x64x128xf32, #tpu.memory_space<vmem>> -> memref<1x1x64x128xf32, #tpu.memory_space<vmem>>
        %dma_wait3A_524 = tpu.memref_squeeze %dma_wait3A_523 : memref<1x1x64x128xf32, #tpu.memory_space<vmem>> -> memref<64x128xf32, #tpu.memory_space<vmem>>
        %dma_wait3A_525 = arith.constant 0 : i32
        %dma_wait3A_526 = tpu.memref_slice %arg5[%select_n3A, %add3A_367, %dma_wait3A_520, %dma_wait3A_525] : memref<8x8192x1x128xf32, #tpu.memory_space<hbm>> -> memref<1x64x1x128xf32, #tpu.memory_space<hbm>>
        %dma_wait3A_527 = tpu.memref_squeeze %dma_wait3A_526 : memref<1x64x1x128xf32, #tpu.memory_space<hbm>> -> memref<64x128xf32, #tpu.memory_space<hbm>>
        %dma_wait3A_528 = arith.constant 0 : i32
        %dma_wait3A_529 = tpu.memref_slice %arg5[%select_n3A, %add3A_367, %dma_wait3A_520, %dma_wait3A_528] : memref<8x8192x1x128xf32, #tpu.memory_space<hbm>> -> memref<1x64x1x128xf32, #tpu.memory_space<hbm>>
        %dma_wait3A_530 = tpu.memref_squeeze %dma_wait3A_529 : memref<1x64x1x128xf32, #tpu.memory_space<hbm>> -> memref<64x128xf32, #tpu.memory_space<hbm>>
        %dma_wait3A_531 = arith.constant 0 : i32
        %dma_wait3A_532 = arith.constant 0 : i32
        %dma_wait3A_533 = tpu.memref_slice %arg11[%dma_wait3A_518, %dma_wait3A_519, %dma_wait3A_531, %dma_wait3A_532] : memref<2x2x64x128xf32, #tpu.memory_space<vmem>> -> memref<1x1x64x128xf32, #tpu.memory_space<vmem>>
        %dma_wait3A_534 = tpu.memref_squeeze %dma_wait3A_533 : memref<1x1x64x128xf32, #tpu.memory_space<vmem>> -> memref<64x128xf32, #tpu.memory_space<vmem>>
        tpu.wait_dma2 semaphore(%arg16 : memref<!tpu.dma_semaphore, #tpu.memory_space<semaphore_mem>>) src(%dma_wait3A_534 : memref<64x128xf32, #tpu.memory_space<vmem>>) dst(%dma_wait3A_530 : memref<64x128xf32, #tpu.memory_space<hbm>>)
        %add3A_535 = arith.constant 4 : i32
        %add3A_536 = arith.addi %select_n3A, %add3A_535 : i32
        %dma_wait3A_537 = arith.constant 1 : i32
        %dma_wait3A_538 = arith.constant 1 : i32
        %dma_wait3A_539 = arith.constant 0 : i32
        %dma_wait3A_540 = arith.constant 0 : i32
        %dma_wait3A_541 = arith.constant 0 : i32
        %dma_wait3A_542 = tpu.memref_slice %arg11[%dma_wait3A_537, %dma_wait3A_538, %dma_wait3A_540, %dma_wait3A_541] : memref<2x2x64x128xf32, #tpu.memory_space<vmem>> -> memref<1x1x64x128xf32, #tpu.memory_space<vmem>>
        %dma_wait3A_543 = tpu.memref_squeeze %dma_wait3A_542 : memref<1x1x64x128xf32, #tpu.memory_space<vmem>> -> memref<64x128xf32, #tpu.memory_space<vmem>>
        %dma_wait3A_544 = arith.constant 0 : i32
        %dma_wait3A_545 = tpu.memref_slice %arg5[%add3A_536, %add3A_367, %dma_wait3A_539, %dma_wait3A_544] : memref<8x8192x1x128xf32, #tpu.memory_space<hbm>> -> memref<1x64x1x128xf32, #tpu.memory_space<hbm>>
        %dma_wait3A_546 = tpu.memref_squeeze %dma_wait3A_545 : memref<1x64x1x128xf32, #tpu.memory_space<hbm>> -> memref<64x128xf32, #tpu.memory_space<hbm>>
        %dma_wait3A_547 = arith.constant 0 : i32
        %dma_wait3A_548 = tpu.memref_slice %arg5[%add3A_536, %add3A_367, %dma_wait3A_539, %dma_wait3A_547] : memref<8x8192x1x128xf32, #tpu.memory_space<hbm>> -> memref<1x64x1x128xf32, #tpu.memory_space<hbm>>
        %dma_wait3A_549 = tpu.memref_squeeze %dma_wait3A_548 : memref<1x64x1x128xf32, #tpu.memory_space<hbm>> -> memref<64x128xf32, #tpu.memory_space<hbm>>
        %dma_wait3A_550 = arith.constant 0 : i32
        %dma_wait3A_551 = arith.constant 0 : i32
        %dma_wait3A_552 = tpu.memref_slice %arg11[%dma_wait3A_537, %dma_wait3A_538, %dma_wait3A_550, %dma_wait3A_551] : memref<2x2x64x128xf32, #tpu.memory_space<vmem>> -> memref<1x1x64x128xf32, #tpu.memory_space<vmem>>
        %dma_wait3A_553 = tpu.memref_squeeze %dma_wait3A_552 : memref<1x1x64x128xf32, #tpu.memory_space<vmem>> -> memref<64x128xf32, #tpu.memory_space<vmem>>
        tpu.wait_dma2 semaphore(%arg16 : memref<!tpu.dma_semaphore, #tpu.memory_space<semaphore_mem>>) src(%dma_wait3A_553 : memref<64x128xf32, #tpu.memory_space<vmem>>) dst(%dma_wait3A_549 : memref<64x128xf32, #tpu.memory_space<hbm>>)
      } else {
      }
      %get3A_398 = arith.constant 0 : index
      %get3A_399 = tpu.vector_load %arg12[%get3A_398] {strides = array<i32>} : memref<256xi32, #tpu.memory_space<vmem>>, vector<16xi32>,
      %add3A_400 = arith.constant 24576 : i32
      %add3A_401 = vector.broadcast %add3A_400 : i32 to vector<16xi32>
      %add3A_402 = arith.addi %get3A_399, %add3A_401 : vector<16xi32>
      %get3A_403 = arith.constant 16 : index
      %get3A_404 = tpu.vector_load %arg12[%get3A_403] {strides = array<i32>} : memref<256xi32, #tpu.memory_space<vmem>>, vector<16xi32>,
      %add3A_405 = arith.constant 24576 : i32
      %add3A_406 = vector.broadcast %add3A_405 : i32 to vector<16xi32>
      %add3A_407 = arith.addi %get3A_404, %add3A_406 : vector<16xi32>
      %get3A_408 = arith.constant 32 : index
      %get3A_409 = tpu.vector_load %arg12[%get3A_408] {strides = array<i32>} : memref<256xi32, #tpu.memory_space<vmem>>, vector<16xi32>,
      %add3A_410 = arith.constant 24576 : i32
      %add3A_411 = vector.broadcast %add3A_410 : i32 to vector<16xi32>
      %add3A_412 = arith.addi %get3A_409, %add3A_411 : vector<16xi32>
      %get3A_413 = arith.constant 48 : index
      %get3A_414 = tpu.vector_load %arg12[%get3A_413] {strides = array<i32>} : memref<256xi32, #tpu.memory_space<vmem>>, vector<16xi32>,
      %add3A_415 = arith.constant 24576 : i32
      %add3A_416 = vector.broadcast %add3A_415 : i32 to vector<16xi32>
      %add3A_417 = arith.addi %get3A_414, %add3A_416 : vector<16xi32>
      %get3A_418 = arith.constant 64 : index
      %get3A_419 = tpu.vector_load %arg12[%get3A_418] {strides = array<i32>} : memref<256xi32, #tpu.memory_space<vmem>>, vector<16xi32>,
      %add3A_420 = arith.constant 24576 : i32
      %add3A_421 = vector.broadcast %add3A_420 : i32 to vector<16xi32>
      %add3A_422 = arith.addi %get3A_419, %add3A_421 : vector<16xi32>
      %get3A_423 = arith.constant 80 : index
      %get3A_424 = tpu.vector_load %arg12[%get3A_423] {strides = array<i32>} : memref<256xi32, #tpu.memory_space<vmem>>, vector<16xi32>,
      %add3A_425 = arith.constant 24576 : i32
      %add3A_426 = vector.broadcast %add3A_425 : i32 to vector<16xi32>
      %add3A_427 = arith.addi %get3A_424, %add3A_426 : vector<16xi32>
      %get3A_428 = arith.constant 96 : index
      %get3A_429 = tpu.vector_load %arg12[%get3A_428] {strides = array<i32>} : memref<256xi32, #tpu.memory_space<vmem>>, vector<16xi32>,
      %add3A_430 = arith.constant 24576 : i32
      %add3A_431 = vector.broadcast %add3A_430 : i32 to vector<16xi32>
      %add3A_432 = arith.addi %get3A_429, %add3A_431 : vector<16xi32>
      %get3A_433 = arith.constant 112 : index
      %get3A_434 = tpu.vector_load %arg12[%get3A_433] {strides = array<i32>} : memref<256xi32, #tpu.memory_space<vmem>>, vector<16xi32>,
      %add3A_435 = arith.constant 24576 : i32
      %add3A_436 = vector.broadcast %add3A_435 : i32 to vector<16xi32>
      %add3A_437 = arith.addi %get3A_434, %add3A_436 : vector<16xi32>
      %get3A_438 = arith.constant 128 : index
      %get3A_439 = tpu.vector_load %arg12[%get3A_438] {strides = array<i32>} : memref<256xi32, #tpu.memory_space<vmem>>, vector<16xi32>,
      %add3A_440 = arith.constant 24576 : i32
      %add3A_441 = vector.broadcast %add3A_440 : i32 to vector<16xi32>
      %add3A_442 = arith.addi %get3A_439, %add3A_441 : vector<16xi32>
      %get3A_443 = arith.constant 144 : index
      %get3A_444 = tpu.vector_load %arg12[%get3A_443] {strides = array<i32>} : memref<256xi32, #tpu.memory_space<vmem>>, vector<16xi32>,
      %add3A_445 = arith.constant 24576 : i32
      %add3A_446 = vector.broadcast %add3A_445 : i32 to vector<16xi32>
      %add3A_447 = arith.addi %get3A_444, %add3A_446 : vector<16xi32>
      %get3A_448 = arith.constant 160 : index
      %get3A_449 = tpu.vector_load %arg12[%get3A_448] {strides = array<i32>} : memref<256xi32, #tpu.memory_space<vmem>>, vector<16xi32>,
      %add3A_450 = arith.constant 24576 : i32
      %add3A_451 = vector.broadcast %add3A_450 : i32 to vector<16xi32>
      %add3A_452 = arith.addi %get3A_449, %add3A_451 : vector<16xi32>
      %get3A_453 = arith.constant 176 : index
      %get3A_454 = tpu.vector_load %arg12[%get3A_453] {strides = array<i32>} : memref<256xi32, #tpu.memory_space<vmem>>, vector<16xi32>,
      %add3A_455 = arith.constant 24576 : i32
      %add3A_456 = vector.broadcast %add3A_455 : i32 to vector<16xi32>
      %add3A_457 = arith.addi %get3A_454, %add3A_456 : vector<16xi32>
      %get3A_458 = arith.constant 192 : index
      %get3A_459 = tpu.vector_load %arg12[%get3A_458] {strides = array<i32>} : memref<256xi32, #tpu.memory_space<vmem>>, vector<16xi32>,
      %add3A_460 = arith.constant 24576 : i32
      %add3A_461 = vector.broadcast %add3A_460 : i32 to vector<16xi32>
      %add3A_462 = arith.addi %get3A_459, %add3A_461 : vector<16xi32>
      %get3A_463 = arith.constant 208 : index
      %get3A_464 = tpu.vector_load %arg12[%get3A_463] {strides = array<i32>} : memref<256xi32, #tpu.memory_space<vmem>>, vector<16xi32>,
      %add3A_465 = arith.constant 24576 : i32
      %add3A_466 = vector.broadcast %add3A_465 : i32 to vector<16xi32>
      %add3A_467 = arith.addi %get3A_464, %add3A_466 : vector<16xi32>
      %get3A_468 = arith.constant 224 : index
      %get3A_469 = tpu.vector_load %arg12[%get3A_468] {strides = array<i32>} : memref<256xi32, #tpu.memory_space<vmem>>, vector<16xi32>,
      %add3A_470 = arith.constant 24576 : i32
      %add3A_471 = vector.broadcast %add3A_470 : i32 to vector<16xi32>
      %add3A_472 = arith.addi %get3A_469, %add3A_471 : vector<16xi32>
      %get3A_473 = arith.constant 240 : index
      %get3A_474 = tpu.vector_load %arg12[%get3A_473] {strides = array<i32>} : memref<256xi32, #tpu.memory_space<vmem>>, vector<16xi32>,
      %add3A_475 = arith.constant 24576 : i32
      %add3A_476 = vector.broadcast %add3A_475 : i32 to vector<16xi32>
      %add3A_477 = arith.addi %get3A_474, %add3A_476 : vector<16xi32>
      %parallel_loop3A_478 = arith.constant 0 : i32
      %parallel_loop3A_479 = arith.constant 64 : i32
      %parallel_loop3A_480 = arith.constant 1 : i32
      %parallel_loop3A_481:16 = scf.for %parallel_loop3A_518 = %parallel_loop3A_478 to %parallel_loop3A_479 step %parallel_loop3A_480 iter_args(%parallel_loop3A_519 = %add3A_402, %parallel_loop3A_520 = %add3A_407, %parallel_loop3A_521 = %add3A_412, %parallel_loop3A_522 = %add3A_417, %parallel_loop3A_523 = %add3A_422, %parallel_loop3A_524 = %add3A_427, %parallel_loop3A_525 = %add3A_432, %parallel_loop3A_526 = %add3A_437, %parallel_loop3A_527 = %add3A_442, %parallel_loop3A_528 = %add3A_447, %parallel_loop3A_529 = %add3A_452, %parallel_loop3A_530 = %add3A_457, %parallel_loop3A_531 = %add3A_462, %parallel_loop3A_532 = %add3A_467, %parallel_loop3A_533 = %add3A_472, %parallel_loop3A_534 = %add3A_477) -> (vector<16xi32>, vector<16xi32>, vector<16xi32>, vector<16xi32>, vector<16xi32>, vector<16xi32>, vector<16xi32>, vector<16xi32>, vector<16xi32>, vector<16xi32>, vector<16xi32>, vector<16xi32>, vector<16xi32>, vector<16xi32>, vector<16xi32>, vector<16xi32>)  : i32 {
        %parallel_loop3A_535 = tpu.vector_load_idx %arg10[%mul3A_40, %parallel_loop3A_519] : memref<384x128xf32, #tpu.memory_space<vmem>>[vector<16xi32>, vector<16xi32>], vector<16xf32>,
        %parallel_loop3A_536 = arith.constant 1 : i32
        %parallel_loop3A_537 = arith.constant 0 : i32
        %parallel_loop3A_538 = arith.index_cast %parallel_loop3A_536 : i32 to index
        %parallel_loop3A_539 = arith.index_cast %parallel_loop3A_537 : i32 to index
        %parallel_loop3A_540 = arith.index_cast %parallel_loop3A_518 : i32 to index
        %parallel_loop3A_541 = arith.constant 0 : index
        %parallel_loop3A_542 = tpu.vector_load %arg11[%parallel_loop3A_538, %parallel_loop3A_539, %parallel_loop3A_540, %parallel_loop3A_541] {strides = array<i32>} : memref<2x2x64x128xf32, #tpu.memory_space<vmem>>, vector<16xf32>,
        tpu.vector_store %arg11[%parallel_loop3A_538, %parallel_loop3A_539, %parallel_loop3A_540, %parallel_loop3A_541], %parallel_loop3A_535 {strides = array<i32>} : memref<2x2x64x128xf32, #tpu.memory_space<vmem>>, vector<16xf32>,
        %parallel_loop3A_543 = tpu.vector_load_idx %arg10[%mul3A_40, %parallel_loop3A_520] : memref<384x128xf32, #tpu.memory_space<vmem>>[vector<16xi32>, vector<16xi32>], vector<16xf32>,
        %parallel_loop3A_544 = arith.constant 1 : i32
        %parallel_loop3A_545 = arith.constant 0 : i32
        %parallel_loop3A_546 = arith.index_cast %parallel_loop3A_544 : i32 to index
        %parallel_loop3A_547 = arith.index_cast %parallel_loop3A_545 : i32 to index
        %parallel_loop3A_548 = arith.index_cast %parallel_loop3A_518 : i32 to index
        %parallel_loop3A_549 = arith.constant 16 : index
        %parallel_loop3A_550 = tpu.vector_load %arg11[%parallel_loop3A_546, %parallel_loop3A_547, %parallel_loop3A_548, %parallel_loop3A_549] {strides = array<i32>} : memref<2x2x64x128xf32, #tpu.memory_space<vmem>>, vector<16xf32>,
        tpu.vector_store %arg11[%parallel_loop3A_546, %parallel_loop3A_547, %parallel_loop3A_548, %parallel_loop3A_549], %parallel_loop3A_543 {strides = array<i32>} : memref<2x2x64x128xf32, #tpu.memory_space<vmem>>, vector<16xf32>,
        %parallel_loop3A_551 = tpu.vector_load_idx %arg10[%mul3A_40, %parallel_loop3A_521] : memref<384x128xf32, #tpu.memory_space<vmem>>[vector<16xi32>, vector<16xi32>], vector<16xf32>,
        %parallel_loop3A_552 = arith.constant 1 : i32
        %parallel_loop3A_553 = arith.constant 0 : i32
        %parallel_loop3A_554 = arith.index_cast %parallel_loop3A_552 : i32 to index
        %parallel_loop3A_555 = arith.index_cast %parallel_loop3A_553 : i32 to index
        %parallel_loop3A_556 = arith.index_cast %parallel_loop3A_518 : i32 to index
        %parallel_loop3A_557 = arith.constant 32 : index
        %parallel_loop3A_558 = tpu.vector_load %arg11[%parallel_loop3A_554, %parallel_loop3A_555, %parallel_loop3A_556, %parallel_loop3A_557] {strides = array<i32>} : memref<2x2x64x128xf32, #tpu.memory_space<vmem>>, vector<16xf32>,
        tpu.vector_store %arg11[%parallel_loop3A_554, %parallel_loop3A_555, %parallel_loop3A_556, %parallel_loop3A_557], %parallel_loop3A_551 {strides = array<i32>} : memref<2x2x64x128xf32, #tpu.memory_space<vmem>>, vector<16xf32>,
        %parallel_loop3A_559 = tpu.vector_load_idx %arg10[%mul3A_40, %parallel_loop3A_522] : memref<384x128xf32, #tpu.memory_space<vmem>>[vector<16xi32>, vector<16xi32>], vector<16xf32>,
        %parallel_loop3A_560 = arith.constant 1 : i32
        %parallel_loop3A_561 = arith.constant 0 : i32
        %parallel_loop3A_562 = arith.index_cast %parallel_loop3A_560 : i32 to index
        %parallel_loop3A_563 = arith.index_cast %parallel_loop3A_561 : i32 to index
        %parallel_loop3A_564 = arith.index_cast %parallel_loop3A_518 : i32 to index
        %parallel_loop3A_565 = arith.constant 48 : index
        %parallel_loop3A_566 = tpu.vector_load %arg11[%parallel_loop3A_562, %parallel_loop3A_563, %parallel_loop3A_564, %parallel_loop3A_565] {strides = array<i32>} : memref<2x2x64x128xf32, #tpu.memory_space<vmem>>, vector<16xf32>,
        tpu.vector_store %arg11[%parallel_loop3A_562, %parallel_loop3A_563, %parallel_loop3A_564, %parallel_loop3A_565], %parallel_loop3A_559 {strides = array<i32>} : memref<2x2x64x128xf32, #tpu.memory_space<vmem>>, vector<16xf32>,
        %parallel_loop3A_567 = tpu.vector_load_idx %arg10[%mul3A_40, %parallel_loop3A_523] : memref<384x128xf32, #tpu.memory_space<vmem>>[vector<16xi32>, vector<16xi32>], vector<16xf32>,
        %parallel_loop3A_568 = arith.constant 1 : i32
        %parallel_loop3A_569 = arith.constant 0 : i32
        %parallel_loop3A_570 = arith.index_cast %parallel_loop3A_568 : i32 to index
        %parallel_loop3A_571 = arith.index_cast %parallel_loop3A_569 : i32 to index
        %parallel_loop3A_572 = arith.index_cast %parallel_loop3A_518 : i32 to index
        %parallel_loop3A_573 = arith.constant 64 : index
        %parallel_loop3A_574 = tpu.vector_load %arg11[%parallel_loop3A_570, %parallel_loop3A_571, %parallel_loop3A_572, %parallel_loop3A_573] {strides = array<i32>} : memref<2x2x64x128xf32, #tpu.memory_space<vmem>>, vector<16xf32>,
        tpu.vector_store %arg11[%parallel_loop3A_570, %parallel_loop3A_571, %parallel_loop3A_572, %parallel_loop3A_573], %parallel_loop3A_567 {strides = array<i32>} : memref<2x2x64x128xf32, #tpu.memory_space<vmem>>, vector<16xf32>,
        %parallel_loop3A_575 = tpu.vector_load_idx %arg10[%mul3A_40, %parallel_loop3A_524] : memref<384x128xf32, #tpu.memory_space<vmem>>[vector<16xi32>, vector<16xi32>], vector<16xf32>,
        %parallel_loop3A_576 = arith.constant 1 : i32
        %parallel_loop3A_577 = arith.constant 0 : i32
        %parallel_loop3A_578 = arith.index_cast %parallel_loop3A_576 : i32 to index
        %parallel_loop3A_579 = arith.index_cast %parallel_loop3A_577 : i32 to index
        %parallel_loop3A_580 = arith.index_cast %parallel_loop3A_518 : i32 to index
        %parallel_loop3A_581 = arith.constant 80 : index
        %parallel_loop3A_582 = tpu.vector_load %arg11[%parallel_loop3A_578, %parallel_loop3A_579, %parallel_loop3A_580, %parallel_loop3A_581] {strides = array<i32>} : memref<2x2x64x128xf32, #tpu.memory_space<vmem>>, vector<16xf32>,
        tpu.vector_store %arg11[%parallel_loop3A_578, %parallel_loop3A_579, %parallel_loop3A_580, %parallel_loop3A_581], %parallel_loop3A_575 {strides = array<i32>} : memref<2x2x64x128xf32, #tpu.memory_space<vmem>>, vector<16xf32>,
        %parallel_loop3A_583 = tpu.vector_load_idx %arg10[%mul3A_40, %parallel_loop3A_525] : memref<384x128xf32, #tpu.memory_space<vmem>>[vector<16xi32>, vector<16xi32>], vector<16xf32>,
        %parallel_loop3A_584 = arith.constant 1 : i32
        %parallel_loop3A_585 = arith.constant 0 : i32
        %parallel_loop3A_586 = arith.index_cast %parallel_loop3A_584 : i32 to index
        %parallel_loop3A_587 = arith.index_cast %parallel_loop3A_585 : i32 to index
        %parallel_loop3A_588 = arith.index_cast %parallel_loop3A_518 : i32 to index
        %parallel_loop3A_589 = arith.constant 96 : index
        %parallel_loop3A_590 = tpu.vector_load %arg11[%parallel_loop3A_586, %parallel_loop3A_587, %parallel_loop3A_588, %parallel_loop3A_589] {strides = array<i32>} : memref<2x2x64x128xf32, #tpu.memory_space<vmem>>, vector<16xf32>,
        tpu.vector_store %arg11[%parallel_loop3A_586, %parallel_loop3A_587, %parallel_loop3A_588, %parallel_loop3A_589], %parallel_loop3A_583 {strides = array<i32>} : memref<2x2x64x128xf32, #tpu.memory_space<vmem>>, vector<16xf32>,
        %parallel_loop3A_591 = tpu.vector_load_idx %arg10[%mul3A_40, %parallel_loop3A_526] : memref<384x128xf32, #tpu.memory_space<vmem>>[vector<16xi32>, vector<16xi32>], vector<16xf32>,
        %parallel_loop3A_592 = arith.constant 1 : i32
        %parallel_loop3A_593 = arith.constant 0 : i32
        %parallel_loop3A_594 = arith.index_cast %parallel_loop3A_592 : i32 to index
        %parallel_loop3A_595 = arith.index_cast %parallel_loop3A_593 : i32 to index
        %parallel_loop3A_596 = arith.index_cast %parallel_loop3A_518 : i32 to index
        %parallel_loop3A_597 = arith.constant 112 : index
        %parallel_loop3A_598 = tpu.vector_load %arg11[%parallel_loop3A_594, %parallel_loop3A_595, %parallel_loop3A_596, %parallel_loop3A_597] {strides = array<i32>} : memref<2x2x64x128xf32, #tpu.memory_space<vmem>>, vector<16xf32>,
        tpu.vector_store %arg11[%parallel_loop3A_594, %parallel_loop3A_595, %parallel_loop3A_596, %parallel_loop3A_597], %parallel_loop3A_591 {strides = array<i32>} : memref<2x2x64x128xf32, #tpu.memory_space<vmem>>, vector<16xf32>,
        %parallel_loop3A_599 = tpu.vector_load_idx %arg10[%mul3A_40, %parallel_loop3A_527] : memref<384x128xf32, #tpu.memory_space<vmem>>[vector<16xi32>, vector<16xi32>], vector<16xf32>,
        %parallel_loop3A_600 = arith.constant 1 : i32
        %parallel_loop3A_601 = arith.constant 1 : i32
        %parallel_loop3A_602 = arith.index_cast %parallel_loop3A_600 : i32 to index
        %parallel_loop3A_603 = arith.index_cast %parallel_loop3A_601 : i32 to index
        %parallel_loop3A_604 = arith.index_cast %parallel_loop3A_518 : i32 to index
        %parallel_loop3A_605 = arith.constant 0 : index
        %parallel_loop3A_606 = tpu.vector_load %arg11[%parallel_loop3A_602, %parallel_loop3A_603, %parallel_loop3A_604, %parallel_loop3A_605] {strides = array<i32>} : memref<2x2x64x128xf32, #tpu.memory_space<vmem>>, vector<16xf32>,
        tpu.vector_store %arg11[%parallel_loop3A_602, %parallel_loop3A_603, %parallel_loop3A_604, %parallel_loop3A_605], %parallel_loop3A_599 {strides = array<i32>} : memref<2x2x64x128xf32, #tpu.memory_space<vmem>>, vector<16xf32>,
        %parallel_loop3A_607 = tpu.vector_load_idx %arg10[%mul3A_40, %parallel_loop3A_528] : memref<384x128xf32, #tpu.memory_space<vmem>>[vector<16xi32>, vector<16xi32>], vector<16xf32>,
        %parallel_loop3A_608 = arith.constant 1 : i32
        %parallel_loop3A_609 = arith.constant 1 : i32
        %parallel_loop3A_610 = arith.index_cast %parallel_loop3A_608 : i32 to index
        %parallel_loop3A_611 = arith.index_cast %parallel_loop3A_609 : i32 to index
        %parallel_loop3A_612 = arith.index_cast %parallel_loop3A_518 : i32 to index
        %parallel_loop3A_613 = arith.constant 16 : index
        %parallel_loop3A_614 = tpu.vector_load %arg11[%parallel_loop3A_610, %parallel_loop3A_611, %parallel_loop3A_612, %parallel_loop3A_613] {strides = array<i32>} : memref<2x2x64x128xf32, #tpu.memory_space<vmem>>, vector<16xf32>,
        tpu.vector_store %arg11[%parallel_loop3A_610, %parallel_loop3A_611, %parallel_loop3A_612, %parallel_loop3A_613], %parallel_loop3A_607 {strides = array<i32>} : memref<2x2x64x128xf32, #tpu.memory_space<vmem>>, vector<16xf32>,
        %parallel_loop3A_615 = tpu.vector_load_idx %arg10[%mul3A_40, %parallel_loop3A_529] : memref<384x128xf32, #tpu.memory_space<vmem>>[vector<16xi32>, vector<16xi32>], vector<16xf32>,
        %parallel_loop3A_616 = arith.constant 1 : i32
        %parallel_loop3A_617 = arith.constant 1 : i32
        %parallel_loop3A_618 = arith.index_cast %parallel_loop3A_616 : i32 to index
        %parallel_loop3A_619 = arith.index_cast %parallel_loop3A_617 : i32 to index
        %parallel_loop3A_620 = arith.index_cast %parallel_loop3A_518 : i32 to index
        %parallel_loop3A_621 = arith.constant 32 : index
        %parallel_loop3A_622 = tpu.vector_load %arg11[%parallel_loop3A_618, %parallel_loop3A_619, %parallel_loop3A_620, %parallel_loop3A_621] {strides = array<i32>} : memref<2x2x64x128xf32, #tpu.memory_space<vmem>>, vector<16xf32>,
        tpu.vector_store %arg11[%parallel_loop3A_618, %parallel_loop3A_619, %parallel_loop3A_620, %parallel_loop3A_621], %parallel_loop3A_615 {strides = array<i32>} : memref<2x2x64x128xf32, #tpu.memory_space<vmem>>, vector<16xf32>,
        %parallel_loop3A_623 = tpu.vector_load_idx %arg10[%mul3A_40, %parallel_loop3A_530] : memref<384x128xf32, #tpu.memory_space<vmem>>[vector<16xi32>, vector<16xi32>], vector<16xf32>,
        %parallel_loop3A_624 = arith.constant 1 : i32
        %parallel_loop3A_625 = arith.constant 1 : i32
        %parallel_loop3A_626 = arith.index_cast %parallel_loop3A_624 : i32 to index
        %parallel_loop3A_627 = arith.index_cast %parallel_loop3A_625 : i32 to index
        %parallel_loop3A_628 = arith.index_cast %parallel_loop3A_518 : i32 to index
        %parallel_loop3A_629 = arith.constant 48 : index
        %parallel_loop3A_630 = tpu.vector_load %arg11[%parallel_loop3A_626, %parallel_loop3A_627, %parallel_loop3A_628, %parallel_loop3A_629] {strides = array<i32>} : memref<2x2x64x128xf32, #tpu.memory_space<vmem>>, vector<16xf32>,
        tpu.vector_store %arg11[%parallel_loop3A_626, %parallel_loop3A_627, %parallel_loop3A_628, %parallel_loop3A_629], %parallel_loop3A_623 {strides = array<i32>} : memref<2x2x64x128xf32, #tpu.memory_space<vmem>>, vector<16xf32>,
        %parallel_loop3A_631 = tpu.vector_load_idx %arg10[%mul3A_40, %parallel_loop3A_531] : memref<384x128xf32, #tpu.memory_space<vmem>>[vector<16xi32>, vector<16xi32>], vector<16xf32>,
        %parallel_loop3A_632 = arith.constant 1 : i32
        %parallel_loop3A_633 = arith.constant 1 : i32
        %parallel_loop3A_634 = arith.index_cast %parallel_loop3A_632 : i32 to index
        %parallel_loop3A_635 = arith.index_cast %parallel_loop3A_633 : i32 to index
        %parallel_loop3A_636 = arith.index_cast %parallel_loop3A_518 : i32 to index
        %parallel_loop3A_637 = arith.constant 64 : index
        %parallel_loop3A_638 = tpu.vector_load %arg11[%parallel_loop3A_634, %parallel_loop3A_635, %parallel_loop3A_636, %parallel_loop3A_637] {strides = array<i32>} : memref<2x2x64x128xf32, #tpu.memory_space<vmem>>, vector<16xf32>,
        tpu.vector_store %arg11[%parallel_loop3A_634, %parallel_loop3A_635, %parallel_loop3A_636, %parallel_loop3A_637], %parallel_loop3A_631 {strides = array<i32>} : memref<2x2x64x128xf32, #tpu.memory_space<vmem>>, vector<16xf32>,
        %parallel_loop3A_639 = tpu.vector_load_idx %arg10[%mul3A_40, %parallel_loop3A_532] : memref<384x128xf32, #tpu.memory_space<vmem>>[vector<16xi32>, vector<16xi32>], vector<16xf32>,
        %parallel_loop3A_640 = arith.constant 1 : i32
        %parallel_loop3A_641 = arith.constant 1 : i32
        %parallel_loop3A_642 = arith.index_cast %parallel_loop3A_640 : i32 to index
        %parallel_loop3A_643 = arith.index_cast %parallel_loop3A_641 : i32 to index
        %parallel_loop3A_644 = arith.index_cast %parallel_loop3A_518 : i32 to index
        %parallel_loop3A_645 = arith.constant 80 : index
        %parallel_loop3A_646 = tpu.vector_load %arg11[%parallel_loop3A_642, %parallel_loop3A_643, %parallel_loop3A_644, %parallel_loop3A_645] {strides = array<i32>} : memref<2x2x64x128xf32, #tpu.memory_space<vmem>>, vector<16xf32>,
        tpu.vector_store %arg11[%parallel_loop3A_642, %parallel_loop3A_643, %parallel_loop3A_644, %parallel_loop3A_645], %parallel_loop3A_639 {strides = array<i32>} : memref<2x2x64x128xf32, #tpu.memory_space<vmem>>, vector<16xf32>,
        %parallel_loop3A_647 = tpu.vector_load_idx %arg10[%mul3A_40, %parallel_loop3A_533] : memref<384x128xf32, #tpu.memory_space<vmem>>[vector<16xi32>, vector<16xi32>], vector<16xf32>,
        %parallel_loop3A_648 = arith.constant 1 : i32
        %parallel_loop3A_649 = arith.constant 1 : i32
        %parallel_loop3A_650 = arith.index_cast %parallel_loop3A_648 : i32 to index
        %parallel_loop3A_651 = arith.index_cast %parallel_loop3A_649 : i32 to index
        %parallel_loop3A_652 = arith.index_cast %parallel_loop3A_518 : i32 to index
        %parallel_loop3A_653 = arith.constant 96 : index
        %parallel_loop3A_654 = tpu.vector_load %arg11[%parallel_loop3A_650, %parallel_loop3A_651, %parallel_loop3A_652, %parallel_loop3A_653] {strides = array<i32>} : memref<2x2x64x128xf32, #tpu.memory_space<vmem>>, vector<16xf32>,
        tpu.vector_store %arg11[%parallel_loop3A_650, %parallel_loop3A_651, %parallel_loop3A_652, %parallel_loop3A_653], %parallel_loop3A_647 {strides = array<i32>} : memref<2x2x64x128xf32, #tpu.memory_space<vmem>>, vector<16xf32>,
        %parallel_loop3A_655 = tpu.vector_load_idx %arg10[%mul3A_40, %parallel_loop3A_534] : memref<384x128xf32, #tpu.memory_space<vmem>>[vector<16xi32>, vector<16xi32>], vector<16xf32>,
        %parallel_loop3A_656 = arith.constant 1 : i32
        %parallel_loop3A_657 = arith.constant 1 : i32
        %parallel_loop3A_658 = arith.index_cast %parallel_loop3A_656 : i32 to index
        %parallel_loop3A_659 = arith.index_cast %parallel_loop3A_657 : i32 to index
        %parallel_loop3A_660 = arith.index_cast %parallel_loop3A_518 : i32 to index
        %parallel_loop3A_661 = arith.constant 112 : index
        %parallel_loop3A_662 = tpu.vector_load %arg11[%parallel_loop3A_658, %parallel_loop3A_659, %parallel_loop3A_660, %parallel_loop3A_661] {strides = array<i32>} : memref<2x2x64x128xf32, #tpu.memory_space<vmem>>, vector<16xf32>,
        tpu.vector_store %arg11[%parallel_loop3A_658, %parallel_loop3A_659, %parallel_loop3A_660, %parallel_loop3A_661], %parallel_loop3A_655 {strides = array<i32>} : memref<2x2x64x128xf32, #tpu.memory_space<vmem>>, vector<16xf32>,
        %parallel_loop3A_663 = arith.constant 128 : i32
        %parallel_loop3A_664 = vector.broadcast %parallel_loop3A_663 : i32 to vector<16xi32>
        %parallel_loop3A_665 = arith.addi %parallel_loop3A_519, %parallel_loop3A_664 : vector<16xi32>
        %parallel_loop3A_666 = arith.constant 128 : i32
        %parallel_loop3A_667 = vector.broadcast %parallel_loop3A_666 : i32 to vector<16xi32>
        %parallel_loop3A_668 = arith.addi %parallel_loop3A_520, %parallel_loop3A_667 : vector<16xi32>
        %parallel_loop3A_669 = arith.constant 128 : i32
        %parallel_loop3A_670 = vector.broadcast %parallel_loop3A_669 : i32 to vector<16xi32>
        %parallel_loop3A_671 = arith.addi %parallel_loop3A_521, %parallel_loop3A_670 : vector<16xi32>
        %parallel_loop3A_672 = arith.constant 128 : i32
        %parallel_loop3A_673 = vector.broadcast %parallel_loop3A_672 : i32 to vector<16xi32>
        %parallel_loop3A_674 = arith.addi %parallel_loop3A_522, %parallel_loop3A_673 : vector<16xi32>
        %parallel_loop3A_675 = arith.constant 128 : i32
        %parallel_loop3A_676 = vector.broadcast %parallel_loop3A_675 : i32 to vector<16xi32>
        %parallel_loop3A_677 = arith.addi %parallel_loop3A_523, %parallel_loop3A_676 : vector<16xi32>
        %parallel_loop3A_678 = arith.constant 128 : i32
        %parallel_loop3A_679 = vector.broadcast %parallel_loop3A_678 : i32 to vector<16xi32>
        %parallel_loop3A_680 = arith.addi %parallel_loop3A_524, %parallel_loop3A_679 : vector<16xi32>
        %parallel_loop3A_681 = arith.constant 128 : i32
        %parallel_loop3A_682 = vector.broadcast %parallel_loop3A_681 : i32 to vector<16xi32>
        %parallel_loop3A_683 = arith.addi %parallel_loop3A_525, %parallel_loop3A_682 : vector<16xi32>
        %parallel_loop3A_684 = arith.constant 128 : i32
        %parallel_loop3A_685 = vector.broadcast %parallel_loop3A_684 : i32 to vector<16xi32>
        %parallel_loop3A_686 = arith.addi %parallel_loop3A_526, %parallel_loop3A_685 : vector<16xi32>
        %parallel_loop3A_687 = arith.constant 128 : i32
        %parallel_loop3A_688 = vector.broadcast %parallel_loop3A_687 : i32 to vector<16xi32>
        %parallel_loop3A_689 = arith.addi %parallel_loop3A_527, %parallel_loop3A_688 : vector<16xi32>
        %parallel_loop3A_690 = arith.constant 128 : i32
        %parallel_loop3A_691 = vector.broadcast %parallel_loop3A_690 : i32 to vector<16xi32>
        %parallel_loop3A_692 = arith.addi %parallel_loop3A_528, %parallel_loop3A_691 : vector<16xi32>
        %parallel_loop3A_693 = arith.constant 128 : i32
        %parallel_loop3A_694 = vector.broadcast %parallel_loop3A_693 : i32 to vector<16xi32>
        %parallel_loop3A_695 = arith.addi %parallel_loop3A_529, %parallel_loop3A_694 : vector<16xi32>
        %parallel_loop3A_696 = arith.constant 128 : i32
        %parallel_loop3A_697 = vector.broadcast %parallel_loop3A_696 : i32 to vector<16xi32>
        %parallel_loop3A_698 = arith.addi %parallel_loop3A_530, %parallel_loop3A_697 : vector<16xi32>
        %parallel_loop3A_699 = arith.constant 128 : i32
        %parallel_loop3A_700 = vector.broadcast %parallel_loop3A_699 : i32 to vector<16xi32>
        %parallel_loop3A_701 = arith.addi %parallel_loop3A_531, %parallel_loop3A_700 : vector<16xi32>
        %parallel_loop3A_702 = arith.constant 128 : i32
        %parallel_loop3A_703 = vector.broadcast %parallel_loop3A_702 : i32 to vector<16xi32>
        %parallel_loop3A_704 = arith.addi %parallel_loop3A_532, %parallel_loop3A_703 : vector<16xi32>
        %parallel_loop3A_705 = arith.constant 128 : i32
        %parallel_loop3A_706 = vector.broadcast %parallel_loop3A_705 : i32 to vector<16xi32>
        %parallel_loop3A_707 = arith.addi %parallel_loop3A_533, %parallel_loop3A_706 : vector<16xi32>
        %parallel_loop3A_708 = arith.constant 128 : i32
        %parallel_loop3A_709 = vector.broadcast %parallel_loop3A_708 : i32 to vector<16xi32>
        %parallel_loop3A_710 = arith.addi %parallel_loop3A_534, %parallel_loop3A_709 : vector<16xi32>
        scf.yield %parallel_loop3A_665, %parallel_loop3A_668, %parallel_loop3A_671, %parallel_loop3A_674, %parallel_loop3A_677, %parallel_loop3A_680, %parallel_loop3A_683, %parallel_loop3A_686, %parallel_loop3A_689, %parallel_loop3A_692, %parallel_loop3A_695, %parallel_loop3A_698, %parallel_loop3A_701, %parallel_loop3A_704, %parallel_loop3A_707, %parallel_loop3A_710 : vector<16xi32>, vector<16xi32>, vector<16xi32>, vector<16xi32>, vector<16xi32>, vector<16xi32>, vector<16xi32>, vector<16xi32>, vector<16xi32>, vector<16xi32>, vector<16xi32>, vector<16xi32>, vector<16xi32>, vector<16xi32>, vector<16xi32>, vector<16xi32>
      } {sc.loop_unroll_factor = 4 : i64, sc.parallel_access}
      %dma_start3A_482 = arith.constant 1 : i32
      %dma_start3A_483 = arith.constant 0 : i32
      %dma_start3A_484 = arith.constant 0 : i32
      %dma_start3A_485 = arith.constant 0 : i32
      %dma_start3A_486 = arith.constant 0 : i32
      %dma_start3A_487 = tpu.memref_slice %arg11[%dma_start3A_482, %dma_start3A_483, %dma_start3A_485, %dma_start3A_486] : memref<2x2x64x128xf32, #tpu.memory_space<vmem>> -> memref<1x1x64x128xf32, #tpu.memory_space<vmem>>
      %dma_start3A_488 = tpu.memref_squeeze %dma_start3A_487 : memref<1x1x64x128xf32, #tpu.memory_space<vmem>> -> memref<64x128xf32, #tpu.memory_space<vmem>>
      %dma_start3A_489 = arith.constant 0 : i32
      %dma_start3A_490 = tpu.memref_slice %arg5[%select_n3A, %add3A_367, %dma_start3A_484, %dma_start3A_489] : memref<8x8192x1x128xf32, #tpu.memory_space<hbm>> -> memref<1x64x1x128xf32, #tpu.memory_space<hbm>>
      %dma_start3A_491 = tpu.memref_squeeze %dma_start3A_490 : memref<1x64x1x128xf32, #tpu.memory_space<hbm>> -> memref<64x128xf32, #tpu.memory_space<hbm>>
      %dma_start3A_492 = arith.constant 0 : i32
      %dma_start3A_493 = tpu.memref_slice %arg5[%select_n3A, %add3A_367, %dma_start3A_484, %dma_start3A_492] : memref<8x8192x1x128xf32, #tpu.memory_space<hbm>> -> memref<1x64x1x128xf32, #tpu.memory_space<hbm>>
      %dma_start3A_494 = tpu.memref_squeeze %dma_start3A_493 : memref<1x64x1x128xf32, #tpu.memory_space<hbm>> -> memref<64x128xf32, #tpu.memory_space<hbm>>
      %dma_start3A_495 = arith.constant 0 : i32
      %dma_start3A_496 = arith.constant 0 : i32
      %dma_start3A_497 = tpu.memref_slice %arg11[%dma_start3A_482, %dma_start3A_483, %dma_start3A_495, %dma_start3A_496] : memref<2x2x64x128xf32, #tpu.memory_space<vmem>> -> memref<1x1x64x128xf32, #tpu.memory_space<vmem>>
      %dma_start3A_498 = tpu.memref_squeeze %dma_start3A_497 : memref<1x1x64x128xf32, #tpu.memory_space<vmem>> -> memref<64x128xf32, #tpu.memory_space<vmem>>
      tpu.enqueue_dma source(%dma_start3A_498 : memref<64x128xf32, #tpu.memory_space<vmem>>) target(%dma_start3A_494 : memref<64x128xf32, #tpu.memory_space<hbm>>) target_semaphore(%arg16 : memref<!tpu.dma_semaphore, #tpu.memory_space<semaphore_mem>>)
      %add3A_499 = arith.constant 4 : i32
      %add3A_500 = arith.addi %select_n3A, %add3A_499 : i32
      %dma_start3A_501 = arith.constant 1 : i32
      %dma_start3A_502 = arith.constant 1 : i32
      %dma_start3A_503 = arith.constant 0 : i32
      %dma_start3A_504 = arith.constant 0 : i32
      %dma_start3A_505 = arith.constant 0 : i32
      %dma_start3A_506 = tpu.memref_slice %arg11[%dma_start3A_501, %dma_start3A_502, %dma_start3A_504, %dma_start3A_505] : memref<2x2x64x128xf32, #tpu.memory_space<vmem>> -> memref<1x1x64x128xf32, #tpu.memory_space<vmem>>
      %dma_start3A_507 = tpu.memref_squeeze %dma_start3A_506 : memref<1x1x64x128xf32, #tpu.memory_space<vmem>> -> memref<64x128xf32, #tpu.memory_space<vmem>>
      %dma_start3A_508 = arith.constant 0 : i32
      %dma_start3A_509 = tpu.memref_slice %arg5[%add3A_500, %add3A_367, %dma_start3A_503, %dma_start3A_508] : memref<8x8192x1x128xf32, #tpu.memory_space<hbm>> -> memref<1x64x1x128xf32, #tpu.memory_space<hbm>>
      %dma_start3A_510 = tpu.memref_squeeze %dma_start3A_509 : memref<1x64x1x128xf32, #tpu.memory_space<hbm>> -> memref<64x128xf32, #tpu.memory_space<hbm>>
      %dma_start3A_511 = arith.constant 0 : i32
      %dma_start3A_512 = tpu.memref_slice %arg5[%add3A_500, %add3A_367, %dma_start3A_503, %dma_start3A_511] : memref<8x8192x1x128xf32, #tpu.memory_space<hbm>> -> memref<1x64x1x128xf32, #tpu.memory_space<hbm>>
      %dma_start3A_513 = tpu.memref_squeeze %dma_start3A_512 : memref<1x64x1x128xf32, #tpu.memory_space<hbm>> -> memref<64x128xf32, #tpu.memory_space<hbm>>
      %dma_start3A_514 = arith.constant 0 : i32
      %dma_start3A_515 = arith.constant 0 : i32
      %dma_start3A_516 = tpu.memref_slice %arg11[%dma_start3A_501, %dma_start3A_502, %dma_start3A_514, %dma_start3A_515] : memref<2x2x64x128xf32, #tpu.memory_space<vmem>> -> memref<1x1x64x128xf32, #tpu.memory_space<vmem>>
      %dma_start3A_517 = tpu.memref_squeeze %dma_start3A_516 : memref<1x1x64x128xf32, #tpu.memory_space<vmem>> -> memref<64x128xf32, #tpu.memory_space<vmem>>
      tpu.enqueue_dma source(%dma_start3A_517 : memref<64x128xf32, #tpu.memory_space<vmem>>) target(%dma_start3A_513 : memref<64x128xf32, #tpu.memory_space<hbm>>) target_semaphore(%arg16 : memref<!tpu.dma_semaphore, #tpu.memory_space<semaphore_mem>>)
    }
    %scan3A_132 = arith.constant 8 : i32
    %add3A_133 = arith.constant 896 : i32
    %add3A_134 = arith.addi %mul3A_32, %add3A_133 : i32
    %dma_wait3A = arith.constant 0 : i32
    %dma_wait3A_135 = arith.constant 0 : i32
    %dma_wait3A_136 = arith.constant 0 : i32
    %dma_wait3A_137 = arith.constant 0 : i32
    %dma_wait3A_138 = arith.constant 0 : i32
    %dma_wait3A_139 = tpu.memref_slice %arg11[%dma_wait3A, %dma_wait3A_135, %dma_wait3A_137, %dma_wait3A_138] : memref<2x2x64x128xf32, #tpu.memory_space<vmem>> -> memref<1x1x64x128xf32, #tpu.memory_space<vmem>>
    %dma_wait3A_140 = tpu.memref_squeeze %dma_wait3A_139 : memref<1x1x64x128xf32, #tpu.memory_space<vmem>> -> memref<64x128xf32, #tpu.memory_space<vmem>>
    %dma_wait3A_141 = arith.constant 0 : i32
    %dma_wait3A_142 = tpu.memref_slice %arg5[%select_n3A, %add3A_134, %dma_wait3A_136, %dma_wait3A_141] : memref<8x8192x1x128xf32, #tpu.memory_space<hbm>> -> memref<1x64x1x128xf32, #tpu.memory_space<hbm>>
    %dma_wait3A_143 = tpu.memref_squeeze %dma_wait3A_142 : memref<1x64x1x128xf32, #tpu.memory_space<hbm>> -> memref<64x128xf32, #tpu.memory_space<hbm>>
    %dma_wait3A_144 = arith.constant 0 : i32
    %dma_wait3A_145 = tpu.memref_slice %arg5[%select_n3A, %add3A_134, %dma_wait3A_136, %dma_wait3A_144] : memref<8x8192x1x128xf32, #tpu.memory_space<hbm>> -> memref<1x64x1x128xf32, #tpu.memory_space<hbm>>
    %dma_wait3A_146 = tpu.memref_squeeze %dma_wait3A_145 : memref<1x64x1x128xf32, #tpu.memory_space<hbm>> -> memref<64x128xf32, #tpu.memory_space<hbm>>
    %dma_wait3A_147 = arith.constant 0 : i32
    %dma_wait3A_148 = arith.constant 0 : i32
    %dma_wait3A_149 = tpu.memref_slice %arg11[%dma_wait3A, %dma_wait3A_135, %dma_wait3A_147, %dma_wait3A_148] : memref<2x2x64x128xf32, #tpu.memory_space<vmem>> -> memref<1x1x64x128xf32, #tpu.memory_space<vmem>>
    %dma_wait3A_150 = tpu.memref_squeeze %dma_wait3A_149 : memref<1x1x64x128xf32, #tpu.memory_space<vmem>> -> memref<64x128xf32, #tpu.memory_space<vmem>>
    tpu.wait_dma2 semaphore(%arg15 : memref<!tpu.dma_semaphore, #tpu.memory_space<semaphore_mem>>) src(%dma_wait3A_150 : memref<64x128xf32, #tpu.memory_space<vmem>>) dst(%dma_wait3A_146 : memref<64x128xf32, #tpu.memory_space<hbm>>)
    %add3A_151 = arith.constant 4 : i32
    %add3A_152 = arith.addi %select_n3A, %add3A_151 : i32
    %dma_wait3A_153 = arith.constant 0 : i32
    %dma_wait3A_154 = arith.constant 1 : i32
    %dma_wait3A_155 = arith.constant 0 : i32
    %dma_wait3A_156 = arith.constant 0 : i32
    %dma_wait3A_157 = arith.constant 0 : i32
    %dma_wait3A_158 = tpu.memref_slice %arg11[%dma_wait3A_153, %dma_wait3A_154, %dma_wait3A_156, %dma_wait3A_157] : memref<2x2x64x128xf32, #tpu.memory_space<vmem>> -> memref<1x1x64x128xf32, #tpu.memory_space<vmem>>
    %dma_wait3A_159 = tpu.memref_squeeze %dma_wait3A_158 : memref<1x1x64x128xf32, #tpu.memory_space<vmem>> -> memref<64x128xf32, #tpu.memory_space<vmem>>
    %dma_wait3A_160 = arith.constant 0 : i32
    %dma_wait3A_161 = tpu.memref_slice %arg5[%add3A_152, %add3A_134, %dma_wait3A_155, %dma_wait3A_160] : memref<8x8192x1x128xf32, #tpu.memory_space<hbm>> -> memref<1x64x1x128xf32, #tpu.memory_space<hbm>>
    %dma_wait3A_162 = tpu.memref_squeeze %dma_wait3A_161 : memref<1x64x1x128xf32, #tpu.memory_space<hbm>> -> memref<64x128xf32, #tpu.memory_space<hbm>>
    %dma_wait3A_163 = arith.constant 0 : i32
    %dma_wait3A_164 = tpu.memref_slice %arg5[%add3A_152, %add3A_134, %dma_wait3A_155, %dma_wait3A_163] : memref<8x8192x1x128xf32, #tpu.memory_space<hbm>> -> memref<1x64x1x128xf32, #tpu.memory_space<hbm>>
    %dma_wait3A_165 = tpu.memref_squeeze %dma_wait3A_164 : memref<1x64x1x128xf32, #tpu.memory_space<hbm>> -> memref<64x128xf32, #tpu.memory_space<hbm>>
    %dma_wait3A_166 = arith.constant 0 : i32
    %dma_wait3A_167 = arith.constant 0 : i32
    %dma_wait3A_168 = tpu.memref_slice %arg11[%dma_wait3A_153, %dma_wait3A_154, %dma_wait3A_166, %dma_wait3A_167] : memref<2x2x64x128xf32, #tpu.memory_space<vmem>> -> memref<1x1x64x128xf32, #tpu.memory_space<vmem>>
    %dma_wait3A_169 = tpu.memref_squeeze %dma_wait3A_168 : memref<1x1x64x128xf32, #tpu.memory_space<vmem>> -> memref<64x128xf32, #tpu.memory_space<vmem>>
    tpu.wait_dma2 semaphore(%arg15 : memref<!tpu.dma_semaphore, #tpu.memory_space<semaphore_mem>>) src(%dma_wait3A_169 : memref<64x128xf32, #tpu.memory_space<vmem>>) dst(%dma_wait3A_165 : memref<64x128xf32, #tpu.memory_space<hbm>>)
    %add3A_170 = arith.constant 960 : i32
    %add3A_171 = arith.addi %mul3A_32, %add3A_170 : i32
    %dma_wait3A_172 = arith.constant 1 : i32
    %dma_wait3A_173 = arith.constant 0 : i32
    %dma_wait3A_174 = arith.constant 0 : i32
    %dma_wait3A_175 = arith.constant 0 : i32
    %dma_wait3A_176 = arith.constant 0 : i32
    %dma_wait3A_177 = tpu.memref_slice %arg11[%dma_wait3A_172, %dma_wait3A_173, %dma_wait3A_175, %dma_wait3A_176] : memref<2x2x64x128xf32, #tpu.memory_space<vmem>> -> memref<1x1x64x128xf32, #tpu.memory_space<vmem>>
    %dma_wait3A_178 = tpu.memref_squeeze %dma_wait3A_177 : memref<1x1x64x128xf32, #tpu.memory_space<vmem>> -> memref<64x128xf32, #tpu.memory_space<vmem>>
    %dma_wait3A_179 = arith.constant 0 : i32
    %dma_wait3A_180 = tpu.memref_slice %arg5[%select_n3A, %add3A_171, %dma_wait3A_174, %dma_wait3A_179] : memref<8x8192x1x128xf32, #tpu.memory_space<hbm>> -> memref<1x64x1x128xf32, #tpu.memory_space<hbm>>
    %dma_wait3A_181 = tpu.memref_squeeze %dma_wait3A_180 : memref<1x64x1x128xf32, #tpu.memory_space<hbm>> -> memref<64x128xf32, #tpu.memory_space<hbm>>
    %dma_wait3A_182 = arith.constant 0 : i32
    %dma_wait3A_183 = tpu.memref_slice %arg5[%select_n3A, %add3A_171, %dma_wait3A_174, %dma_wait3A_182] : memref<8x8192x1x128xf32, #tpu.memory_space<hbm>> -> memref<1x64x1x128xf32, #tpu.memory_space<hbm>>
    %dma_wait3A_184 = tpu.memref_squeeze %dma_wait3A_183 : memref<1x64x1x128xf32, #tpu.memory_space<hbm>> -> memref<64x128xf32, #tpu.memory_space<hbm>>
    %dma_wait3A_185 = arith.constant 0 : i32
    %dma_wait3A_186 = arith.constant 0 : i32
    %dma_wait3A_187 = tpu.memref_slice %arg11[%dma_wait3A_172, %dma_wait3A_173, %dma_wait3A_185, %dma_wait3A_186] : memref<2x2x64x128xf32, #tpu.memory_space<vmem>> -> memref<1x1x64x128xf32, #tpu.memory_space<vmem>>
    %dma_wait3A_188 = tpu.memref_squeeze %dma_wait3A_187 : memref<1x1x64x128xf32, #tpu.memory_space<vmem>> -> memref<64x128xf32, #tpu.memory_space<vmem>>
    tpu.wait_dma2 semaphore(%arg16 : memref<!tpu.dma_semaphore, #tpu.memory_space<semaphore_mem>>) src(%dma_wait3A_188 : memref<64x128xf32, #tpu.memory_space<vmem>>) dst(%dma_wait3A_184 : memref<64x128xf32, #tpu.memory_space<hbm>>)
    %add3A_189 = arith.constant 4 : i32
    %add3A_190 = arith.addi %select_n3A, %add3A_189 : i32
    %dma_wait3A_191 = arith.constant 1 : i32
    %dma_wait3A_192 = arith.constant 1 : i32
    %dma_wait3A_193 = arith.constant 0 : i32
    %dma_wait3A_194 = arith.constant 0 : i32
    %dma_wait3A_195 = arith.constant 0 : i32
    %dma_wait3A_196 = tpu.memref_slice %arg11[%dma_wait3A_191, %dma_wait3A_192, %dma_wait3A_194, %dma_wait3A_195] : memref<2x2x64x128xf32, #tpu.memory_space<vmem>> -> memref<1x1x64x128xf32, #tpu.memory_space<vmem>>
    %dma_wait3A_197 = tpu.memref_squeeze %dma_wait3A_196 : memref<1x1x64x128xf32, #tpu.memory_space<vmem>> -> memref<64x128xf32, #tpu.memory_space<vmem>>
    %dma_wait3A_198 = arith.constant 0 : i32
    %dma_wait3A_199 = tpu.memref_slice %arg5[%add3A_190, %add3A_171, %dma_wait3A_193, %dma_wait3A_198] : memref<8x8192x1x128xf32, #tpu.memory_space<hbm>> -> memref<1x64x1x128xf32, #tpu.memory_space<hbm>>
    %dma_wait3A_200 = tpu.memref_squeeze %dma_wait3A_199 : memref<1x64x1x128xf32, #tpu.memory_space<hbm>> -> memref<64x128xf32, #tpu.memory_space<hbm>>
    %dma_wait3A_201 = arith.constant 0 : i32
    %dma_wait3A_202 = tpu.memref_slice %arg5[%add3A_190, %add3A_171, %dma_wait3A_193, %dma_wait3A_201] : memref<8x8192x1x128xf32, #tpu.memory_space<hbm>> -> memref<1x64x1x128xf32, #tpu.memory_space<hbm>>
    %dma_wait3A_203 = tpu.memref_squeeze %dma_wait3A_202 : memref<1x64x1x128xf32, #tpu.memory_space<hbm>> -> memref<64x128xf32, #tpu.memory_space<hbm>>
    %dma_wait3A_204 = arith.constant 0 : i32
    %dma_wait3A_205 = arith.constant 0 : i32
    %dma_wait3A_206 = tpu.memref_slice %arg11[%dma_wait3A_191, %dma_wait3A_192, %dma_wait3A_204, %dma_wait3A_205] : memref<2x2x64x128xf32, #tpu.memory_space<vmem>> -> memref<1x1x64x128xf32, #tpu.memory_space<vmem>>
    %dma_wait3A_207 = tpu.memref_squeeze %dma_wait3A_206 : memref<1x1x64x128xf32, #tpu.memory_space<vmem>> -> memref<64x128xf32, #tpu.memory_space<vmem>>
    tpu.wait_dma2 semaphore(%arg16 : memref<!tpu.dma_semaphore, #tpu.memory_space<semaphore_mem>>) src(%dma_wait3A_207 : memref<64x128xf32, #tpu.memory_space<vmem>>) dst(%dma_wait3A_203 : memref<64x128xf32, #tpu.memory_space<hbm>>)
    return
  }
}

module attributes {stable_mosaic.version = 14 : i64} {
  func.func @_table_body(%arg0: i32, %arg1: memref<1x128xf32, #tpu.memory_space<vmem>>, %arg2: memref<1x128xf32, #tpu.memory_space<vmem>>, %arg3: memref<2048x128xf32, #tpu.memory_space<vmem>>) attributes {dimension_semantics = [#tpu.dimension_semantics<arbitrary>], iteration_bounds = array<i64: 4>, scalar_prefetch = 0 : i64, scratch_operands = 0 : i64, tpu.core_type = #tpu.core_type<tc>, window_params = [{pipeline_mode = #tpu.pipeline_mode<synchronous>, transform_indices = @transform_0, window_bounds = array<i64: 1, 128>}, {pipeline_mode = #tpu.pipeline_mode<synchronous>, transform_indices = @transform_1, window_bounds = array<i64: 1, 128>}, {transform_indices = @transform_2, window_bounds = array<i64: 2048, 128>}]} {
    %iota3A = tpu.iota {dimensions = array<i32: 0>} : vector<2048x128xi32>
    %mul3A = arith.constant 2048 : i32
    %mul3A_0 = arith.muli %arg0, %mul3A : i32
    %add3A = vector.broadcast %mul3A_0 : i32 to vector<2048x128xi32>
    %add3A_1 = arith.addi %iota3A, %add3A : vector<2048x128xi32>
    %convert_element_type3A = arith.sitofp %add3A_1 : vector<2048x128xi32> to vector<2048x128xf32>
    %get3A = arith.constant 0 : index
    %get3A_2 = arith.constant 0 : index
    %get3A_3 = vector.load %arg1[%get3A, %get3A_2] : memref<1x128xf32, #tpu.memory_space<vmem>>, vector<1x128xf32>
    %mul3A_4 = vector.broadcast %get3A_3 : vector<1x128xf32> to vector<2048x128xf32>
    %mul3A_5 = arith.mulf %convert_element_type3A, %mul3A_4 : vector<2048x128xf32>
    %get3A_6 = arith.constant 0 : index
    %get3A_7 = arith.constant 0 : index
    %get3A_8 = vector.load %arg2[%get3A_6, %get3A_7] : memref<1x128xf32, #tpu.memory_space<vmem>>, vector<1x128xf32>
    %add3A_9 = vector.broadcast %get3A_8 : vector<1x128xf32> to vector<2048x128xf32>
    %add3A_10 = arith.addf %mul3A_5, %add3A_9 : vector<2048x128xf32>
    %sin3A = math.sin %add3A_10 : vector<2048x128xf32>
    %swap3A = arith.constant 0 : index
    %swap3A_11 = arith.constant 0 : index
    %swap3A_12 = vector.load %arg3[%swap3A, %swap3A_11] : memref<2048x128xf32, #tpu.memory_space<vmem>>, vector<2048x128xf32>
    tpu.vector_store %arg3[%swap3A, %swap3A_11], %sin3A {strides = array<i32>} : memref<2048x128xf32, #tpu.memory_space<vmem>>, vector<2048x128xf32>,
    return
  }
  func.func @transform_0(%arg0: i32) -> (i32, i32) {
    %c0_i32 = arith.constant 0 : i32
    %c0_i32_0 = arith.constant 0 : i32
    %c0_i32_1 = arith.constant 0 : i32
    return %c0_i32, %c0_i32_0 : i32, i32
  }
  func.func @transform_1(%arg0: i32) -> (i32, i32) {
    %c0_i32 = arith.constant 0 : i32
    %c0_i32_0 = arith.constant 0 : i32
    %c0_i32_1 = arith.constant 0 : i32
    return %c0_i32, %c0_i32_0 : i32, i32
  }
  func.func @transform_2(%arg0: i32) -> (i32, i32) {
    %c0_i32 = arith.constant 0 : i32
    %c0_i32_0 = arith.constant 0 : i32
    return %arg0, %c0_i32 : i32, i32
  }
}

</mosaic_0001>

<sc_bundles>
// kernel: kernel.4.cloned.1.call-start
scs
__scs_entry_jumppad:
0x0: {  	(pc) =	sbr.rel $0x88, $3  }
0x1: {  	(tag) =	ssettag $0x0;
	lr =	simm.s32 $0x1  }
0x2: {  	[smem:$0x3FA0] =	sst lr;
	_ =	strace $0xD0000000  }
0x3: {  	_ = 	snop  }
0x4: {  	_ = 	snop  }
0x5: {  	_ = 	snop  }
0x6: {  	_ = 	snop  }
0x7: {  	_ = 	snop  }
__scs_overlays_trampoline_lowered:
0x8: {  	[smem:$0x3FAF] =	sst s0  }
0x9: {  	[smem:$0x3FB0] =	sst s1  }
0xa: {  	[smem:$0x3FB1] =	sst s2  }
0xb: {  	[smem:$0x3FB2] =	sst s3  }
0xc: {  	[smem:$0x3FB3] =	sst s4  }
0xd: {  	[smem:$0x3FB4] =	sst s5  }
0xe: {  	[smem:$0x3FB5] =	sst s6  }
0xf: {  	[smem:$0x3FB6] =	sst s7  }
0x10: {  	[smem:$0x3FB7] =	sst s8  }
0x11: {  	[smem:$0x3FB8] =	sst s9;
	s0 =	simm.s32 @!p0 $0x0  }
0x12: {  	s1 =	sld [smem:$0x3F9E];
	s0 =	simm.s32 @p0 $0x1  }
0x13: {  	[smem:$0x3FB9] =	sst s0;
	s0 =	simm.s32 @!p1 $0x0  }
0x14: {  	s2 =	sld [smem:$0x3F9D];
	s0 =	simm.s32 @p1 $0x1  }
0x15: {  	[smem:$0x3FBA] =	sst s0;
	s0 =	simm.s32 @!p2 $0x0  }
0x16: {  	s3 =	sld [smem:$0x3FDB];
	s0 =	simm.s32 @p2 $0x1  }
0x17: {  	s4 =	simm.s32 $0x1BF5;
	[smem:$0x3FBC] =	sst s0  }
0x18: {  	s0 =	sld [smem:$0x3F9F];
	_ =	swait.ge [sflag:s4], $0x0  }
0x19: {  	s7 =	sld [smem:$0x3FA0]  }
0x1a: {  	s8 =	sadd.s32 $0xFFFFE003, lr  }
0x1b: {  	s9 =	sadd.s32 $0xFFFFFEF7, lr;
	s5 =	simm.s32 $0xFFFFFFFF;
	p2 =	slt.u32 s8, $0xFFFFF086  }
0x1c: {  	p1 =	slt.u32 s9, $0xF7A;
	s5 =	simm.s32 @!p2 $0x0  }
0x1d: {  	s5 =	simm.s32 @p1 $0x1;
	p0 =	seq.s32 s7, s2  }
0x1e: {  	s7 =	smul.u32 @!p0 $0xF7A, s2;
	p2 =	seq.s32 @!p0 s5, $0x0  }
0x1f: {  	s9 =	smul.u32 $0xF7A, s1;
	s8 =	simm.s32 @!p0 $0x1BF5;
	p2 =	por !p2, p0  }
0x20: {  	[sflag:s8] =	ssyncset.s32 @!p0 $0xFFFFF086;
	s6 =	sadd.s32 @!p0 s3, s7;
	s7 =	simm.s32 @!p0 $0x108  }
0x21: {  	s3 =	sadd.s32 s3, s9;
	s6 =	sadd.s32 @!p0 $0x88, s6;
	s7 =	simm.s32 @p2 $0x1082  }
0x22: {  	[simem:s7], [sflag:s8] =	dma.local @!p0 [hbm:s6], $0xF7A  }
0x23: {  	s9 =	sor.u32 $0xD0000000, s2;
	s6 =	simm.s32 $0x108;
	_ =	swait.ge @!p0 [sflag:s8], $0x0  }
0x24: {  	s3 =	sadd.s32 $0x88, s3;
	s6 =	simm.s32 @!p1 $0x1082;
	[sflag:s4] =	ssyncset.s32 $0xFFFFF086  }
0x25: {  	[simem:s6], [sflag:s4] =	dma.local [hbm:s3], $0xF7A  }
0x26: {  	[smem:$0x3FA0] =	sst s1;
	(tag) =	ssettag s2;
	_ =	strace s9  }
0x27: {  	s1 =	sld [smem:$0x3FB0]  }
0x28: {  	s2 =	sld [smem:$0x3FB1]  }
0x29: {  	s4 =	sld [smem:$0x3FB3]  }
0x2a: {  	p0 =	seq.s32 s5, $0x0;
	s5 =	sld [smem:$0x3FB4]  }
0x2b: {  	s6 =	sld [smem:$0x3FB5]  }
0x2c: {  	s7 =	sld [smem:$0x3FB6]  }
0x2d: {  	s3 =	simm.s32 $0x108;
	s8 =	sld [smem:$0x3FB7]  }
0x2e: {  	s3 =	simm.s32 @!p0 $0x1082;
	s9 =	sld [smem:$0x3FB8]  }
0x2f: {  	lr =	sadd.s32 s0, s3;
	s0 =	sld [smem:$0x3FAF]  }
0x30: {  	s3 =	sld [smem:$0x3FB2]  }
0x31: {  	[smem:$0x3FBB] =	sst s10  }
0x32: {  	s10 =	sld [smem:$0x3FB9];
	_ =	sdelay $0x3  }
0x33: {  	p0 =	seq.s32 s10, $0x1;
	s10 =	sld [smem:$0x3FBB];
	_ =	sdelay $0x3  }
0x34: {  	[smem:$0x3FBB] =	sst s10  }
0x35: {  	s10 =	sld [smem:$0x3FBA];
	_ =	sdelay $0x3  }
0x36: {  	p1 =	seq.s32 s10, $0x1;
	s10 =	sld [smem:$0x3FBB];
	_ =	sdelay $0x3  }
0x37: {  	[smem:$0x3FBB] =	sst s10  }
0x38: {  	s10 =	sld [smem:$0x3FBC]  }
0x39: {  	_ = 	snop;
	(pc) =	sbr.ind lr, $3  }
0x3a: {  	_ = 	snop  }
0x3b: {  	_ = 	snop  }
0x3c: {  	p2 =	seq.s32 s10, $0x1;
	s10 =	sld [smem:$0x3FBB]  }
0x3d: {  	_ =	shalt  }
0x3e: {  	_ =	shalt  }
0x3f: {  	_ =	shalt  }
0x40: {  	_ =	shalt  }
0x41: {  	_ =	shalt  }
0x42: {  	_ =	shalt  }
0x43: {  	_ =	shalt  }
0x44: {  	_ =	shalt  }
0x45: {  	_ =	shalt  }
0x46: {  	_ =	shalt  }
0x47: {  	_ =	shalt  }
0x48: {  	_ =	shalt  }
0x49: {  	_ =	shalt  }
0x4a: {  	_ =	shalt  }
0x4b: {  	_ =	shalt  }
0x4c: {  	_ =	shalt  }
0x4d: {  	_ =	shalt  }
0x4e: {  	_ =	shalt  }
0x4f: {  	_ =	shalt  }
0x50: {  	_ =	shalt  }
0x51: {  	_ =	shalt  }
0x52: {  	_ =	shalt  }
0x53: {  	_ =	shalt  }
0x54: {  	_ =	shalt  }
0x55: {  	_ =	shalt  }
0x56: {  	_ =	shalt  }
0x57: {  	_ =	shalt  }
0x58: {  	_ =	shalt  }
0x59: {  	_ =	shalt  }
0x5a: {  	_ =	shalt  }
0x5b: {  	_ =	shalt  }
0x5c: {  	_ =	shalt  }
0x5d: {  	_ =	shalt  }
0x5e: {  	_ =	shalt  }
0x5f: {  	_ =	shalt  }
0x60: {  	_ =	shalt  }
0x61: {  	_ =	shalt  }
0x62: {  	_ =	shalt  }
0x63: {  	_ =	shalt  }
0x64: {  	_ =	shalt  }
0x65: {  	_ =	shalt  }
0x66: {  	_ =	shalt  }
0x67: {  	_ =	shalt  }
0x68: {  	_ =	shalt  }
0x69: {  	_ =	shalt  }
0x6a: {  	_ =	shalt  }
0x6b: {  	_ =	shalt  }
0x6c: {  	_ =	shalt  }
0x6d: {  	_ =	shalt  }
0x6e: {  	_ =	shalt  }
0x6f: {  	_ =	shalt  }
0x70: {  	_ =	shalt  }
0x71: {  	_ =	shalt  }
0x72: {  	_ =	shalt  }
0x73: {  	_ =	shalt  }
0x74: {  	_ =	shalt  }
0x75: {  	_ =	shalt  }
0x76: {  	_ =	shalt  }
0x77: {  	_ =	shalt  }
0x78: {  	_ =	shalt  }
0x79: {  	_ =	shalt  }
0x7a: {  	_ =	shalt  }
0x7b: {  	_ =	shalt  }
0x7c: {  	_ =	shalt  }
0x7d: {  	_ =	shalt  }
0x7e: {  	_ =	shalt  }
0x7f: {  	_ =	shalt  }
0x80: {  	_ =	shalt  }
0x81: {  	_ =	shalt  }
0x82: {  	_ =	shalt  }
0x83: {  	_ =	shalt  }
0x84: {  	_ =	shalt  }
0x85: {  	_ =	shalt  }
0x86: {  	_ =	shalt  }
0x87: {  	_ =	shalt  }
.Lfunc_end0:
.L_simem_size_0:
called_computation_lowered:
.L_overlay_start_0:
0x88: {  	s2 =	sld [smem:$0x3FD9]  }
0x89: {  	s3 =	sld [smem:$0x3FFE];
	_ =	sdelay $0x1  }
0x8a: {  	s1 =	srdreg.scid  }
0x8b: {  	s0 =	sand.u32 $0x1, s1  }
0x8c: {  	s17 =	sshll.u32 s0, $0xA;
	s2 =	sadd.s32 s3, s2  }
0x8d: {  	s2 =	sadd.s32 s2, s17  }
0x8e: {  	[smem:$0x3FC7] =	sst s2  }
0x8f: {  	_ = 	snop  }
0x90: {  	s2 =	sld [smem:$0x3FD0];
	(tm) =	ssettm $0x1  }
0x91: {  	s18 =	sld [smem:$0x3FFB];
	_ =	sdelay $0x3  }
0x92: {  	_ =	strace s18  }
0x93: {  	s3 =	sld [smem:$0x3FFC];
	_ =	sdelay $0x3  }
0x94: {  	_ =	strace s3  }
0x95: {  	s3 =	sld [smem:$0x3FFD];
	_ =	sdelay $0x3  }
0x96: {  	_ =	strace s3  }
0x97: {  	_ =	strace $0x8FFFFFFF  }
0x98: {  	s19 =	sld [smem:$0x3FDB];
	_ =	sdelay $0x1  }
0x99: {  	s4 =	simm.s32 $_scs_section_size  }
0x9a: {  	s5 =	simm.s32 $_size__tile_overlayer_lowered;
	s6 =	simm.s32 $_tile_overlayer_lowered  }
0x9b: {  	s22 =	simm.s32 $0x1BFF;
	s21 =	sshll.u32 s6, $0x1;
	s3 =	sadd.s32 s4, s19  }
0x9c: {  	s7 =	simm.s32 $0x0;
	s20 =	sshll.u32 s5, $0x1;
	s5 =	sadd.s32 s21, s3  }
0x9d: {  	[timem:s7], [sflag:s22] =	dma.local [hbm:s5], s20  }
0x9e: {  	_ =	swait.ge [sflag:s22], s20  }
0x9f: {  	s4 =	ssub.s32 $0x0, s20;
	[sflag:s22] =	ssyncset.done $0x0  }
0xa0: {  	[sflag:s22] =	ssyncadd.s32 s4;
	_ =	sdelay $0x1  }
0xa1: {  	s23 =	simm.s32 $0x1B8B  }
0xa2: {  	_ =	swait.ge [sflag:s23], $0x1  }
0xa3: {  	[sflag:s23] =	ssyncset.done $0x0  }
0xa4: {  	s25 =	simm.s32 $0x1B8E;
	s24 =	sld [smem:$0x3FFE];
	[sflag:s23] =	ssyncadd.s32 $0xFFFFFFFF  }
0xa5: {  	s26 =	simm.s32 $execute0_lowered;
	[smem:$0x3FD2] =	sst s25  }
0xa6: {  	s5 =	sshll.u32 s26, $0x1;
	_ =	strace $0x80000046;
	[dreg:$0x1] =	wrdreg $0xFFFFFFFF  }
0xa7: {  	s28 =	simm.s32 $_size_execute0_lowered;
	s3 =	sadd.s32 s3, s5;
	[dreg:$0x0] =	wrdreg $0x0  }
0xa8: {  	s5 =	sshll.u32 s28, $0x1;
	[dreg:$0x2] =	wrdreg s3  }
0xa9: {  	[dreg:$0x3] =	wrdreg s5  }
0xaa: {  	[dreg:$0x4] =	wrdreg $0xC0  }
0xab: {  	_ =	task [dreg:s7], $0x5FFFF  }
0xac: {  	[dreg:$0x1] =	wrdreg $0xFFFFFFFF  }
0xad: {  	[dreg:$0x0] =	wrdreg $0x60  }
0xae: {  	[dreg:$0x2] =	wrdreg s24  }
0xaf: {  	[dreg:$0x3] =	wrdreg s2  }
0xb0: {  	[dreg:$0x4] =	wrdreg $0x9  }
0xb1: {  	_ =	task.clear_ibuf [dreg:s7], $0x5FFFF;
	_ =	strace $0x90000046  }
0xb2: {  	s29 =	simm.s32 $0x9;
	_ =	strace $0x80000048  }
0xb3: {  	_ =	swait.ge [sflag:s29], $0x1  }
0xb4: {  	[sflag:s29] =	ssyncadd.s32 $0xFFFFFFFF  }
0xb5: {  	_ =	strace $0x90000048  }
0xb6: {  	_ =	sfence  }
0xb7: {  	s30 =	sld [smem:$0x0];
	_ =	sdelay $0x2  }
0xb8: {  	s31 =	sshll.u32 s1, $0xD;
	s1 =	sshrl.u32 s1, $0x2  }
0xb9: {  	s3 =	sand.u32 $0x4000, s31;
	s1 =	sadd.s32 s1, s30  }
0xba: {  	s0 =	sor.u32 s3, s0;
	s1 =	sshll.u32 s1, $0x11  }
0xbb: {  	s0 =	sor.u32 s1, s0  }
0xbc: {  	s0 =	sadd.s32 $0x8F2B, s0  }
0xbd: {  	[sflag:s0] =	ssyncadd.remote.s32 $0x1  }
0xbe: {  	_ =	sfence.sel $0xFFFF  }
0xbf: {  	[dreg:$0x0] =	wrdreg $0xFFFFFFFF;
	(pc) =	sbr.abs _section_cstart, $3  }
0xc0: {  	[dreg:$0x1] =	wrdreg $0xFFFFFFFF  }
0xc1: {  	_ =	task.clear_ibuf [dreg:s7], $0x2FFFF;
	_ =	strace $0x9FFFFFFF  }
0xc2: {  	(tm) =	ssettm $0x7FFFFFFF  }
0xc3: {  	_ =	shalt  }
tec
execute0_lowered:
.L_overlay_start_1:
0x0: {  	(tag) =	ssettag $0x1  }
0x1: {  	s0 =	rddreg [dreg:$0x0];
	s1 =	srdreg.scid  }
0x2: {  	s7 =	stileid.u32;
	s2 =	rddreg [dreg:$0x1]  }
0x3: {  	s3 =	simm.s32 $0x0;
	s12 =	simm.s32 $0x5;
	s13 =	simm.s32 $0xC00  }
0x4: {  	s14 =	simm.s32 $0xCC0;
	s15 =	simm.s32 $0xC40;
	s17 =	simm.s32 $0x40  }
0x5: {  	s18 =	simm.s32 $0xC80;
	s20 =	simm.s32 $0x1;
	s21 =	simm.s32 $0x6CC0  }
0x6: {  	s22 =	simm.s32 $0x8CC0;
	s23 =	simm.s32 $0xACC0;
	s24 =	simm.s32 $0xCCC0  }
0x7: {  	v0 =	vlaneseq.u32;
	s25 =	simm.s32 $0xECC0;
	s28 =	simm.s32 $0x10CC0;
	s29 =	simm.s32 $0x12CC0  }
0x8: {  	v10 =	vimm.s32 $0xDAFC9EB8;
	v11 =	vimm.s32 $0x52741630;
	v13 =	vimm.s32 $0x74163052;
	s30 =	simm.s32 $0x3;
	s31 =	simm.s32 $0x4;
	s1 =	sand.u32 $0x1, s1  }
0x9: {  	s4 =	sshll.u32 s7, $0x1;
	[smem:$0x7FF] =	sst s3;
	s7 =	sshll.u32 s7, $0x12;
	v0 =	vmul.u32 $0x3, v0;
	v12 =	vunpack.c.l.s4.s8 v10;
	v10 =	vimm.s32 $0x63052741  }
0xa: {  	v14 =	vunpack.c.l.s4.s8 v11;
	v16 =	vunpack.c.l.s4.s8 v13;
	s5 =	sor.u32 s1, s4;
	_ =	strace $0x80000047;
	s4 =	sadd.s32 $0x3C00, s0;
	v15 =	vunpack.c.l.s4.s8 v10  }
0xb: {  	s26 =	ssub.s32 $0x2, s1;
	s7 =	sand.u32 $0x300000, s7;
	s6 =	smul.u32 $0x180, s5;
	v1 =	vadd.s32 $0x1, v0;
	v2 =	vadd.s32 $0x30, v0;
	v3 =	vadd.s32 $0x31, v0  }
0xc: {  	s1 =	sshrl.u32 s26, $0x1;
	s5 =	sshll.u32 s5, $0x11;
	s9 =	sor.u32 $0x400000, s7;
	v4 =	vadd.s32 $0x32, v0;
	v5 =	vadd.s32 $0x60, v0;
	v6 =	vadd.s32 $0x61, v0  }
0xd: {  	v7 =	vadd.s32 $0x62, v0;
	v8 =	vadd.s32 $0x90, v0;
	v9 =	vadd.s32 $0x2, v0;
	s8 =	sadd.s32 s6, s0;
	s0 =	sadd.s32 $0x23C00, s0;
	s6 =	sand.u32 $0xE0000, s5  }
0xe: {  	v10 =	vadd.s32 $0x91, v0;
	v11 =	vadd.s32 $0x92, v0;
	v12 =	vunpack.c.0.s8.s32 v12;
	[dreg:$0x3] =	wrdreg s0;
	s0 =	ssub.s32 s26, s1;
	s8 =	sadd.s32 $0xC00, s8  }
0xf: {  	v13 =	vunpack.c.0.s8.s32 v14;
	v14 =	vunpack.c.0.s8.s32 v15;
	v15 =	vunpack.c.0.s8.s32 v16;
	s26 =	simm.s32 $0x2;
	s1 =	simm.s32 $0x0;
	s10 =	smax.u32 s0, $0x1  }
.LBB2_1:
0x10: {  	s0 =	rddreg [dreg:$0x3];
	s5 =	simm.s32 $0x14CC0  }
0x11: {  	[tilespmem:s5], [sflag:$0x5] =	stream.linear.gather [hbm4b:s0+s3], $0x100, $0x38;
	[tilespmem:$0x14DC0] =	vst v63  }
0x12: {  	_ =	swait.ge [sflag:s12], $0x100  }
0x13: {  	[sflag:s12] =	ssyncset.done $0x0  }
0x14: {  	[sflag:s12] =	ssyncadd.s32 $0xFFFFFF00  }
0x15: {  	[tilespmem:s3], [sflag:$0x5] =	stream.linear.gather [hbm4b:s8+s3], $0xC00, $0x38;
	[tilespmem:$0x14DC0] =	vst v63  }
0x16: {  	_ =	swait.ge [sflag:s12], $0xC00  }
0x17: {  	[sflag:s12] =	ssyncset.done $0x0  }
0x18: {  	[sflag:s12] =	ssyncadd.s32 $0xFFFFF400  }
0x19: {  	v16 =	vld.idx.msk [tilespmem:v0+s3+$0x0], $0xffff;
	_ =	sdelay $0x4  }
0x1a: {  	[tilespmem:$0xC00] =	vst v16  }
0x1b: {  	v16 =	vld.idx.msk [tilespmem:v1+s3+$0x0], $0xffff;
	_ =	sdelay $0x4  }
0x1c: {  	[tilespmem:$0xC40] =	vst v16  }
0x1d: {  	v16 =	vld.idx.msk [tilespmem:v9+s3+$0x0], $0xffff;
	_ =	sdelay $0x4  }
0x1e: {  	[tilespmem:$0xC80] =	vst v16  }
0x1f: {  	v16 =	vld.idx.msk [tilespmem:v2+s3+$0x0], $0xffff;
	_ =	sdelay $0x4  }
0x20: {  	[tilespmem:$0xC10] =	vst v16  }
0x21: {  	v16 =	vld.idx.msk [tilespmem:v3+s3+$0x0], $0xffff;
	_ =	sdelay $0x4  }
0x22: {  	[tilespmem:$0xC50] =	vst v16  }
0x23: {  	v16 =	vld.idx.msk [tilespmem:v4+s3+$0x0], $0xffff;
	_ =	sdelay $0x4  }
0x24: {  	[tilespmem:$0xC90] =	vst v16  }
0x25: {  	v16 =	vld.idx.msk [tilespmem:v5+s3+$0x0], $0xffff;
	_ =	sdelay $0x4  }
0x26: {  	[tilespmem:$0xC20] =	vst v16  }
0x27: {  	v16 =	vld.idx.msk [tilespmem:v6+s3+$0x0], $0xffff;
	_ =	sdelay $0x4  }
0x28: {  	[tilespmem:$0xC60] =	vst v16  }
0x29: {  	v16 =	vld.idx.msk [tilespmem:v7+s3+$0x0], $0xffff;
	_ =	sdelay $0x4  }
0x2a: {  	[tilespmem:$0xCA0] =	vst v16  }
0x2b: {  	v16 =	vld.idx.msk [tilespmem:v8+s3+$0x0], $0xffff;
	_ =	sdelay $0x4  }
0x2c: {  	[tilespmem:$0xC30] =	vst v16  }
0x2d: {  	v16 =	vld.idx.msk [tilespmem:v10+s3+$0x0], $0xffff;
	_ =	sdelay $0x4  }
0x2e: {  	[tilespmem:$0xC70] =	vst v16  }
0x2f: {  	v16 =	vld.idx.msk [tilespmem:v11+s3+$0x0], $0xffff;
	_ =	sdelay $0x4  }
0x30: {  	[tilespmem:$0xCB0] =	vst v16  }
0x31: {  	[tilespmem:s14], [sflag:$0x1] =	stream.indirect.gather [hbm4b:s4+s17], $0x80, s13, s17, $0xb8;
	[tilespmem:$0x14DC0] =	vst v63  }
0x32: {  	s16 =	simm.s32 $0x2CC0  }
0x33: {  	[tilespmem:s16], [sflag:$0x1] =	stream.indirect.gather [hbm4b:s4+s17], $0x80, s15, s17, $0xb8;
	[tilespmem:$0x14DC0] =	vst v63  }
0x34: {  	s19 =	simm.s32 $0x4CC0;
	s0 =	simm.s32 $0x0  }
0x35: {  	[tilespmem:s19], [sflag:$0x1] =	stream.indirect.gather [hbm4b:s4+s17], $0x80, s18, s17, $0xb8;
	[tilespmem:$0x14DC0] =	vst v63  }
.LBB2_2:
0x36: {  	_ =	swait.ge [sflag:s20], $0x2000;
	s11 =	sshllo.u32 s0, $0x1  }
0x37: {  	[sflag:s20] =	ssyncset.done $0x0;
	s5 =	smul.u32 $0xC0, s11  }
0x38: {  	[sflag:s20] =	ssyncadd.s32 $0xFFFFE000  }
0x39: {  	_ =	swait.ge [sflag:s20], $0x2000;
	v16 =	vor.u32 s5, v0  }
0x3a: {  	[sflag:s20] =	ssyncset.done $0x0;
	v16 =	vand.u32 v12, v16  }
0x3b: {  	[sflag:s20] =	ssyncadd.s32 $0xFFFFE000  }
0x3c: {  	_ =	swait.ge [sflag:s20], $0x2000  }
0x3d: {  	[sflag:s20] =	ssyncset.done $0x0  }
0x3e: {  	[sflag:s20] =	ssyncadd.s32 $0xFFFFE000  }
0x3f: {  	v16 =	vld.idx.msk [tilespmem:v16+s3+$0x0], $0xffff  }
0x40: {  	v17 =	vor.u32 s5, v1;
	_ =	sdelay $0x3  }
0x41: {  	[tilespmem:$0xC00] =	vst v16  }
0x42: {  	v16 =	vld.idx.msk [tilespmem:v17+s3+$0x0], $0xffff  }
0x43: {  	v17 =	vor.u32 s5, v9;
	_ =	sdelay $0x2  }
0x44: {  	s16 =	sor.u32 $0x30, s5  }
0x45: {  	[tilespmem:$0xC40] =	vst v16;
	v16 =	vadd.s32 s16, v0  }
0x46: {  	v17 =	vld.idx.msk [tilespmem:v17+s3+$0x0], $0xffff;
	v16 =	vand.u32 $0x7FFFFFF8, v16  }
0x47: {  	v16 =	vor.u32 v13, v16;
	_ =	sdelay $0x3  }
0x48: {  	[tilespmem:$0xC80] =	vst v17;
	v17 =	vadd.s32 s16, v1  }
0x49: {  	v16 =	vld.idx.msk [tilespmem:v16+s3+$0x0], $0xffff;
	v17 =	vand.u32 $0x7FFFFFF8, v17  }
0x4a: {  	v17 =	vor.u32 v14, v17;
	_ =	sdelay $0x3  }
0x4b: {  	[tilespmem:$0xC10] =	vst v16;
	v16 =	vadd.s32 s16, v9  }
0x4c: {  	v17 =	vld.idx.msk [tilespmem:v17+s3+$0x0], $0xffff;
	v16 =	vand.u32 $0x7FFFFFF8, v16  }
0x4d: {  	v16 =	vor.u32 v15, v16;
	_ =	sdelay $0x2  }
0x4e: {  	s19 =	sadd.s32 $0x60, s5  }
0x4f: {  	[tilespmem:$0xC50] =	vst v17;
	v17 =	vadd.s32 s19, v0  }
0x50: {  	v16 =	vld.idx.msk [tilespmem:v16+s3+$0x0], $0xffff;
	v17 =	vand.u32 $0x7FFFFFF8, v17  }
0x51: {  	v17 =	vor.u32 v13, v17;
	_ =	sdelay $0x3  }
0x52: {  	[tilespmem:$0xC90] =	vst v16;
	v16 =	vadd.s32 s19, v1  }
0x53: {  	v17 =	vld.idx.msk [tilespmem:v17+s3+$0x0], $0xffff;
	v16 =	vand.u32 $0x7FFFFFF8, v16  }
0x54: {  	v16 =	vor.u32 v14, v16;
	_ =	sdelay $0x3  }
0x55: {  	[tilespmem:$0xC20] =	vst v17;
	v17 =	vadd.s32 s19, v9  }
0x56: {  	v16 =	vld.idx.msk [tilespmem:v16+s3+$0x0], $0xffff;
	v17 =	vand.u32 $0x7FFFFFF8, v17  }
0x57: {  	v17 =	vor.u32 v15, v17;
	_ =	sdelay $0x2  }
0x58: {  	s5 =	sadd.s32 $0x90, s5  }
0x59: {  	[tilespmem:$0xC60] =	vst v16;
	v16 =	vadd.s32 s5, v0  }
0x5a: {  	v17 =	vld.idx.msk [tilespmem:v17+s3+$0x0], $0xffff;
	v16 =	vand.u32 $0x7FFFFFF8, v16  }
0x5b: {  	v16 =	vor.u32 v13, v16;
	_ =	sdelay $0x3  }
0x5c: {  	[tilespmem:$0xCA0] =	vst v17;
	v17 =	vadd.s32 s5, v1  }
0x5d: {  	v16 =	vld.idx.msk [tilespmem:v16+s3+$0x0], $0xffff;
	v17 =	vand.u32 $0x7FFFFFF8, v17  }
0x5e: {  	v17 =	vor.u32 v14, v17;
	_ =	sdelay $0x3  }
0x5f: {  	[tilespmem:$0xC30] =	vst v16;
	v16 =	vadd.s32 s5, v9  }
0x60: {  	v17 =	vld.idx.msk [tilespmem:v17+s3+$0x0], $0xffff;
	v16 =	vand.u32 $0x7FFFFFF8, v16  }
0x61: {  	v16 =	vor.u32 v15, v16;
	_ =	sdelay $0x3  }
0x62: {  	[tilespmem:$0xC70] =	vst v17  }
0x63: {  	v16 =	vld.idx.msk [tilespmem:v16+s3+$0x0], $0xffff;
	_ =	sdelay $0x4  }
0x64: {  	[tilespmem:$0xCB0] =	vst v16  }
0x65: {  	[tilespmem:s21], [sflag:$0x2] =	stream.indirect.gather [hbm4b:s4+s17], $0x80, s13, s17, $0xb8;
	[tilespmem:$0x14DC0] =	vst v63  }
0x66: {  	p0 =	seq.s32 s0, $0x0  }
0x67: {  	[tilespmem:s22], [sflag:$0x2] =	stream.indirect.gather [hbm4b:s4+s17], $0x80, s15, s17, $0xb8;
	[tilespmem:$0x14DC0] =	vst v63  }
0x68: {  	s5 =	simm.s32 @!p0 $0x3  }
0x69: {  	[tilespmem:s23], [sflag:$0x2] =	stream.indirect.gather [hbm4b:s4+s17], $0x80, s18, s17, $0xb8;
	[tilespmem:$0x14DC0] =	vst v63  }
0x6a: {  	_ =	swait.ge @!p0 [sflag:s5], $0x2000  }
0x6b: {  	[sflag:s5] =	ssyncset.done @!p0 $0x0  }
0x6c: {  	[sflag:s5] =	ssyncadd.s32 @!p0 $0xFFFFE000  }
0x6d: {  	_ =	swait.ge @!p0 [sflag:s5], $0x2000  }
0x6e: {  	[sflag:s5] =	ssyncset.done @!p0 $0x0  }
0x6f: {  	[sflag:s5] =	ssyncadd.s32 @!p0 $0xFFFFE000  }
0x70: {  	v22 =	vld [tilespmem:$0x14CC0]  }
0x71: {  	v32 =	vld [tilespmem:$0x14CD0]  }
0x72: {  	v23 =	vld [tilespmem:$0x14CE0]  }
0x73: {  	v24 =	vld [tilespmem:$0x14CF0]  }
0x74: {  	v25 =	vld [tilespmem:$0x14D00]  }
0x75: {  	v26 =	vld [tilespmem:$0x14D10]  }
0x76: {  	v27 =	vld [tilespmem:$0x14D20]  }
0x77: {  	v28 =	vld [tilespmem:$0x14D30]  }
0x78: {  	v29 =	vld [tilespmem:$0x14D40]  }
0x79: {  	v30 =	vld [tilespmem:$0x14D50]  }
0x7a: {  	v21 =	vld [tilespmem:$0x14D60]  }
0x7b: {  	v20 =	vld [tilespmem:$0x14D70];
	v16 =	vadd.s32 $0x180, v22  }
0x7c: {  	v19 =	vld [tilespmem:$0x14D80];
	v31 =	vadd.s32 $0x80, v22  }
0x7d: {  	v18 =	vld [tilespmem:$0x14D90]  }
0x7e: {  	v33 =	vadd.s32 $0x100, v22;
	v38 =	vld.idx.msk [tilespmem:v22+s14+$0x0], $0xffff  }
0x7f: {  	v17 =	vld [tilespmem:$0x14DA0]  }
0x80: {  	v34 =	vld.idx.msk [tilespmem:v16+s14+$0x0], $0xffff  }
0x81: {  	v35 =	vadd.s32 $0x180, v32;
	v31 =	vld.idx.msk [tilespmem:v31+s14+$0x0], $0xffff  }
0x82: {  	s16 =	simm.s32 $0xECC0;
	v36 =	vadd.s32 $0x80, v32;
	v16 =	vld [tilespmem:$0x14DB0]  }
0x83: {  	v33 =	vld.idx.msk [tilespmem:v33+s14+$0x0], $0xffff;
	[tilespmem:s16+$0xFFFFE000] =	vst v38  }
0x84: {  	v37 =	vadd.s32 $0x100, v32;
	v38 =	vld.idx.msk [tilespmem:v32+s14+$0x0], $0xffff  }
0x85: {  	[tilespmem:s16+$0xFFFFE180] =	vst v34  }
0x86: {  	[tilespmem:s16+$0xFFFFE080] =	vst v31;
	v34 =	vld.idx.msk [tilespmem:v35+s14+$0x0], $0xffff  }
0x87: {  	v55 =	vadd.s32 $0x180, v23;
	v31 =	vld.idx.msk [tilespmem:v36+s14+$0x0], $0xffff  }
0x88: {  	v56 =	vadd.s32 $0x80, v23;
	[tilespmem:s16+$0xFFFFE100] =	vst v33  }
0x89: {  	v57 =	vld.idx.msk [tilespmem:v37+s14+$0x0], $0xffff;
	[tilespmem:s16+$0xFFFFE010] =	vst v38  }
0x8a: {  	v58 =	vadd.s32 $0x100, v23;
	v38 =	vld.idx.msk [tilespmem:v23+s14+$0x0], $0xffff  }
0x8b: {  	[tilespmem:s16+$0xFFFFE190] =	vst v34  }
0x8c: {  	[tilespmem:s16+$0xFFFFE090] =	vst v31;
	v34 =	vld.idx.msk [tilespmem:v55+s14+$0x0], $0xffff  }
0x8d: {  	v59 =	vadd.s32 $0x180, v24;
	v31 =	vld.idx.msk [tilespmem:v56+s14+$0x0], $0xffff  }
0x8e: {  	v60 =	vadd.s32 $0x80, v24;
	[tilespmem:s16+$0xFFFFE110] =	vst v57  }
0x8f: {  	v36 =	vld.idx.msk [tilespmem:v58+s14+$0x0], $0xffff;
	[tilespmem:s16+$0xFFFFE020] =	vst v38  }
0x90: {  	v61 =	vadd.s32 $0x100, v24;
	v38 =	vld.idx.msk [tilespmem:v24+s14+$0x0], $0xffff  }
0x91: {  	[tilespmem:s16+$0xFFFFE1A0] =	vst v34  }
0x92: {  	[tilespmem:s16+$0xFFFFE0A0] =	vst v31;
	v34 =	vld.idx.msk [tilespmem:v59+s14+$0x0], $0xffff  }
0x93: {  	v62 =	vadd.s32 $0x180, v25;
	v31 =	vld.idx.msk [tilespmem:v60+s14+$0x0], $0xffff  }
0x94: {  	v63 =	vadd.s32 $0x80, v25;
	[tilespmem:s16+$0xFFFFE120] =	vst v36  }
0x95: {  	v36 =	vld.idx.msk [tilespmem:v61+s14+$0x0], $0xffff;
	[tilespmem:s16+$0xFFFFE030] =	vst v38  }
0x96: {  	v40 =	vadd.s32 $0x100, v25;
	v38 =	vld.idx.msk [tilespmem:v25+s14+$0x0], $0xffff  }
0x97: {  	[tilespmem:s16+$0xFFFFE1B0] =	vst v34  }
0x98: {  	[tilespmem:s16+$0xFFFFE0B0] =	vst v31;
	v34 =	vld.idx.msk [tilespmem:v62+s14+$0x0], $0xffff  }
0x99: {  	v41 =	vadd.s32 $0x180, v26;
	v31 =	vld.idx.msk [tilespmem:v63+s14+$0x0], $0xffff  }
0x9a: {  	v42 =	vadd.s32 $0x80, v26;
	[tilespmem:s16+$0xFFFFE130] =	vst v36  }
0x9b: {  	v36 =	vld.idx.msk [tilespmem:v40+s14+$0x0], $0xffff;
	[tilespmem:s16+$0xFFFFE040] =	vst v38  }
0x9c: {  	v43 =	vadd.s32 $0x100, v26;
	v38 =	vld.idx.msk [tilespmem:v26+s14+$0x0], $0xffff  }
0x9d: {  	[tilespmem:s16+$0xFFFFE1C0] =	vst v34  }
0x9e: {  	[tilespmem:s16+$0xFFFFE0C0] =	vst v31;
	v34 =	vld.idx.msk [tilespmem:v41+s14+$0x0], $0xffff  }
0x9f: {  	v44 =	vadd.s32 $0x180, v27;
	v31 =	vld.idx.msk [tilespmem:v42+s14+$0x0], $0xffff  }
0xa0: {  	v45 =	vadd.s32 $0x80, v27;
	[tilespmem:s16+$0xFFFFE140] =	vst v36  }
0xa1: {  	v36 =	vld.idx.msk [tilespmem:v43+s14+$0x0], $0xffff;
	[tilespmem:s16+$0xFFFFE050] =	vst v38  }
0xa2: {  	v46 =	vadd.s32 $0x100, v27;
	v38 =	vld.idx.msk [tilespmem:v27+s14+$0x0], $0xffff  }
0xa3: {  	[tilespmem:s16+$0xFFFFE1D0] =	vst v34  }
0xa4: {  	[tilespmem:s16+$0xFFFFE0D0] =	vst v31;
	v34 =	vld.idx.msk [tilespmem:v44+s14+$0x0], $0xffff  }
0xa5: {  	v31 =	vld.idx.msk [tilespmem:v45+s14+$0x0], $0xffff  }
0xa6: {  	v47 =	vadd.s32 $0x180, v28;
	[tilespmem:s16+$0xFFFFE150] =	vst v36  }
0xa7: {  	v48 =	vadd.s32 $0x80, v28;
	v36 =	vld.idx.msk [tilespmem:v46+s14+$0x0], $0xffff;
	[tilespmem:s16+$0xFFFFE060] =	vst v38  }
0xa8: {  	v49 =	vadd.s32 $0x100, v28;
	v39 =	vld.idx.msk [tilespmem:v28+s14+$0x0], $0xffff  }
0xa9: {  	[tilespmem:s16+$0xFFFFE1E0] =	vst v34  }
0xaa: {  	[tilespmem:s16+$0xFFFFE0E0] =	vst v31;
	v31 =	vadd.s32 $0x200, v22  }
0xab: {  	v34 =	vld.idx.msk [tilespmem:v47+s14+$0x0], $0xffff;
	v22 =	vadd.s32 $0x180, v31  }
0xac: {  	[tilespmem:s16+$0xFFFFE160] =	vst v36;
	v33 =	vld.idx.msk [tilespmem:v48+s14+$0x0], $0xffff;
	v54 =	vadd.s32 $0x80, v31  }
0xad: {  	v37 =	vld.idx.msk [tilespmem:v49+s14+$0x0], $0xffff;
	v55 =	vadd.s32 $0x100, v31;
	[tilespmem:s16+$0xFFFFE070] =	vst v39  }
0xae: {  	v51 =	vadd.s32 $0x80, v29;
	v39 =	vld.idx.msk [tilespmem:v29+s14+$0x0], $0xffff  }
0xaf: {  	v50 =	vadd.s32 $0x180, v29;
	v60 =	vld.idx.msk [tilespmem:v31+s14+$0x0], $0xffff  }
0xb0: {  	v52 =	vadd.s32 $0x100, v29;
	v41 =	vld.idx.msk [tilespmem:v22+s14+$0x0], $0xffff  }
0xb1: {  	[tilespmem:s16+$0xFFFFE1F0] =	vst v34;
	v36 =	vld.idx.msk [tilespmem:v54+s14+$0x0], $0xffff;
	v22 =	vadd.s32 $0x200, v32  }
0xb2: {  	[tilespmem:s16+$0xFFFFE0F0] =	vst v33;
	v57 =	vld.idx.msk [tilespmem:v55+s14+$0x0], $0xffff  }
0xb3: {  	[tilespmem:s16+$0xFFFFE170] =	vst v37;
	v33 =	vld.idx.msk [tilespmem:v51+s14+$0x0], $0xffff;
	v58 =	vadd.s32 $0x180, v22  }
0xb4: {  	s19 =	simm.s32 $0xEEC0;
	v34 =	vld.idx.msk [tilespmem:v50+s14+$0x0], $0xffff;
	v59 =	vadd.s32 $0x80, v22;
	[tilespmem:s16+$0x0] =	vst v39  }
0xb5: {  	v37 =	vld.idx.msk [tilespmem:v52+s14+$0x0], $0xffff;
	v61 =	vadd.s32 $0x100, v22;
	[tilespmem:s19+$0xFFFFE000] =	vst v60  }
0xb6: {  	v53 =	vadd.s32 $0x180, v30;
	[tilespmem:s19+$0xFFFFE180] =	vst v41;
	v48 =	vld.idx.msk [tilespmem:v22+s14+$0x0], $0xffff  }
0xb7: {  	v56 =	vadd.s32 $0x80, v30;
	[tilespmem:s19+$0xFFFFE080] =	vst v36;
	v43 =	vld.idx.msk [tilespmem:v30+s14+$0x0], $0xffff  }
0xb8: {  	v40 =	vadd.s32 $0x100, v30;
	[tilespmem:s16+$0x80] =	vst v33;
	v33 =	vld.idx.msk [tilespmem:v58+s14+$0x0], $0xffff  }
0xb9: {  	v23 =	vadd.s32 $0x200, v23;
	[tilespmem:s19+$0xFFFFE100] =	vst v57;
	v36 =	vld.idx.msk [tilespmem:v59+s14+$0x0], $0xffff  }
0xba: {  	[tilespmem:s16+$0x180] =	vst v34;
	v45 =	vld.idx.msk [tilespmem:v61+s14+$0x0], $0xffff  }
0xbb: {  	v46 =	vadd.s32 $0x180, v23;
	[tilespmem:s16+$0x100] =	vst v37;
	v35 =	vld.idx.msk [tilespmem:v53+s14+$0x0], $0xffff  }
0xbc: {  	v42 =	vadd.s32 $0x180, v21;
	v34 =	vld.idx.msk [tilespmem:v56+s14+$0x0], $0xffff;
	[tilespmem:s19+$0xFFFFE010] =	vst v48  }
0xbd: {  	v47 =	vadd.s32 $0x80, v23;
	v40 =	vld.idx.msk [tilespmem:v40+s14+$0x0], $0xffff;
	[tilespmem:s16+$0x10] =	vst v43  }
0xbe: {  	v49 =	vadd.s32 $0x100, v23;
	[tilespmem:s19+$0xFFFFE190] =	vst v33;
	v55 =	vld.idx.msk [tilespmem:v23+s14+$0x0], $0xffff  }
0xbf: {  	v62 =	vadd.s32 $0x80, v21;
	[tilespmem:s19+$0xFFFFE090] =	vst v36;
	v57 =	vld.idx.msk [tilespmem:v21+s14+$0x0], $0xffff  }
0xc0: {  	v24 =	vadd.s32 $0x200, v24;
	[tilespmem:s16+$0x190] =	vst v35;
	v33 =	vld.idx.msk [tilespmem:v46+s14+$0x0], $0xffff  }
0xc1: {  	v51 =	vadd.s32 $0x100, v21;
	[tilespmem:s19+$0xFFFFE110] =	vst v45;
	v35 =	vld.idx.msk [tilespmem:v42+s14+$0x0], $0xffff  }
0xc2: {  	v53 =	vadd.s32 $0x180, v24;
	[tilespmem:s16+$0x90] =	vst v34;
	v36 =	vld.idx.msk [tilespmem:v47+s14+$0x0], $0xffff  }
0xc3: {  	v63 =	vadd.s32 $0x180, v20;
	[tilespmem:s16+$0x110] =	vst v40;
	v34 =	vld.idx.msk [tilespmem:v49+s14+$0x0], $0xffff  }
0xc4: {  	v54 =	vadd.s32 $0x80, v24;
	v50 =	vld.idx.msk [tilespmem:v62+s14+$0x0], $0xffff;
	[tilespmem:s19+$0xFFFFE020] =	vst v55  }
0xc5: {  	v56 =	vadd.s32 $0x100, v24;
	[tilespmem:s19+$0xFFFFE1A0] =	vst v33;
	v48 =	vld.idx.msk [tilespmem:v24+s14+$0x0], $0xffff  }
0xc6: {  	[tilespmem:s16+$0x1A0] =	vst v35;
	v35 =	vld.idx.msk [tilespmem:v51+s14+$0x0], $0xffff  }
0xc7: {  	v25 =	vadd.s32 $0x200, v25;
	[tilespmem:s16+$0x20] =	vst v57;
	v61 =	vld.idx.msk [tilespmem:v53+s14+$0x0], $0xffff  }
0xc8: {  	v58 =	vadd.s32 $0x80, v20;
	[tilespmem:s19+$0xFFFFE0A0] =	vst v36;
	v32 =	vld.idx.msk [tilespmem:v63+s14+$0x0], $0xffff  }
0xc9: {  	v46 =	vadd.s32 $0x180, v25;
	[tilespmem:s19+$0xFFFFE120] =	vst v34;
	v62 =	vld.idx.msk [tilespmem:v54+s14+$0x0], $0xffff  }
0xca: {  	v52 =	vadd.s32 $0x180, v19;
	[tilespmem:s16+$0xA0] =	vst v50;
	v45 =	vld.idx.msk [tilespmem:v56+s14+$0x0], $0xffff  }
0xcb: {  	v47 =	vadd.s32 $0x80, v25;
	v56 =	vld.idx.msk [tilespmem:v20+s14+$0x0], $0xffff;
	[tilespmem:s19+$0xFFFFE030] =	vst v48  }
0xcc: {  	v49 =	vadd.s32 $0x100, v25;
	[tilespmem:s19+$0xFFFFE1B0] =	vst v61;
	v54 =	vld.idx.msk [tilespmem:v25+s14+$0x0], $0xffff  }
0xcd: {  	v60 =	vadd.s32 $0x100, v20;
	[tilespmem:s16+$0x1B0] =	vst v32;
	v32 =	vld.idx.msk [tilespmem:v58+s14+$0x0], $0xffff  }
0xce: {  	v26 =	vadd.s32 $0x200, v26;
	[tilespmem:s16+$0x120] =	vst v35;
	v36 =	vld.idx.msk [tilespmem:v46+s14+$0x0], $0xffff  }
0xcf: {  	[tilespmem:s19+$0xFFFFE0B0] =	vst v62;
	v59 =	vld.idx.msk [tilespmem:v52+s14+$0x0], $0xffff;
	v52 =	vadd.s32 $0x180, v26  }
0xd0: {  	v63 =	vadd.s32 $0x180, v18;
	[tilespmem:s19+$0xFFFFE130] =	vst v45;
	v38 =	vld.idx.msk [tilespmem:v47+s14+$0x0], $0xffff  }
0xd1: {  	v53 =	vadd.s32 $0x80, v26;
	[tilespmem:s16+$0x30] =	vst v56;
	v35 =	vld.idx.msk [tilespmem:v49+s14+$0x0], $0xffff  }
0xd2: {  	v55 =	vadd.s32 $0x100, v26;
	v37 =	vld.idx.msk [tilespmem:v60+s14+$0x0], $0xffff;
	[tilespmem:s19+$0xFFFFE040] =	vst v54  }
0xd3: {  	v50 =	vadd.s32 $0x80, v19;
	v46 =	vld.idx.msk [tilespmem:v19+s14+$0x0], $0xffff;
	[tilespmem:s19+$0xFFFFE1C0] =	vst v36  }
0xd4: {  	[tilespmem:s16+$0x1C0] =	vst v59;
	v59 =	vld.idx.msk [tilespmem:v52+s14+$0x0], $0xffff  }
0xd5: {  	v27 =	vadd.s32 $0x200, v27;
	v57 =	vadd.s32 $0x100, v19;
	[tilespmem:s19+$0xFFFFE0C0] =	vst v38;
	v33 =	vld.idx.msk [tilespmem:v63+s14+$0x0], $0xffff  }
0xd6: {  	v61 =	vadd.s32 $0x180, v27;
	[tilespmem:s19+$0xFFFFE140] =	vst v35;
	v38 =	vld.idx.msk [tilespmem:v53+s14+$0x0], $0xffff  }
0xd7: {  	v62 =	vadd.s32 $0x80, v27;
	[tilespmem:s16+$0xB0] =	vst v32;
	v32 =	vld.idx.msk [tilespmem:v55+s14+$0x0], $0xffff  }
0xd8: {  	v45 =	vadd.s32 $0x100, v27;
	[tilespmem:s16+$0x130] =	vst v37;
	v34 =	vld.idx.msk [tilespmem:v50+s14+$0x0], $0xffff  }
0xd9: {  	v51 =	vadd.s32 $0x180, v17;
	v63 =	vld.idx.msk [tilespmem:v26+s14+$0x0], $0xffff;
	[tilespmem:s19+$0xFFFFE1D0] =	vst v59  }
0xda: {  	v47 =	vadd.s32 $0x80, v18;
	[tilespmem:s16+$0x1D0] =	vst v33;
	v33 =	vld.idx.msk [tilespmem:v57+s14+$0x0], $0xffff  }
0xdb: {  	[tilespmem:s19+$0xFFFFE0D0] =	vst v38;
	v49 =	vld.idx.msk [tilespmem:v61+s14+$0x0], $0xffff  }
0xdc: {  	[tilespmem:s19+$0xFFFFE150] =	vst v32;
	v50 =	vld.idx.msk [tilespmem:v62+s14+$0x0], $0xffff  }
0xdd: {  	v28 =	vadd.s32 $0x200, v28;
	v48 =	vadd.s32 $0x100, v18;
	[tilespmem:s16+$0x40] =	vst v46;
	v32 =	vld.idx.msk [tilespmem:v45+s14+$0x0], $0xffff  }
0xde: {  	[tilespmem:s16+$0xC0] =	vst v34;
	v58 =	vld.idx.msk [tilespmem:v51+s14+$0x0], $0xffff;
	v51 =	vadd.s32 $0x180, v28  }
0xdf: {  	v54 =	vadd.s32 $0x100, v28;
	[tilespmem:s19+$0xFFFFE050] =	vst v63;
	v55 =	vld.idx.msk [tilespmem:v47+s14+$0x0], $0xffff  }
0xe0: {  	v60 =	vadd.s32 $0x180, v16;
	v57 =	vld.idx.msk [tilespmem:v18+s14+$0x0], $0xffff;
	[tilespmem:s16+$0x140] =	vst v33  }
0xe1: {  	v56 =	vadd.s32 $0x80, v17;
	v53 =	vld.idx.msk [tilespmem:v27+s14+$0x0], $0xffff;
	[tilespmem:s19+$0xFFFFE1E0] =	vst v49  }
0xe2: {  	v52 =	vadd.s32 $0x80, v28;
	[tilespmem:s19+$0xFFFFE0E0] =	vst v50;
	v37 =	vld.idx.msk [tilespmem:v48+s14+$0x0], $0xffff  }
0xe3: {  	[tilespmem:s19+$0xFFFFE160] =	vst v32;
	v59 =	vld.idx.msk [tilespmem:v51+s14+$0x0], $0xffff  }
0xe4: {  	[tilespmem:s16+$0x1E0] =	vst v58;
	v61 =	vld.idx.msk [tilespmem:v54+s14+$0x0], $0xffff  }
0xe5: {  	v29 =	vadd.s32 $0x200, v29;
	[tilespmem:s16+$0xD0] =	vst v55;
	v58 =	vadd.s32 $0x100, v17;
	v35 =	vld.idx.msk [tilespmem:v60+s14+$0x0], $0xffff  }
0xe6: {  	v62 =	vadd.s32 $0x180, v29;
	[tilespmem:s16+$0x50] =	vst v57;
	v36 =	vld.idx.msk [tilespmem:v56+s14+$0x0], $0xffff  }
0xe7: {  	v45 =	vadd.s32 $0x100, v29;
	[tilespmem:s19+$0xFFFFE060] =	vst v53;
	v60 =	vld.idx.msk [tilespmem:v52+s14+$0x0], $0xffff  }
0xe8: {  	v63 =	vadd.s32 $0x80, v29;
	v44 =	vld.idx.msk [tilespmem:v28+s14+$0x0], $0xffff;
	[tilespmem:s16+$0x150] =	vst v37  }
0xe9: {  	v34 =	vld.idx.msk [tilespmem:v17+s14+$0x0], $0xffff;
	[tilespmem:s19+$0xFFFFE1F0] =	vst v59  }
0xea: {  	v33 =	vadd.s32 $0x80, v16;
	[tilespmem:s16+$0x1F0] =	vst v35;
	v35 =	vld.idx.msk [tilespmem:v58+s14+$0x0], $0xffff  }
0xeb: {  	v32 =	vadd.s32 $0x100, v16;
	[tilespmem:s19+$0xFFFFE170] =	vst v61;
	v38 =	vld.idx.msk [tilespmem:v62+s14+$0x0], $0xffff  }
0xec: {  	v30 =	vadd.s32 $0x200, v30;
	[tilespmem:s19+$0xFFFFE0F0] =	vst v60;
	v40 =	vld.idx.msk [tilespmem:v45+s14+$0x0], $0xffff  }
0xed: {  	s5 =	simm.s32 $0x4;
	v31 =	vadd.s32 $0x200, v31;
	v41 =	vadd.s32 $0x180, v30;
	v37 =	vadd.s32 $0x80, v30;
	[tilespmem:s19+$0xFFFFE070] =	vst v44;
	v39 =	vld.idx.msk [tilespmem:v63+s14+$0x0], $0xffff  }
.LBB2_3:
0xee: {  	v42 =	vadd.s32 $0x80, v31;
	v43 =	vadd.s32 $0x100, v31;
	v44 =	vadd.s32 $0x180, v31;
	s5 =	sadd.s32 $0x4, s5;
	v45 =	vld.idx.msk [tilespmem:v29+s14+$0x0], $0xffff;
	[tilespmem:s16+$0xE0] =	vst v36  }
0xef: {  	v36 =	vadd.s32 $0x100, v30;
	p0 =	slt.u32 s5, $0x3C;
	v33 =	vld.idx.msk [tilespmem:v33+s14+$0x0], $0xffff;
	[tilespmem:s16+$0x160] =	vst v35  }
0xf0: {  	[tilespmem:s16+$0x60] =	vst v34;
	v32 =	vld.idx.msk [tilespmem:v32+s14+$0x0], $0xffff  }
0xf1: {  	[tilespmem:s19+$0x180] =	vst v38;
	v34 =	vld.idx.msk [tilespmem:v16+s14+$0x0], $0xffff  }
0xf2: {  	[tilespmem:s19+$0x80] =	vst v39;
	v35 =	vld.idx.msk [tilespmem:v41+s14+$0x0], $0xffff  }
0xf3: {  	v21 =	vadd.s32 $0x200, v21;
	v38 =	vld.idx.msk [tilespmem:v44+s14+$0x0], $0xffff;
	[tilespmem:s19+$0x100] =	vst v40  }
0xf4: {  	v22 =	vadd.s32 $0x200, v22;
	v41 =	vadd.s32 $0x180, v21;
	v40 =	vadd.s32 $0x80, v21;
	v39 =	vld.idx.msk [tilespmem:v42+s14+$0x0], $0xffff;
	[tilespmem:s19+$0x0] =	vst v45  }
0xf5: {  	v44 =	vadd.s32 $0x100, v22;
	v42 =	vadd.s32 $0x80, v22;
	v45 =	vadd.s32 $0x180, v22;
	v43 =	vld.idx.msk [tilespmem:v43+s14+$0x0], $0xffff;
	[tilespmem:s16+$0xF0] =	vst v33  }
0xf6: {  	v46 =	vadd.s32 $0x100, v21;
	v33 =	vld.idx.msk [tilespmem:v31+s14+$0x0], $0xffff;
	[tilespmem:s16+$0x170] =	vst v32  }
0xf7: {  	v32 =	vld.idx.msk [tilespmem:v37+s14+$0x0], $0xffff;
	[tilespmem:s16+$0x70] =	vst v34;
	s16 =	smov.u32 s19  }
0xf8: {  	s19 =	sadd.s32 $0x200, s19;
	v34 =	vld.idx.msk [tilespmem:v36+s14+$0x0], $0xffff;
	[tilespmem:s16+$0x190] =	vst v35  }
0xf9: {  	[tilespmem:s19+$0xFFFFE180] =	vst v38;
	v35 =	vld.idx.msk [tilespmem:v41+s14+$0x0], $0xffff  }
0xfa: {  	v20 =	vadd.s32 $0x200, v20;
	[tilespmem:s19+$0xFFFFE080] =	vst v39;
	v36 =	vld.idx.msk [tilespmem:v45+s14+$0x0], $0xffff  }
0xfb: {  	v23 =	vadd.s32 $0x200, v23;
	v38 =	vadd.s32 $0x80, v20;
	v39 =	vadd.s32 $0x180, v20;
	v37 =	vld.idx.msk [tilespmem:v42+s14+$0x0], $0xffff;
	[tilespmem:s19+$0xFFFFE100] =	vst v43  }
0xfc: {  	v41 =	vadd.s32 $0x100, v23;
	v43 =	vadd.s32 $0x180, v23;
	[tilespmem:s19+$0xFFFFE000] =	vst v33;
	v33 =	vadd.s32 $0x80, v23;
	v42 =	vld.idx.msk [tilespmem:v44+s14+$0x0], $0xffff  }
0xfd: {  	v44 =	vld.idx.msk [tilespmem:v22+s14+$0x0], $0xffff;
	[tilespmem:s16+$0x90] =	vst v32;
	v32 =	vadd.s32 $0x100, v20  }
0xfe: {  	v45 =	vld.idx.msk [tilespmem:v30+s14+$0x0], $0xffff;
	[tilespmem:s16+$0x110] =	vst v34  }
0xff: {  	v34 =	vld.idx.msk [tilespmem:v40+s14+$0x0], $0xffff;
	[tilespmem:s16+$0x1A0] =	vst v35  }
0x100: {  	[tilespmem:s19+$0xFFFFE190] =	vst v36;
	v35 =	vld.idx.msk [tilespmem:v39+s14+$0x0], $0xffff  }
0x101: {  	v19 =	vadd.s32 $0x200, v19;
	[tilespmem:s19+$0xFFFFE090] =	vst v37;
	v36 =	vld.idx.msk [tilespmem:v43+s14+$0x0], $0xffff  }
0x102: {  	v24 =	vadd.s32 $0x200, v24;
	v39 =	vadd.s32 $0x180, v19;
	v37 =	vadd.s32 $0x80, v19;
	v33 =	vld.idx.msk [tilespmem:v33+s14+$0x0], $0xffff;
	[tilespmem:s19+$0xFFFFE110] =	vst v42  }
0x103: {  	v40 =	vadd.s32 $0x80, v24;
	v43 =	vadd.s32 $0x180, v24;
	v42 =	vadd.s32 $0x100, v24;
	[tilespmem:s19+$0xFFFFE010] =	vst v44;
	v41 =	vld.idx.msk [tilespmem:v41+s14+$0x0], $0xffff  }
0x104: {  	v44 =	vld.idx.msk [tilespmem:v23+s14+$0x0], $0xffff;
	[tilespmem:s16+$0x10] =	vst v45;
	v45 =	vadd.s32 $0x100, v19  }
0x105: {  	[tilespmem:s16+$0xA0] =	vst v34;
	v34 =	vld.idx.msk [tilespmem:v46+s14+$0x0], $0xffff  }
0x106: {  	v46 =	vld.idx.msk [tilespmem:v21+s14+$0x0], $0xffff;
	[tilespmem:s16+$0x1B0] =	vst v35  }
0x107: {  	[tilespmem:s19+$0xFFFFE1A0] =	vst v36;
	v35 =	vld.idx.msk [tilespmem:v39+s14+$0x0], $0xffff  }
0x108: {  	v18 =	vadd.s32 $0x200, v18;
	[tilespmem:s19+$0xFFFFE0A0] =	vst v33;
	v33 =	vld.idx.msk [tilespmem:v43+s14+$0x0], $0xffff  }
0x109: {  	v25 =	vadd.s32 $0x200, v25;
	v39 =	vadd.s32 $0x80, v18;
	v36 =	vld.idx.msk [tilespmem:v40+s14+$0x0], $0xffff;
	[tilespmem:s19+$0xFFFFE120] =	vst v41;
	v40 =	vadd.s32 $0x180, v18  }
0x10a: {  	v43 =	vadd.s32 $0x100, v25;
	v41 =	vadd.s32 $0x80, v25;
	[tilespmem:s19+$0xFFFFE020] =	vst v44;
	v42 =	vld.idx.msk [tilespmem:v42+s14+$0x0], $0xffff;
	v44 =	vadd.s32 $0x180, v25  }
0x10b: {  	v48 =	vadd.s32 $0x100, v18;
	v47 =	vld.idx.msk [tilespmem:v24+s14+$0x0], $0xffff;
	[tilespmem:s16+$0x120] =	vst v34  }
0x10c: {  	[tilespmem:s16+$0x20] =	vst v46;
	v34 =	vld.idx.msk [tilespmem:v38+s14+$0x0], $0xffff  }
0x10d: {  	v32 =	vld.idx.msk [tilespmem:v32+s14+$0x0], $0xffff;
	[tilespmem:s16+$0x1C0] =	vst v35  }
0x10e: {  	[tilespmem:s19+$0xFFFFE1B0] =	vst v33;
	v33 =	vld.idx.msk [tilespmem:v40+s14+$0x0], $0xffff  }
0x10f: {  	v17 =	vadd.s32 $0x200, v17;
	[tilespmem:s19+$0xFFFFE0B0] =	vst v36;
	v35 =	vld.idx.msk [tilespmem:v44+s14+$0x0], $0xffff  }
0x110: {  	v26 =	vadd.s32 $0x200, v26;
	v38 =	vadd.s32 $0x80, v17;
	v40 =	vadd.s32 $0x180, v17;
	v36 =	vld.idx.msk [tilespmem:v41+s14+$0x0], $0xffff;
	[tilespmem:s19+$0xFFFFE130] =	vst v42  }
0x111: {  	v44 =	vadd.s32 $0x180, v26;
	v41 =	vadd.s32 $0x80, v26;
	v42 =	vadd.s32 $0x100, v26;
	[tilespmem:s19+$0xFFFFE030] =	vst v47;
	v43 =	vld.idx.msk [tilespmem:v43+s14+$0x0], $0xffff  }
0x112: {  	v46 =	vld.idx.msk [tilespmem:v25+s14+$0x0], $0xffff;
	[tilespmem:s16+$0xB0] =	vst v34;
	v34 =	vadd.s32 $0x100, v17  }
0x113: {  	v47 =	vld.idx.msk [tilespmem:v20+s14+$0x0], $0xffff;
	[tilespmem:s16+$0x130] =	vst v32  }
0x114: {  	v37 =	vld.idx.msk [tilespmem:v37+s14+$0x0], $0xffff;
	[tilespmem:s16+$0x1D0] =	vst v33  }
0x115: {  	[tilespmem:s19+$0xFFFFE1C0] =	vst v35;
	v35 =	vld.idx.msk [tilespmem:v40+s14+$0x0], $0xffff  }
0x116: {  	v16 =	vadd.s32 $0x200, v16;
	[tilespmem:s19+$0xFFFFE0C0] =	vst v36;
	v36 =	vld.idx.msk [tilespmem:v44+s14+$0x0], $0xffff  }
0x117: {  	v27 =	vadd.s32 $0x200, v27;
	v33 =	vadd.s32 $0x80, v16;
	v40 =	vld.idx.msk [tilespmem:v41+s14+$0x0], $0xffff;
	[tilespmem:s19+$0xFFFFE140] =	vst v43;
	v41 =	vadd.s32 $0x180, v16  }
0x118: {  	v44 =	vadd.s32 $0x100, v27;
	v43 =	vadd.s32 $0x80, v27;
	[tilespmem:s19+$0xFFFFE040] =	vst v46;
	v42 =	vld.idx.msk [tilespmem:v42+s14+$0x0], $0xffff;
	v46 =	vadd.s32 $0x180, v27  }
0x119: {  	v32 =	vadd.s32 $0x100, v16;
	v49 =	vld.idx.msk [tilespmem:v26+s14+$0x0], $0xffff;
	[tilespmem:s16+$0x30] =	vst v47  }
0x11a: {  	[tilespmem:s16+$0xC0] =	vst v37;
	v37 =	vld.idx.msk [tilespmem:v45+s14+$0x0], $0xffff  }
0x11b: {  	v45 =	vld.idx.msk [tilespmem:v19+s14+$0x0], $0xffff;
	[tilespmem:s16+$0x1E0] =	vst v35  }
0x11c: {  	[tilespmem:s19+$0xFFFFE1D0] =	vst v36;
	v35 =	vld.idx.msk [tilespmem:v41+s14+$0x0], $0xffff  }
0x11d: {  	[tilespmem:s19+$0xFFFFE0D0] =	vst v40;
	v36 =	vld.idx.msk [tilespmem:v46+s14+$0x0], $0xffff  }
0x11e: {  	v28 =	vadd.s32 $0x200, v28;
	v40 =	vld.idx.msk [tilespmem:v43+s14+$0x0], $0xffff;
	[tilespmem:s19+$0xFFFFE150] =	vst v42  }
0x11f: {  	v41 =	vadd.s32 $0x80, v28;
	v42 =	vadd.s32 $0x100, v28;
	[tilespmem:s19+$0xFFFFE050] =	vst v49;
	v43 =	vld.idx.msk [tilespmem:v44+s14+$0x0], $0xffff;
	v44 =	vadd.s32 $0x180, v28  }
0x120: {  	v46 =	vld.idx.msk [tilespmem:v27+s14+$0x0], $0xffff;
	[tilespmem:s16+$0x140] =	vst v37  }
0x121: {  	[tilespmem:s16+$0x40] =	vst v45;
	v37 =	vld.idx.msk [tilespmem:v39+s14+$0x0], $0xffff  }
0x122: {  	v39 =	vld.idx.msk [tilespmem:v48+s14+$0x0], $0xffff;
	[tilespmem:s16+$0x1F0] =	vst v35  }
0x123: {  	[tilespmem:s19+$0xFFFFE1E0] =	vst v36;
	v35 =	vld.idx.msk [tilespmem:v18+s14+$0x0], $0xffff  }
0x124: {  	[tilespmem:s19+$0xFFFFE0E0] =	vst v40;
	v40 =	vld.idx.msk [tilespmem:v44+s14+$0x0], $0xffff  }
0x125: {  	v29 =	vadd.s32 $0x200, v29;
	v41 =	vld.idx.msk [tilespmem:v41+s14+$0x0], $0xffff;
	[tilespmem:s19+$0xFFFFE160] =	vst v43  }
0x126: {  	v45 =	vadd.s32 $0x180, v29;
	v44 =	vadd.s32 $0x100, v29;
	v43 =	vadd.s32 $0x80, v29;
	[tilespmem:s19+$0xFFFFE060] =	vst v46;
	v42 =	vld.idx.msk [tilespmem:v42+s14+$0x0], $0xffff  }
0x127: {  	v46 =	vld.idx.msk [tilespmem:v28+s14+$0x0], $0xffff;
	[tilespmem:s16+$0xD0] =	vst v37  }
0x128: {  	v36 =	vld.idx.msk [tilespmem:v38+s14+$0x0], $0xffff;
	[tilespmem:s16+$0x150] =	vst v39  }
.Ltmp0:
0x129: {  	[tilespmem:s16+$0x50] =	vst v35;
	v35 =	vld.idx.msk [tilespmem:v34+s14+$0x0], $0xffff;
	(pc) =	sbr.rel @p0 .LBB2_3-.Ltmp0, $4  }
0x12a: {  	[tilespmem:s19+$0xFFFFE1F0] =	vst v40;
	v34 =	vld.idx.msk [tilespmem:v17+s14+$0x0], $0xffff  }
0x12b: {  	[tilespmem:s19+$0xFFFFE0F0] =	vst v41;
	v38 =	vld.idx.msk [tilespmem:v45+s14+$0x0], $0xffff  }
0x12c: {  	v30 =	vadd.s32 $0x200, v30;
	v39 =	vld.idx.msk [tilespmem:v43+s14+$0x0], $0xffff;
	[tilespmem:s19+$0xFFFFE170] =	vst v42  }
0x12d: {  	v31 =	vadd.s32 $0x200, v31;
	v37 =	vadd.s32 $0x80, v30;
	v41 =	vadd.s32 $0x180, v30;
	[tilespmem:s19+$0xFFFFE070] =	vst v46;
	v40 =	vld.idx.msk [tilespmem:v44+s14+$0x0], $0xffff  }
0x12e: {  	_ =	sdelay $0x3  }
0x12f: {  	v22 =	vld.idx.msk [tilespmem:v29+s14+$0x0], $0xffff;
	v23 =	vadd.s32 $0x100, v30;
	_ =	sdelay $0x1  }
0x130: {  	[tilespmem:s19+$0x180] =	vst v38  }
0x131: {  	v21 =	vadd.s32 $0x200, v21;
	[tilespmem:s19+$0x80] =	vst v39;
	v24 =	vld.idx.msk [tilespmem:v41+s14+$0x0], $0xffff  }
0x132: {  	v25 =	vadd.s32 $0x180, v21;
	[tilespmem:s19+$0x100] =	vst v40;
	v26 =	vld.idx.msk [tilespmem:v37+s14+$0x0], $0xffff  }
0x133: {  	[tilespmem:s19+$0x0] =	vst v22;
	v22 =	vadd.s32 $0x80, v21;
	v23 =	vld.idx.msk [tilespmem:v23+s14+$0x0], $0xffff  }
0x134: {  	v27 =	vadd.s32 $0x100, v21;
	v28 =	vld.idx.msk [tilespmem:v30+s14+$0x0], $0xffff;
	_ =	sdelay $0x1  }
0x135: {  	[tilespmem:s19+$0x190] =	vst v24  }
0x136: {  	v20 =	vadd.s32 $0x200, v20;
	v24 =	vld.idx.msk [tilespmem:v25+s14+$0x0], $0xffff;
	[tilespmem:s19+$0x90] =	vst v26  }
0x137: {  	v25 =	vadd.s32 $0x180, v20;
	[tilespmem:s19+$0x110] =	vst v23;
	v22 =	vld.idx.msk [tilespmem:v22+s14+$0x0], $0xffff  }
0x138: {  	v23 =	vadd.s32 $0x80, v20;
	[tilespmem:s19+$0x10] =	vst v28;
	v26 =	vld.idx.msk [tilespmem:v27+s14+$0x0], $0xffff  }
0x139: {  	v27 =	vadd.s32 $0x100, v20;
	v21 =	vld.idx.msk [tilespmem:v21+s14+$0x0], $0xffff;
	_ =	sdelay $0x1  }
0x13a: {  	[tilespmem:s19+$0x1A0] =	vst v24  }
0x13b: {  	v19 =	vadd.s32 $0x200, v19;
	v24 =	vld.idx.msk [tilespmem:v25+s14+$0x0], $0xffff;
	[tilespmem:s19+$0xA0] =	vst v22  }
0x13c: {  	v22 =	vadd.s32 $0x180, v19;
	[tilespmem:s19+$0x120] =	vst v26;
	v23 =	vld.idx.msk [tilespmem:v23+s14+$0x0], $0xffff  }
0x13d: {  	v25 =	vadd.s32 $0x80, v19;
	[tilespmem:s19+$0x20] =	vst v21;
	v21 =	vld.idx.msk [tilespmem:v27+s14+$0x0], $0xffff  }
0x13e: {  	v26 =	vadd.s32 $0x100, v19;
	v20 =	vld.idx.msk [tilespmem:v20+s14+$0x0], $0xffff;
	_ =	sdelay $0x1  }
0x13f: {  	[tilespmem:s19+$0x1B0] =	vst v24  }
0x140: {  	v18 =	vadd.s32 $0x200, v18;
	v22 =	vld.idx.msk [tilespmem:v22+s14+$0x0], $0xffff;
	[tilespmem:s19+$0xB0] =	vst v23  }
0x141: {  	v23 =	vadd.s32 $0x180, v18;
	[tilespmem:s19+$0x130] =	vst v21;
	v21 =	vld.idx.msk [tilespmem:v25+s14+$0x0], $0xffff  }
0x142: {  	v24 =	vadd.s32 $0x80, v18;
	[tilespmem:s19+$0x30] =	vst v20;
	v20 =	vld.idx.msk [tilespmem:v26+s14+$0x0], $0xffff  }
0x143: {  	v25 =	vadd.s32 $0x100, v18;
	v19 =	vld.idx.msk [tilespmem:v19+s14+$0x0], $0xffff;
	_ =	sdelay $0x1  }
0x144: {  	[tilespmem:s19+$0x1C0] =	vst v22  }
0x145: {  	v17 =	vadd.s32 $0x200, v17;
	v22 =	vld.idx.msk [tilespmem:v23+s14+$0x0], $0xffff;
	[tilespmem:s19+$0xC0] =	vst v21  }
0x146: {  	v21 =	vadd.s32 $0x180, v17;
	[tilespmem:s19+$0x140] =	vst v20;
	v20 =	vld.idx.msk [tilespmem:v24+s14+$0x0], $0xffff  }
0x147: {  	v23 =	vadd.s32 $0x80, v17;
	[tilespmem:s19+$0x40] =	vst v19;
	v19 =	vld.idx.msk [tilespmem:v25+s14+$0x0], $0xffff  }
0x148: {  	[tilespmem:s16+$0xE0] =	vst v36;
	v24 =	vadd.s32 $0x100, v17;
	v18 =	vld.idx.msk [tilespmem:v18+s14+$0x0], $0xffff  }
0x149: {  	[tilespmem:s16+$0x160] =	vst v35  }
0x14a: {  	v26 =	vld.idx.msk [tilespmem:v32+s14+$0x0], $0xffff;
	[tilespmem:s19+$0x1D0] =	vst v22  }
0x14b: {  	v22 =	vadd.s32 $0x200, v16;
	v21 =	vld.idx.msk [tilespmem:v21+s14+$0x0], $0xffff;
	[tilespmem:s19+$0xD0] =	vst v20  }
0x14c: {  	v20 =	vadd.s32 $0x180, v22;
	v23 =	vld.idx.msk [tilespmem:v23+s14+$0x0], $0xffff;
	[tilespmem:s19+$0x150] =	vst v19  }
0x14d: {  	v19 =	vadd.s32 $0x80, v22;
	[tilespmem:s19+$0x50] =	vst v18;
	v18 =	vld.idx.msk [tilespmem:v24+s14+$0x0], $0xffff  }
0x14e: {  	[tilespmem:s16+$0x60] =	vst v34;
	v24 =	vadd.s32 $0x100, v22;
	v17 =	vld.idx.msk [tilespmem:v17+s14+$0x0], $0xffff  }
0x14f: {  	[tilespmem:s16+$0x170] =	vst v26;
	v25 =	vld.idx.msk [tilespmem:v33+s14+$0x0], $0xffff  }
0x150: {  	v16 =	vld.idx.msk [tilespmem:v16+s14+$0x0], $0xffff;
	[tilespmem:s19+$0x1E0] =	vst v21  }
0x151: {  	v20 =	vld.idx.msk [tilespmem:v20+s14+$0x0], $0xffff;
	[tilespmem:s19+$0xE0] =	vst v23  }
0x152: {  	v19 =	vld.idx.msk [tilespmem:v19+s14+$0x0], $0xffff;
	[tilespmem:s19+$0x160] =	vst v18  }
0x153: {  	[tilespmem:s19+$0x60] =	vst v17;
	v17 =	vld.idx.msk [tilespmem:v24+s14+$0x0], $0xffff  }
0x154: {  	[tilespmem:s16+$0xF0] =	vst v25;
	v18 =	vld.idx.msk [tilespmem:v22+s14+$0x0], $0xffff  }
0x155: {  	s5 =	sshll.u32 s0, $0xE;
	[tilespmem:s16+$0x70] =	vst v16  }
0x156: {  	s5 =	sadd.s32 s6, s5;
	[tilespmem:s19+$0x1F0] =	vst v20  }
0x157: {  	s16 =	sor.u32 s7, s5;
	[tilespmem:s19+$0xF0] =	vst v19  }
0x158: {  	s5 =	sor.u32 s9, s5;
	s16 =	sshrl.u32 s16, $0x3;
	[tilespmem:s19+$0x170] =	vst v17  }
0x159: {  	p0 =	seq.s32 s0, $0x7;
	s5 =	sshrl.u32 s5, $0x3;
	s16 =	sadd.s32 s2, s16;
	[tilespmem:s19+$0x70] =	vst v18  }
0x15a: {  	[hbm4b:s16+s3] =	stream.linear.scatter [tilespmem:s24], [sflag:$0x3], $0x2000, $0x38;
	[tilespmem:$0x14DC0] =	vst v63  }
0x15b: {  	v16 =	vimm.s32 @!p0 $0xB9BEBBB8;
	s5 =	sadd.s32 s2, s5;
	v17 =	vimm.s32 @!p0 $0xBDBABFBC  }
0x15c: {  	v16 =	vunpack.c.0.s8.s32 @!p0 v16;
	v17 =	vunpack.c.0.s8.s32 @!p0 v17;
	[hbm4b:s5+s3] =	stream.linear.scatter [tilespmem:s25], [sflag:$0x3], $0x2000, $0x38;
	[tilespmem:$0x14DC0] =	vst v63  }
0x15d: {  	vm0 =	vcmask @!p0 $0x1F10;
	v18 =	vlaneseq.u32 @!p0;
	s5 =	smul.u32 @!p0 $0x180, s0;
	_ =	swait.ge [sflag:s26], $0x2000  }
0x15e: {  	v18 =	vmul.u32 @!p0 $0x3, v18;
	v16 =	vsel @!p0 vm0, v17, v16;
	[sflag:s26] =	ssyncset.done $0x0  }
0x15f: {  	v16 =	vcombine.low @!p0 v16, v16;
	s19 =	sadd.s32 @!p0 $0x180, s5;
	[sflag:s26] =	ssyncadd.s32 $0xFFFFE000  }
0x160: {  	v17 =	vor.u32 @!p0 s19, v18;
	_ =	swait.ge [sflag:s26], $0x2000  }
0x161: {  	v16 =	vand.u32 @!p0 v16, v17;
	[sflag:s26] =	ssyncset.done $0x0  }
0x162: {  	[sflag:s26] =	ssyncadd.s32 $0xFFFFE000  }
0x163: {  	_ =	swait.ge [sflag:s26], $0x2000  }
0x164: {  	[sflag:s26] =	ssyncset.done $0x0  }
0x165: {  	s16 =	simm.s32 @!p0 $0x0;
	[sflag:s26] =	ssyncadd.s32 $0xFFFFE000  }
0x166: {  	v17 =	vadd.s32 @!p0 $0x1, v18;
	v16 =	vld.idx.msk @!p0 [tilespmem:v16+s16+$0x0], $0xffff  }
0x167: {  	v19 =	vor.u32 @!p0 s19, v17;
	_ =	sdelay $0x3  }
0x168: {  	[tilespmem:$0xC00] =	vst @!p0 v16  }
0x169: {  	v16 =	vld.idx.msk @!p0 [tilespmem:v19+s16+$0x0], $0xffff;
	v19 =	vadd.s32 @!p0 $0x2, v18  }
0x16a: {  	v20 =	vor.u32 @!p0 s19, v19  }
0x16b: {  	v21 =	vimm.s32 @!p0 $0x52741630  }
0x16c: {  	v21 =	vunpack.c.l.s4.s8 @!p0 v21  }
0x16d: {  	s19 =	sadd.s32 @!p0 $0x1B0, s5  }
0x16e: {  	v21 =	vunpack.c.0.s8.s32 @!p0 v21;
	[tilespmem:$0xC40] =	vst @!p0 v16;
	v16 =	vadd.s32 @!p0 s19, v18  }
0x16f: {  	v20 =	vld.idx.msk @!p0 [tilespmem:v20+s16+$0x0], $0xffff;
	v16 =	vand.u32 @!p0 $0x7FFFFFF8, v16  }
0x170: {  	v16 =	vor.u32 @!p0 v21, v16  }
0x171: {  	v22 =	vimm.s32 @!p0 $0x63052741  }
0x172: {  	v22 =	vunpack.c.l.s4.s8 @!p0 v22;
	_ =	sdelay $0x1  }
0x173: {  	v22 =	vunpack.c.0.s8.s32 @!p0 v22;
	[tilespmem:$0xC80] =	vst @!p0 v20;
	v20 =	vadd.s32 @!p0 s19, v17  }
0x174: {  	v16 =	vld.idx.msk @!p0 [tilespmem:v16+s16+$0x0], $0xffff;
	v20 =	vand.u32 @!p0 $0x7FFFFFF8, v20  }
0x175: {  	v20 =	vor.u32 @!p0 v22, v20  }
0x176: {  	v23 =	vimm.s32 @!p0 $0x74163052  }
0x177: {  	v23 =	vunpack.c.l.s4.s8 @!p0 v23;
	_ =	sdelay $0x1  }
0x178: {  	v23 =	vunpack.c.0.s8.s32 @!p0 v23;
	[tilespmem:$0xC10] =	vst @!p0 v16;
	v16 =	vadd.s32 @!p0 s19, v19  }
0x179: {  	v20 =	vld.idx.msk @!p0 [tilespmem:v20+s16+$0x0], $0xffff;
	v16 =	vand.u32 @!p0 $0x7FFFFFF8, v16  }
0x17a: {  	v16 =	vor.u32 @!p0 v23, v16;
	_ =	sdelay $0x2  }
0x17b: {  	s19 =	sadd.s32 @!p0 $0x1E0, s5  }
0x17c: {  	[tilespmem:$0xC50] =	vst @!p0 v20;
	v20 =	vadd.s32 @!p0 s19, v18  }
0x17d: {  	v16 =	vld.idx.msk @!p0 [tilespmem:v16+s16+$0x0], $0xffff;
	v20 =	vand.u32 @!p0 $0x7FFFFFF8, v20  }
0x17e: {  	v20 =	vor.u32 @!p0 v21, v20;
	_ =	sdelay $0x3  }
0x17f: {  	[tilespmem:$0xC90] =	vst @!p0 v16;
	v16 =	vadd.s32 @!p0 s19, v17  }
0x180: {  	v20 =	vld.idx.msk @!p0 [tilespmem:v20+s16+$0x0], $0xffff;
	v16 =	vand.u32 @!p0 $0x7FFFFFF8, v16  }
0x181: {  	v16 =	vor.u32 @!p0 v22, v16;
	_ =	sdelay $0x3  }
0x182: {  	[tilespmem:$0xC20] =	vst @!p0 v20;
	v20 =	vadd.s32 @!p0 s19, v19  }
0x183: {  	v16 =	vld.idx.msk @!p0 [tilespmem:v16+s16+$0x0], $0xffff;
	v20 =	vand.u32 @!p0 $0x7FFFFFF8, v20  }
0x184: {  	v20 =	vor.u32 @!p0 v23, v20;
	_ =	sdelay $0x2  }
0x185: {  	s5 =	sadd.s32 @!p0 $0x210, s5  }
0x186: {  	[tilespmem:$0xC60] =	vst @!p0 v16;
	v16 =	vadd.s32 @!p0 s5, v18  }
0x187: {  	v18 =	vld.idx.msk @!p0 [tilespmem:v20+s16+$0x0], $0xffff;
	v16 =	vand.u32 @!p0 $0x1FF8, v16  }
0x188: {  	v16 =	vor.u32 @!p0 v21, v16;
	_ =	sdelay $0x3  }
0x189: {  	v17 =	vadd.s32 @!p0 s5, v17;
	[tilespmem:$0xCA0] =	vst @!p0 v18  }
0x18a: {  	v17 =	vand.u32 @!p0 $0x1FF8, v17;
	v16 =	vld.idx.msk @!p0 [tilespmem:v16+s16+$0x0], $0xffff  }
0x18b: {  	v17 =	vor.u32 @!p0 v22, v17;
	_ =	sdelay $0x3  }
0x18c: {  	[tilespmem:$0xC30] =	vst @!p0 v16;
	v16 =	vadd.s32 @!p0 s5, v19  }
0x18d: {  	v17 =	vld.idx.msk @!p0 [tilespmem:v17+s16+$0x0], $0xffff;
	v16 =	vand.u32 @!p0 $0x1FF8, v16  }
0x18e: {  	v16 =	vor.u32 @!p0 v23, v16;
	_ =	sdelay $0x3  }
0x18f: {  	[tilespmem:$0xC70] =	vst @!p0 v17  }
0x190: {  	v16 =	vld.idx.msk @!p0 [tilespmem:v16+s16+$0x0], $0xffff;
	_ =	sdelay $0x4  }
0x191: {  	s19 =	simm.s32 @!p0 $0xCC0;
	s5 =	simm.s32 @!p0 $0x40;
	s16 =	simm.s32 @!p0 $0xC00;
	[tilespmem:$0xCB0] =	vst @!p0 v16  }
0x192: {  	[tilespmem:s19], [sflag:$0x1] =	stream.indirect.gather @!p0 [hbm4b:s4+s5], $0x80, s16, s5, $0xb8;
	[tilespmem:$0x14DC0] =	vst v63  }
0x193: {  	s16 =	simm.s32 @!p0 $0xC40;
	s19 =	simm.s32 @!p0 $0x2CC0  }
0x194: {  	[tilespmem:s19], [sflag:$0x1] =	stream.indirect.gather @!p0 [hbm4b:s4+s5], $0x80, s16, s5, $0xb8;
	[tilespmem:$0x14DC0] =	vst v63  }
0x195: {  	p1 =	seq.s32 @!p0 s0, $0x0;
	s16 =	simm.s32 @!p0 $0xC80;
	s19 =	simm.s32 @!p0 $0x4CC0  }
0x196: {  	[tilespmem:s19], [sflag:$0x1] =	stream.indirect.gather @!p0 [hbm4b:s4+s5], $0x80, s16, s5, $0xb8;
	[tilespmem:$0x14DC0] =	vst v63  }
0x197: {  	p0 =	por p0, !p1  }
0x198: {  	_ =	swait.ge @p0 [sflag:s31], $0x2000  }
0x199: {  	[sflag:s31] =	ssyncset.done @p0 $0x0  }
0x19a: {  	[sflag:s31] =	ssyncadd.s32 @p0 $0xFFFFE000  }
0x19b: {  	_ =	swait.ge @p0 [sflag:s31], $0x2000  }
0x19c: {  	[sflag:s31] =	ssyncset.done @p0 $0x0  }
0x19d: {  	[sflag:s31] =	ssyncadd.s32 @p0 $0xFFFFE000  }
0x19e: {  	v16 =	vld [tilespmem:$0x14CC0]  }
0x19f: {  	v18 =	vld [tilespmem:$0x14CD0]  }
0x1a0: {  	v22 =	vld [tilespmem:$0x14CE0]  }
0x1a1: {  	v24 =	vld [tilespmem:$0x14CF0]  }
0x1a2: {  	v25 =	vld [tilespmem:$0x14D00]  }
0x1a3: {  	v26 =	vld [tilespmem:$0x14D10]  }
0x1a4: {  	v27 =	vld [tilespmem:$0x14D20]  }
0x1a5: {  	v28 =	vld [tilespmem:$0x14D30]  }
0x1a6: {  	v29 =	vld [tilespmem:$0x14D40]  }
0x1a7: {  	v30 =	vld [tilespmem:$0x14D50];
	v16 =	vadd.s32 $0x6000, v16  }
0x1a8: {  	v32 =	vld [tilespmem:$0x14D60];
	v31 =	vadd.s32 $0x80, v16  }
0x1a9: {  	v17 =	vld [tilespmem:$0x14D70]  }
0x1aa: {  	v19 =	vld [tilespmem:$0x14D80];
	v57 =	vadd.s32 $0x100, v16  }
0x1ab: {  	v20 =	vld [tilespmem:$0x14D90];
	v21 =	vadd.s32 $0x180, v16  }
0x1ac: {  	v62 =	vld.idx.msk [tilespmem:v16+s14+$0x0], $0xffff  }
0x1ad: {  	v18 =	vadd.s32 $0x6000, v18;
	v31 =	vld.idx.msk [tilespmem:v31+s14+$0x0], $0xffff  }
0x1ae: {  	v23 =	vld [tilespmem:$0x14DA0];
	v60 =	vadd.s32 $0x80, v18  }
0x1af: {  	v33 =	vld.idx.msk [tilespmem:v57+s14+$0x0], $0xffff  }
0x1b0: {  	s16 =	simm.s32 $0x10CC0;
	v61 =	vadd.s32 $0x100, v18;
	v58 =	vld.idx.msk [tilespmem:v21+s14+$0x0], $0xffff  }
0x1b1: {  	v59 =	vadd.s32 $0x180, v18;
	v21 =	vld [tilespmem:$0x14DB0];
	[tilespmem:s16+$0x0] =	vst v62  }
0x1b2: {  	[tilespmem:s16+$0x80] =	vst v31;
	v38 =	vld.idx.msk [tilespmem:v18+s14+$0x0], $0xffff  }
0x1b3: {  	v22 =	vadd.s32 $0x6000, v22;
	v31 =	vld.idx.msk [tilespmem:v60+s14+$0x0], $0xffff  }
0x1b4: {  	v40 =	vadd.s32 $0x80, v22;
	[tilespmem:s16+$0x100] =	vst v33  }
0x1b5: {  	[tilespmem:s16+$0x180] =	vst v58;
	v41 =	vld.idx.msk [tilespmem:v61+s14+$0x0], $0xffff  }
0x1b6: {  	v42 =	vadd.s32 $0x100, v22;
	v34 =	vld.idx.msk [tilespmem:v59+s14+$0x0], $0xffff  }
0x1b7: {  	v63 =	vadd.s32 $0x180, v22;
	[tilespmem:s16+$0x10] =	vst v38  }
0x1b8: {  	[tilespmem:s16+$0x90] =	vst v31;
	v38 =	vld.idx.msk [tilespmem:v22+s14+$0x0], $0xffff  }
0x1b9: {  	v24 =	vadd.s32 $0x6000, v24;
	v31 =	vld.idx.msk [tilespmem:v40+s14+$0x0], $0xffff  }
0x1ba: {  	v44 =	vadd.s32 $0x80, v24;
	[tilespmem:s16+$0x110] =	vst v41  }
0x1bb: {  	[tilespmem:s16+$0x190] =	vst v34;
	v36 =	vld.idx.msk [tilespmem:v42+s14+$0x0], $0xffff  }
0x1bc: {  	v45 =	vadd.s32 $0x100, v24;
	v34 =	vld.idx.msk [tilespmem:v63+s14+$0x0], $0xffff  }
0x1bd: {  	v43 =	vadd.s32 $0x180, v24;
	[tilespmem:s16+$0x20] =	vst v38  }
0x1be: {  	[tilespmem:s16+$0xA0] =	vst v31;
	v38 =	vld.idx.msk [tilespmem:v24+s14+$0x0], $0xffff  }
0x1bf: {  	v25 =	vadd.s32 $0x6000, v25;
	v31 =	vld.idx.msk [tilespmem:v44+s14+$0x0], $0xffff  }
0x1c0: {  	v47 =	vadd.s32 $0x80, v25;
	[tilespmem:s16+$0x120] =	vst v36  }
0x1c1: {  	[tilespmem:s16+$0x1A0] =	vst v34;
	v36 =	vld.idx.msk [tilespmem:v45+s14+$0x0], $0xffff  }
0x1c2: {  	v48 =	vadd.s32 $0x100, v25;
	v34 =	vld.idx.msk [tilespmem:v43+s14+$0x0], $0xffff  }
0x1c3: {  	v46 =	vadd.s32 $0x180, v25;
	[tilespmem:s16+$0x30] =	vst v38  }
0x1c4: {  	[tilespmem:s16+$0xB0] =	vst v31;
	v38 =	vld.idx.msk [tilespmem:v25+s14+$0x0], $0xffff  }
0x1c5: {  	v26 =	vadd.s32 $0x6000, v26;
	v31 =	vld.idx.msk [tilespmem:v47+s14+$0x0], $0xffff  }
0x1c6: {  	v50 =	vadd.s32 $0x80, v26;
	[tilespmem:s16+$0x130] =	vst v36  }
0x1c7: {  	[tilespmem:s16+$0x1B0] =	vst v34;
	v36 =	vld.idx.msk [tilespmem:v48+s14+$0x0], $0xffff  }
0x1c8: {  	v51 =	vadd.s32 $0x100, v26;
	v34 =	vld.idx.msk [tilespmem:v46+s14+$0x0], $0xffff  }
0x1c9: {  	v49 =	vadd.s32 $0x180, v26;
	[tilespmem:s16+$0x40] =	vst v38  }
0x1ca: {  	[tilespmem:s16+$0xC0] =	vst v31;
	v38 =	vld.idx.msk [tilespmem:v26+s14+$0x0], $0xffff  }
0x1cb: {  	v27 =	vadd.s32 $0x6000, v27;
	v31 =	vld.idx.msk [tilespmem:v50+s14+$0x0], $0xffff  }
0x1cc: {  	v53 =	vadd.s32 $0x80, v27;
	[tilespmem:s16+$0x140] =	vst v36  }
0x1cd: {  	[tilespmem:s16+$0x1C0] =	vst v34;
	v36 =	vld.idx.msk [tilespmem:v51+s14+$0x0], $0xffff  }
0x1ce: {  	v54 =	vadd.s32 $0x100, v27;
	v34 =	vld.idx.msk [tilespmem:v49+s14+$0x0], $0xffff  }
0x1cf: {  	v52 =	vadd.s32 $0x180, v27;
	[tilespmem:s16+$0x50] =	vst v38  }
0x1d0: {  	[tilespmem:s16+$0xD0] =	vst v31;
	v38 =	vld.idx.msk [tilespmem:v27+s14+$0x0], $0xffff  }
0x1d1: {  	v28 =	vadd.s32 $0x6000, v28;
	v31 =	vld.idx.msk [tilespmem:v53+s14+$0x0], $0xffff  }
0x1d2: {  	[tilespmem:s16+$0x150] =	vst v36  }
0x1d3: {  	v56 =	vadd.s32 $0x80, v28;
	[tilespmem:s16+$0x1D0] =	vst v34;
	v36 =	vld.idx.msk [tilespmem:v54+s14+$0x0], $0xffff  }
0x1d4: {  	v57 =	vadd.s32 $0x100, v28;
	v34 =	vld.idx.msk [tilespmem:v52+s14+$0x0], $0xffff  }
0x1d5: {  	v55 =	vadd.s32 $0x180, v28;
	[tilespmem:s16+$0x60] =	vst v38  }
0x1d6: {  	[tilespmem:s16+$0xE0] =	vst v31;
	v61 =	vld.idx.msk [tilespmem:v28+s14+$0x0], $0xffff;
	v31 =	vadd.s32 $0x200, v16  }
0x1d7: {  	v29 =	vadd.s32 $0x6000, v29  }
0x1d8: {  	[tilespmem:s16+$0x160] =	vst v36;
	v33 =	vld.idx.msk [tilespmem:v56+s14+$0x0], $0xffff;
	v63 =	vadd.s32 $0x180, v31  }
0x1d9: {  	[tilespmem:s16+$0x1E0] =	vst v34;
	v37 =	vld.idx.msk [tilespmem:v57+s14+$0x0], $0xffff;
	v44 =	vadd.s32 $0x80, v31  }
0x1da: {  	v34 =	vld.idx.msk [tilespmem:v55+s14+$0x0], $0xffff;
	v45 =	vadd.s32 $0x100, v31  }
0x1db: {  	v60 =	vadd.s32 $0x100, v29;
	[tilespmem:s16+$0x70] =	vst v61;
	v42 =	vld.idx.msk [tilespmem:v31+s14+$0x0], $0xffff  }
0x1dc: {  	v58 =	vadd.s32 $0x180, v29;
	v46 =	vld.idx.msk [tilespmem:v29+s14+$0x0], $0xffff  }
0x1dd: {  	v59 =	vadd.s32 $0x80, v29;
	[tilespmem:s16+$0xF0] =	vst v33;
	v33 =	vld.idx.msk [tilespmem:v63+s14+$0x0], $0xffff  }
0x1de: {  	v18 =	vadd.s32 $0x200, v18;
	[tilespmem:s16+$0x170] =	vst v37;
	v37 =	vld.idx.msk [tilespmem:v44+s14+$0x0], $0xffff  }
0x1df: {  	v51 =	vadd.s32 $0x180, v18;
	v50 =	vld.idx.msk [tilespmem:v45+s14+$0x0], $0xffff  }
0x1e0: {  	s19 =	simm.s32 $0x10EC0;
	v52 =	vadd.s32 $0x80, v18;
	[tilespmem:s16+$0x1F0] =	vst v34;
	v38 =	vld.idx.msk [tilespmem:v60+s14+$0x0], $0xffff  }
0x1e1: {  	v30 =	vadd.s32 $0x6000, v30;
	v53 =	vadd.s32 $0x100, v18;
	v34 =	vld.idx.msk [tilespmem:v58+s14+$0x0], $0xffff;
	[tilespmem:s19+$0x0] =	vst v42  }
0x1e2: {  	v62 =	vadd.s32 $0x180, v30;
	v36 =	vld.idx.msk [tilespmem:v59+s14+$0x0], $0xffff;
	[tilespmem:s19+$0x180] =	vst v33  }
0x1e3: {  	[tilespmem:s19+$0x80] =	vst v37;
	v42 =	vld.idx.msk [tilespmem:v18+s14+$0x0], $0xffff  }
0x1e4: {  	v47 =	vadd.s32 $0x80, v30;
	[tilespmem:s19+$0x100] =	vst v50;
	v56 =	vld.idx.msk [tilespmem:v51+s14+$0x0], $0xffff  }
0x1e5: {  	v48 =	vadd.s32 $0x100, v30;
	[tilespmem:s16+$0x2100] =	vst v38;
	v38 =	vld.idx.msk [tilespmem:v52+s14+$0x0], $0xffff  }
0x1e6: {  	v22 =	vadd.s32 $0x200, v22;
	[tilespmem:s16+$0x2180] =	vst v34;
	v58 =	vld.idx.msk [tilespmem:v53+s14+$0x0], $0xffff  }
0x1e7: {  	v16 =	vadd.s32 $0x6000, v32;
	v59 =	vadd.s32 $0x180, v22;
	[tilespmem:s16+$0x2000] =	vst v46;
	v35 =	vld.idx.msk [tilespmem:v62+s14+$0x0], $0xffff  }
0x1e8: {  	v49 =	vadd.s32 $0x180, v16;
	[tilespmem:s16+$0x2080] =	vst v36;
	v43 =	vld.idx.msk [tilespmem:v30+s14+$0x0], $0xffff  }
0x1e9: {  	v60 =	vadd.s32 $0x80, v22;
	v34 =	vld.idx.msk [tilespmem:v47+s14+$0x0], $0xffff;
	[tilespmem:s19+$0x10] =	vst v42  }
0x1ea: {  	v55 =	vadd.s32 $0x80, v16;
	v32 =	vld.idx.msk [tilespmem:v48+s14+$0x0], $0xffff;
	[tilespmem:s19+$0x190] =	vst v56  }
0x1eb: {  	v61 =	vadd.s32 $0x100, v22;
	[tilespmem:s19+$0x90] =	vst v38;
	v51 =	vld.idx.msk [tilespmem:v22+s14+$0x0], $0xffff  }
0x1ec: {  	v24 =	vadd.s32 $0x200, v24;
	v63 =	vadd.s32 $0x100, v16;
	[tilespmem:s16+$0x2190] =	vst v35;
	v46 =	vld.idx.msk [tilespmem:v59+s14+$0x0], $0xffff  }
0x1ed: {  	v17 =	vadd.s32 $0x6000, v17;
	[tilespmem:s19+$0x110] =	vst v58;
	v54 =	vld.idx.msk [tilespmem:v49+s14+$0x0], $0xffff;
	v49 =	vadd.s32 $0x180, v24  }
0x1ee: {  	v57 =	vadd.s32 $0x180, v17;
	[tilespmem:s16+$0x2090] =	vst v34;
	v47 =	vld.idx.msk [tilespmem:v60+s14+$0x0], $0xffff  }
0x1ef: {  	v50 =	vadd.s32 $0x80, v24;
	[tilespmem:s16+$0x2010] =	vst v43;
	v62 =	vld.idx.msk [tilespmem:v55+s14+$0x0], $0xffff  }
0x1f0: {  	[tilespmem:s16+$0x2110] =	vst v32;
	v34 =	vld.idx.msk [tilespmem:v61+s14+$0x0], $0xffff  }
0x1f1: {  	v52 =	vadd.s32 $0x100, v24;
	v53 =	vld.idx.msk [tilespmem:v63+s14+$0x0], $0xffff;
	[tilespmem:s19+$0x1A0] =	vst v46  }
0x1f2: {  	v55 =	vadd.s32 $0x80, v17;
	[tilespmem:s16+$0x21A0] =	vst v54;
	v58 =	vld.idx.msk [tilespmem:v49+s14+$0x0], $0xffff  }
0x1f3: {  	v25 =	vadd.s32 $0x200, v25;
	[tilespmem:s19+$0xA0] =	vst v47;
	v45 =	vld.idx.msk [tilespmem:v57+s14+$0x0], $0xffff  }
0x1f4: {  	[tilespmem:s16+$0x20A0] =	vst v62;
	v59 =	vld.idx.msk [tilespmem:v50+s14+$0x0], $0xffff;
	v62 =	vadd.s32 $0x180, v25  }
0x1f5: {  	v19 =	vadd.s32 $0x6000, v19;
	v63 =	vadd.s32 $0x80, v25;
	[tilespmem:s19+$0x120] =	vst v34;
	v54 =	vld.idx.msk [tilespmem:v16+s14+$0x0], $0xffff  }
0x1f6: {  	v48 =	vadd.s32 $0x180, v19;
	[tilespmem:s19+$0x20] =	vst v51;
	v61 =	vld.idx.msk [tilespmem:v52+s14+$0x0], $0xffff  }
0x1f7: {  	v46 =	vadd.s32 $0x100, v25;
	v47 =	vld.idx.msk [tilespmem:v55+s14+$0x0], $0xffff;
	[tilespmem:s19+$0x1B0] =	vst v58  }
0x1f8: {  	v57 =	vadd.s32 $0x100, v17;
	[tilespmem:s16+$0x21B0] =	vst v45;
	v45 =	vld.idx.msk [tilespmem:v24+s14+$0x0], $0xffff  }
0x1f9: {  	v49 =	vadd.s32 $0x80, v19;
	[tilespmem:s19+$0xB0] =	vst v59;
	v37 =	vld.idx.msk [tilespmem:v62+s14+$0x0], $0xffff  }
0x1fa: {  	[tilespmem:s16+$0x2120] =	vst v53;
	v50 =	vld.idx.msk [tilespmem:v63+s14+$0x0], $0xffff  }
0x1fb: {  	v26 =	vadd.s32 $0x200, v26;
	[tilespmem:s19+$0x130] =	vst v61;
	v56 =	vld.idx.msk [tilespmem:v48+s14+$0x0], $0xffff  }
0x1fc: {  	v20 =	vadd.s32 $0x6000, v20;
	v52 =	vadd.s32 $0x180, v26;
	[tilespmem:s16+$0x2020] =	vst v54;
	v32 =	vld.idx.msk [tilespmem:v46+s14+$0x0], $0xffff  }
0x1fd: {  	v60 =	vadd.s32 $0x180, v20;
	[tilespmem:s16+$0x20B0] =	vst v47;
	v48 =	vld.idx.msk [tilespmem:v57+s14+$0x0], $0xffff  }
0x1fe: {  	v53 =	vadd.s32 $0x80, v26;
	v57 =	vld.idx.msk [tilespmem:v49+s14+$0x0], $0xffff;
	[tilespmem:s19+$0x30] =	vst v45  }
0x1ff: {  	v55 =	vadd.s32 $0x100, v26;
	[tilespmem:s19+$0x1C0] =	vst v37;
	v54 =	vld.idx.msk [tilespmem:v25+s14+$0x0], $0xffff  }
0x200: {  	v47 =	vadd.s32 $0x80, v20;
	[tilespmem:s16+$0x21C0] =	vst v56;
	v56 =	vld.idx.msk [tilespmem:v17+s14+$0x0], $0xffff  }
0x201: {  	[tilespmem:s19+$0xC0] =	vst v50;
	v37 =	vld.idx.msk [tilespmem:v52+s14+$0x0], $0xffff  }
0x202: {  	v58 =	vadd.s32 $0x100, v19;
	[tilespmem:s19+$0x140] =	vst v32;
	v34 =	vld.idx.msk [tilespmem:v60+s14+$0x0], $0xffff  }
0x203: {  	v27 =	vadd.s32 $0x200, v27;
	[tilespmem:s16+$0x2130] =	vst v48;
	v38 =	vld.idx.msk [tilespmem:v53+s14+$0x0], $0xffff  }
0x204: {  	v61 =	vadd.s32 $0x180, v27;
	v33 =	vld.idx.msk [tilespmem:v55+s14+$0x0], $0xffff;
	[tilespmem:s16+$0x20C0] =	vst v57  }
0x205: {  	v62 =	vadd.s32 $0x80, v27;
	v55 =	vld.idx.msk [tilespmem:v47+s14+$0x0], $0xffff;
	[tilespmem:s19+$0x40] =	vst v54  }
0x206: {  	v23 =	vadd.s32 $0x6000, v23;
	v45 =	vadd.s32 $0x100, v27;
	[tilespmem:s16+$0x2030] =	vst v56;
	v63 =	vld.idx.msk [tilespmem:v26+s14+$0x0], $0xffff  }
0x207: {  	v51 =	vadd.s32 $0x180, v23;
	[tilespmem:s16+$0x21D0] =	vst v34;
	v34 =	vld.idx.msk [tilespmem:v58+s14+$0x0], $0xffff  }
0x208: {  	[tilespmem:s19+$0x1D0] =	vst v37;
	v56 =	vadd.s32 $0x80, v23;
	v46 =	vld.idx.msk [tilespmem:v19+s14+$0x0], $0xffff  }
0x209: {  	[tilespmem:s19+$0xD0] =	vst v38;
	v49 =	vld.idx.msk [tilespmem:v61+s14+$0x0], $0xffff  }
0x20a: {  	v48 =	vadd.s32 $0x100, v20;
	[tilespmem:s19+$0x150] =	vst v33;
	v50 =	vld.idx.msk [tilespmem:v62+s14+$0x0], $0xffff  }
0x20b: {  	v28 =	vadd.s32 $0x200, v28;
	v33 =	vld.idx.msk [tilespmem:v45+s14+$0x0], $0xffff;
	[tilespmem:s16+$0x20D0] =	vst v55  }
0x20c: {  	v59 =	vld.idx.msk [tilespmem:v51+s14+$0x0], $0xffff;
	v51 =	vadd.s32 $0x180, v28;
	[tilespmem:s19+$0x50] =	vst v63  }
0x20d: {  	v21 =	vadd.s32 $0x6000, v21;
	v54 =	vadd.s32 $0x100, v28;
	v36 =	vld.idx.msk [tilespmem:v56+s14+$0x0], $0xffff;
	[tilespmem:s16+$0x2140] =	vst v34  }
0x20e: {  	v60 =	vadd.s32 $0x180, v21;
	[tilespmem:s16+$0x2040] =	vst v46;
	v53 =	vld.idx.msk [tilespmem:v27+s14+$0x0], $0xffff  }
0x20f: {  	v52 =	vadd.s32 $0x80, v28;
	[tilespmem:s19+$0x1E0] =	vst v49;
	v37 =	vld.idx.msk [tilespmem:v48+s14+$0x0], $0xffff  }
0x210: {  	[tilespmem:s19+$0x160] =	vst v33;
	v57 =	vld.idx.msk [tilespmem:v20+s14+$0x0], $0xffff  }
0x211: {  	v58 =	vadd.s32 $0x100, v23;
	[tilespmem:s16+$0x21E0] =	vst v59;
	v59 =	vld.idx.msk [tilespmem:v51+s14+$0x0], $0xffff  }
0x212: {  	v29 =	vadd.s32 $0x200, v29;
	[tilespmem:s19+$0xE0] =	vst v50;
	v61 =	vld.idx.msk [tilespmem:v54+s14+$0x0], $0xffff  }
0x213: {  	v62 =	vadd.s32 $0x180, v29;
	v32 =	vld.idx.msk [tilespmem:v60+s14+$0x0], $0xffff;
	[tilespmem:s19+$0x60] =	vst v53  }
0x214: {  	v45 =	vadd.s32 $0x100, v29;
	v60 =	vld.idx.msk [tilespmem:v52+s14+$0x0], $0xffff;
	[tilespmem:s16+$0x2150] =	vst v37  }
0x215: {  	v63 =	vadd.s32 $0x80, v29;
	[tilespmem:s16+$0x2050] =	vst v57;
	v44 =	vld.idx.msk [tilespmem:v28+s14+$0x0], $0xffff  }
0x216: {  	[tilespmem:s19+$0x1F0] =	vst v59;
	v35 =	vld.idx.msk [tilespmem:v58+s14+$0x0], $0xffff  }
0x217: {  	v33 =	vadd.s32 $0x80, v21;
	[tilespmem:s19+$0x170] =	vst v61;
	v34 =	vld.idx.msk [tilespmem:v23+s14+$0x0], $0xffff  }
0x218: {  	[tilespmem:s16+$0x21F0] =	vst v32;
	v38 =	vld.idx.msk [tilespmem:v62+s14+$0x0], $0xffff;
	v32 =	vadd.s32 $0x100, v21  }
0x219: {  	v30 =	vadd.s32 $0x200, v30;
	[tilespmem:s19+$0xF0] =	vst v60;
	v40 =	vld.idx.msk [tilespmem:v45+s14+$0x0], $0xffff  }
0x21a: {  	s5 =	simm.s32 $0x4;
	v31 =	vadd.s32 $0x200, v31;
	v41 =	vadd.s32 $0x180, v30;
	v37 =	vadd.s32 $0x80, v30;
	v39 =	vld.idx.msk [tilespmem:v63+s14+$0x0], $0xffff;
	[tilespmem:s19+$0x70] =	vst v44  }
.LBB2_5:
0x21b: {  	v42 =	vadd.s32 $0x80, v31;
	v43 =	vadd.s32 $0x100, v31;
	v44 =	vadd.s32 $0x180, v31;
	s5 =	sadd.s32 $0x4, s5;
	v45 =	vld.idx.msk [tilespmem:v29+s14+$0x0], $0xffff;
	[tilespmem:s16+$0x20E0] =	vst v36  }
0x21c: {  	v36 =	vadd.s32 $0x100, v30;
	p0 =	slt.u32 s5, $0x3C;
	v33 =	vld.idx.msk [tilespmem:v33+s14+$0x0], $0xffff;
	[tilespmem:s16+$0x2160] =	vst v35  }
0x21d: {  	[tilespmem:s16+$0x2060] =	vst v34;
	v32 =	vld.idx.msk [tilespmem:v32+s14+$0x0], $0xffff  }
0x21e: {  	[tilespmem:s19+$0x2180] =	vst v38;
	v34 =	vld.idx.msk [tilespmem:v21+s14+$0x0], $0xffff  }
0x21f: {  	[tilespmem:s19+$0x2080] =	vst v39;
	v35 =	vld.idx.msk [tilespmem:v41+s14+$0x0], $0xffff  }
0x220: {  	v16 =	vadd.s32 $0x200, v16;
	v38 =	vld.idx.msk [tilespmem:v44+s14+$0x0], $0xffff;
	[tilespmem:s19+$0x2100] =	vst v40  }
0x221: {  	v18 =	vadd.s32 $0x200, v18;
	v41 =	vadd.s32 $0x180, v16;
	v40 =	vadd.s32 $0x80, v16;
	v39 =	vld.idx.msk [tilespmem:v42+s14+$0x0], $0xffff;
	[tilespmem:s19+$0x2000] =	vst v45  }
0x222: {  	v44 =	vadd.s32 $0x100, v18;
	v42 =	vadd.s32 $0x80, v18;
	v45 =	vadd.s32 $0x180, v18;
	v43 =	vld.idx.msk [tilespmem:v43+s14+$0x0], $0xffff;
	[tilespmem:s16+$0x20F0] =	vst v33  }
0x223: {  	v46 =	vadd.s32 $0x100, v16;
	v33 =	vld.idx.msk [tilespmem:v31+s14+$0x0], $0xffff;
	[tilespmem:s16+$0x2170] =	vst v32  }
0x224: {  	v32 =	vld.idx.msk [tilespmem:v37+s14+$0x0], $0xffff;
	[tilespmem:s16+$0x2070] =	vst v34;
	s16 =	smov.u32 s19  }
0x225: {  	s19 =	sadd.s32 $0x200, s19;
	v34 =	vld.idx.msk [tilespmem:v36+s14+$0x0], $0xffff;
	[tilespmem:s16+$0x2190] =	vst v35  }
0x226: {  	[tilespmem:s19+$0x180] =	vst v38;
	v35 =	vld.idx.msk [tilespmem:v41+s14+$0x0], $0xffff  }
0x227: {  	v17 =	vadd.s32 $0x200, v17;
	[tilespmem:s19+$0x80] =	vst v39;
	v36 =	vld.idx.msk [tilespmem:v45+s14+$0x0], $0xffff  }
0x228: {  	v22 =	vadd.s32 $0x200, v22;
	v38 =	vadd.s32 $0x80, v17;
	v39 =	vadd.s32 $0x180, v17;
	v37 =	vld.idx.msk [tilespmem:v42+s14+$0x0], $0xffff;
	[tilespmem:s19+$0x100] =	vst v43  }
0x229: {  	v41 =	vadd.s32 $0x100, v22;
	v43 =	vadd.s32 $0x180, v22;
	[tilespmem:s19+$0x0] =	vst v33;
	v33 =	vadd.s32 $0x80, v22;
	v42 =	vld.idx.msk [tilespmem:v44+s14+$0x0], $0xffff  }
0x22a: {  	v44 =	vld.idx.msk [tilespmem:v18+s14+$0x0], $0xffff;
	[tilespmem:s16+$0x2090] =	vst v32;
	v32 =	vadd.s32 $0x100, v17  }
0x22b: {  	v45 =	vld.idx.msk [tilespmem:v30+s14+$0x0], $0xffff;
	[tilespmem:s16+$0x2110] =	vst v34  }
0x22c: {  	v34 =	vld.idx.msk [tilespmem:v40+s14+$0x0], $0xffff;
	[tilespmem:s16+$0x21A0] =	vst v35  }
0x22d: {  	[tilespmem:s19+$0x190] =	vst v36;
	v35 =	vld.idx.msk [tilespmem:v39+s14+$0x0], $0xffff  }
0x22e: {  	v19 =	vadd.s32 $0x200, v19;
	[tilespmem:s19+$0x90] =	vst v37;
	v36 =	vld.idx.msk [tilespmem:v43+s14+$0x0], $0xffff  }
0x22f: {  	v24 =	vadd.s32 $0x200, v24;
	v39 =	vadd.s32 $0x180, v19;
	v37 =	vadd.s32 $0x80, v19;
	v33 =	vld.idx.msk [tilespmem:v33+s14+$0x0], $0xffff;
	[tilespmem:s19+$0x110] =	vst v42  }
0x230: {  	v40 =	vadd.s32 $0x80, v24;
	v43 =	vadd.s32 $0x180, v24;
	v42 =	vadd.s32 $0x100, v24;
	[tilespmem:s19+$0x10] =	vst v44;
	v41 =	vld.idx.msk [tilespmem:v41+s14+$0x0], $0xffff  }
0x231: {  	v44 =	vld.idx.msk [tilespmem:v22+s14+$0x0], $0xffff;
	[tilespmem:s16+$0x2010] =	vst v45;
	v45 =	vadd.s32 $0x100, v19  }
0x232: {  	[tilespmem:s16+$0x20A0] =	vst v34;
	v34 =	vld.idx.msk [tilespmem:v46+s14+$0x0], $0xffff  }
0x233: {  	v46 =	vld.idx.msk [tilespmem:v16+s14+$0x0], $0xffff;
	[tilespmem:s16+$0x21B0] =	vst v35  }
0x234: {  	[tilespmem:s19+$0x1A0] =	vst v36;
	v35 =	vld.idx.msk [tilespmem:v39+s14+$0x0], $0xffff  }
0x235: {  	v20 =	vadd.s32 $0x200, v20;
	[tilespmem:s19+$0xA0] =	vst v33;
	v33 =	vld.idx.msk [tilespmem:v43+s14+$0x0], $0xffff  }
0x236: {  	v25 =	vadd.s32 $0x200, v25;
	v39 =	vadd.s32 $0x80, v20;
	v36 =	vld.idx.msk [tilespmem:v40+s14+$0x0], $0xffff;
	[tilespmem:s19+$0x120] =	vst v41;
	v40 =	vadd.s32 $0x180, v20  }
0x237: {  	v43 =	vadd.s32 $0x100, v25;
	v41 =	vadd.s32 $0x80, v25;
	[tilespmem:s19+$0x20] =	vst v44;
	v42 =	vld.idx.msk [tilespmem:v42+s14+$0x0], $0xffff;
	v44 =	vadd.s32 $0x180, v25  }
0x238: {  	v48 =	vadd.s32 $0x100, v20;
	v47 =	vld.idx.msk [tilespmem:v24+s14+$0x0], $0xffff;
	[tilespmem:s16+$0x2120] =	vst v34  }
0x239: {  	[tilespmem:s16+$0x2020] =	vst v46;
	v34 =	vld.idx.msk [tilespmem:v38+s14+$0x0], $0xffff  }
0x23a: {  	v32 =	vld.idx.msk [tilespmem:v32+s14+$0x0], $0xffff;
	[tilespmem:s16+$0x21C0] =	vst v35  }
0x23b: {  	[tilespmem:s19+$0x1B0] =	vst v33;
	v33 =	vld.idx.msk [tilespmem:v40+s14+$0x0], $0xffff  }
0x23c: {  	v23 =	vadd.s32 $0x200, v23;
	[tilespmem:s19+$0xB0] =	vst v36;
	v35 =	vld.idx.msk [tilespmem:v44+s14+$0x0], $0xffff  }
0x23d: {  	v26 =	vadd.s32 $0x200, v26;
	v38 =	vadd.s32 $0x80, v23;
	v40 =	vadd.s32 $0x180, v23;
	v36 =	vld.idx.msk [tilespmem:v41+s14+$0x0], $0xffff;
	[tilespmem:s19+$0x130] =	vst v42  }
0x23e: {  	v44 =	vadd.s32 $0x180, v26;
	v41 =	vadd.s32 $0x80, v26;
	v42 =	vadd.s32 $0x100, v26;
	[tilespmem:s19+$0x30] =	vst v47;
	v43 =	vld.idx.msk [tilespmem:v43+s14+$0x0], $0xffff  }
0x23f: {  	v46 =	vld.idx.msk [tilespmem:v25+s14+$0x0], $0xffff;
	[tilespmem:s16+$0x20B0] =	vst v34;
	v34 =	vadd.s32 $0x100, v23  }
0x240: {  	v47 =	vld.idx.msk [tilespmem:v17+s14+$0x0], $0xffff;
	[tilespmem:s16+$0x2130] =	vst v32  }
0x241: {  	v37 =	vld.idx.msk [tilespmem:v37+s14+$0x0], $0xffff;
	[tilespmem:s16+$0x21D0] =	vst v33  }
0x242: {  	[tilespmem:s19+$0x1C0] =	vst v35;
	v35 =	vld.idx.msk [tilespmem:v40+s14+$0x0], $0xffff  }
0x243: {  	v21 =	vadd.s32 $0x200, v21;
	[tilespmem:s19+$0xC0] =	vst v36;
	v36 =	vld.idx.msk [tilespmem:v44+s14+$0x0], $0xffff  }
0x244: {  	v27 =	vadd.s32 $0x200, v27;
	v33 =	vadd.s32 $0x80, v21;
	v40 =	vld.idx.msk [tilespmem:v41+s14+$0x0], $0xffff;
	[tilespmem:s19+$0x140] =	vst v43;
	v41 =	vadd.s32 $0x180, v21  }
0x245: {  	v44 =	vadd.s32 $0x100, v27;
	v43 =	vadd.s32 $0x80, v27;
	[tilespmem:s19+$0x40] =	vst v46;
	v42 =	vld.idx.msk [tilespmem:v42+s14+$0x0], $0xffff;
	v46 =	vadd.s32 $0x180, v27  }
0x246: {  	v32 =	vadd.s32 $0x100, v21;
	v49 =	vld.idx.msk [tilespmem:v26+s14+$0x0], $0xffff;
	[tilespmem:s16+$0x2030] =	vst v47  }
0x247: {  	[tilespmem:s16+$0x20C0] =	vst v37;
	v37 =	vld.idx.msk [tilespmem:v45+s14+$0x0], $0xffff  }
0x248: {  	v45 =	vld.idx.msk [tilespmem:v19+s14+$0x0], $0xffff;
	[tilespmem:s16+$0x21E0] =	vst v35  }
0x249: {  	[tilespmem:s19+$0x1D0] =	vst v36;
	v35 =	vld.idx.msk [tilespmem:v41+s14+$0x0], $0xffff  }
0x24a: {  	[tilespmem:s19+$0xD0] =	vst v40;
	v36 =	vld.idx.msk [tilespmem:v46+s14+$0x0], $0xffff  }
0x24b: {  	v28 =	vadd.s32 $0x200, v28;
	v40 =	vld.idx.msk [tilespmem:v43+s14+$0x0], $0xffff;
	[tilespmem:s19+$0x150] =	vst v42  }
0x24c: {  	v41 =	vadd.s32 $0x80, v28;
	v42 =	vadd.s32 $0x100, v28;
	[tilespmem:s19+$0x50] =	vst v49;
	v43 =	vld.idx.msk [tilespmem:v44+s14+$0x0], $0xffff;
	v44 =	vadd.s32 $0x180, v28  }
0x24d: {  	v46 =	vld.idx.msk [tilespmem:v27+s14+$0x0], $0xffff;
	[tilespmem:s16+$0x2140] =	vst v37  }
0x24e: {  	[tilespmem:s16+$0x2040] =	vst v45;
	v37 =	vld.idx.msk [tilespmem:v39+s14+$0x0], $0xffff  }
0x24f: {  	v39 =	vld.idx.msk [tilespmem:v48+s14+$0x0], $0xffff;
	[tilespmem:s16+$0x21F0] =	vst v35  }
0x250: {  	[tilespmem:s19+$0x1E0] =	vst v36;
	v35 =	vld.idx.msk [tilespmem:v20+s14+$0x0], $0xffff  }
0x251: {  	[tilespmem:s19+$0xE0] =	vst v40;
	v40 =	vld.idx.msk [tilespmem:v44+s14+$0x0], $0xffff  }
0x252: {  	v29 =	vadd.s32 $0x200, v29;
	v41 =	vld.idx.msk [tilespmem:v41+s14+$0x0], $0xffff;
	[tilespmem:s19+$0x160] =	vst v43  }
0x253: {  	v45 =	vadd.s32 $0x180, v29;
	v44 =	vadd.s32 $0x100, v29;
	v43 =	vadd.s32 $0x80, v29;
	[tilespmem:s19+$0x60] =	vst v46;
	v42 =	vld.idx.msk [tilespmem:v42+s14+$0x0], $0xffff  }
0x254: {  	v46 =	vld.idx.msk [tilespmem:v28+s14+$0x0], $0xffff;
	[tilespmem:s16+$0x20D0] =	vst v37  }
0x255: {  	v36 =	vld.idx.msk [tilespmem:v38+s14+$0x0], $0xffff;
	[tilespmem:s16+$0x2150] =	vst v39  }
.Ltmp1:
0x256: {  	[tilespmem:s16+$0x2050] =	vst v35;
	v35 =	vld.idx.msk [tilespmem:v34+s14+$0x0], $0xffff;
	(pc) =	sbr.rel @p0 .LBB2_5-.Ltmp1, $4  }
0x257: {  	[tilespmem:s19+$0x1F0] =	vst v40;
	v34 =	vld.idx.msk [tilespmem:v23+s14+$0x0], $0xffff  }
0x258: {  	[tilespmem:s19+$0xF0] =	vst v41;
	v38 =	vld.idx.msk [tilespmem:v45+s14+$0x0], $0xffff  }
0x259: {  	v30 =	vadd.s32 $0x200, v30;
	v39 =	vld.idx.msk [tilespmem:v43+s14+$0x0], $0xffff;
	[tilespmem:s19+$0x170] =	vst v42  }
0x25a: {  	v31 =	vadd.s32 $0x200, v31;
	v37 =	vadd.s32 $0x80, v30;
	v41 =	vadd.s32 $0x180, v30;
	[tilespmem:s19+$0x70] =	vst v46;
	v40 =	vld.idx.msk [tilespmem:v44+s14+$0x0], $0xffff  }
0x25b: {  	_ =	sdelay $0x3  }
0x25c: {  	v18 =	vld.idx.msk [tilespmem:v29+s14+$0x0], $0xffff;
	v22 =	vadd.s32 $0x100, v30;
	_ =	sdelay $0x1  }
0x25d: {  	[tilespmem:s19+$0x2180] =	vst v38  }
0x25e: {  	v16 =	vadd.s32 $0x200, v16;
	[tilespmem:s19+$0x2080] =	vst v39;
	v24 =	vld.idx.msk [tilespmem:v41+s14+$0x0], $0xffff  }
0x25f: {  	v25 =	vadd.s32 $0x180, v16;
	[tilespmem:s19+$0x2100] =	vst v40;
	v26 =	vld.idx.msk [tilespmem:v37+s14+$0x0], $0xffff  }
0x260: {  	v42 =	vadd.s32 $0x80, v16;
	[tilespmem:s19+$0x2000] =	vst v18;
	v22 =	vld.idx.msk [tilespmem:v22+s14+$0x0], $0xffff  }
0x261: {  	v27 =	vadd.s32 $0x100, v16;
	v28 =	vld.idx.msk [tilespmem:v30+s14+$0x0], $0xffff;
	_ =	sdelay $0x1  }
0x262: {  	[tilespmem:s19+$0x2190] =	vst v24  }
0x263: {  	v17 =	vadd.s32 $0x200, v17;
	v24 =	vld.idx.msk [tilespmem:v25+s14+$0x0], $0xffff;
	[tilespmem:s19+$0x2090] =	vst v26  }
0x264: {  	v43 =	vadd.s32 $0x180, v17;
	[tilespmem:s19+$0x2110] =	vst v22;
	v18 =	vld.idx.msk [tilespmem:v42+s14+$0x0], $0xffff  }
0x265: {  	v44 =	vadd.s32 $0x80, v17;
	[tilespmem:s19+$0x2010] =	vst v28;
	v45 =	vld.idx.msk [tilespmem:v27+s14+$0x0], $0xffff  }
0x266: {  	v46 =	vadd.s32 $0x100, v17;
	v16 =	vld.idx.msk [tilespmem:v16+s14+$0x0], $0xffff;
	_ =	sdelay $0x1  }
0x267: {  	[tilespmem:s19+$0x21A0] =	vst v24  }
0x268: {  	v19 =	vadd.s32 $0x200, v19;
	v24 =	vld.idx.msk [tilespmem:v43+s14+$0x0], $0xffff;
	[tilespmem:s19+$0x20A0] =	vst v18  }
0x269: {  	v47 =	vadd.s32 $0x180, v19;
	[tilespmem:s19+$0x2120] =	vst v45;
	v22 =	vld.idx.msk [tilespmem:v44+s14+$0x0], $0xffff  }
0x26a: {  	v48 =	vadd.s32 $0x80, v19;
	[tilespmem:s19+$0x2020] =	vst v16;
	v16 =	vld.idx.msk [tilespmem:v46+s14+$0x0], $0xffff  }
0x26b: {  	v49 =	vadd.s32 $0x100, v19;
	v17 =	vld.idx.msk [tilespmem:v17+s14+$0x0], $0xffff;
	_ =	sdelay $0x1  }
0x26c: {  	[tilespmem:s19+$0x21B0] =	vst v24  }
0x26d: {  	v20 =	vadd.s32 $0x200, v20;
	v18 =	vld.idx.msk [tilespmem:v47+s14+$0x0], $0xffff;
	[tilespmem:s19+$0x20B0] =	vst v22  }
0x26e: {  	v50 =	vadd.s32 $0x180, v20;
	[tilespmem:s19+$0x2130] =	vst v16;
	v16 =	vld.idx.msk [tilespmem:v48+s14+$0x0], $0xffff  }
0x26f: {  	v51 =	vadd.s32 $0x80, v20;
	[tilespmem:s19+$0x2030] =	vst v17;
	v17 =	vld.idx.msk [tilespmem:v49+s14+$0x0], $0xffff  }
0x270: {  	v52 =	vadd.s32 $0x100, v20;
	v19 =	vld.idx.msk [tilespmem:v19+s14+$0x0], $0xffff;
	_ =	sdelay $0x1  }
0x271: {  	[tilespmem:s19+$0x21C0] =	vst v18  }
0x272: {  	v53 =	vadd.s32 $0x200, v23;
	v18 =	vld.idx.msk [tilespmem:v50+s14+$0x0], $0xffff;
	[tilespmem:s19+$0x20C0] =	vst v16  }
0x273: {  	v16 =	vadd.s32 $0x180, v53;
	[tilespmem:s19+$0x2140] =	vst v17;
	v17 =	vld.idx.msk [tilespmem:v51+s14+$0x0], $0xffff  }
0x274: {  	v23 =	vadd.s32 $0x80, v53;
	[tilespmem:s19+$0x2040] =	vst v19;
	v54 =	vld.idx.msk [tilespmem:v52+s14+$0x0], $0xffff  }
0x275: {  	[tilespmem:s16+$0x20E0] =	vst v36;
	v55 =	vadd.s32 $0x100, v53;
	v20 =	vld.idx.msk [tilespmem:v20+s14+$0x0], $0xffff  }
0x276: {  	[tilespmem:s16+$0x2160] =	vst v35  }
0x277: {  	v56 =	vld.idx.msk [tilespmem:v33+s14+$0x0], $0xffff;
	[tilespmem:s19+$0x21D0] =	vst v18  }
0x278: {  	v57 =	vadd.s32 $0x200, v21;
	v16 =	vld.idx.msk [tilespmem:v16+s14+$0x0], $0xffff;
	[tilespmem:s19+$0x20D0] =	vst v17  }
0x279: {  	v17 =	vadd.s32 $0x180, v57;
	v23 =	vld.idx.msk [tilespmem:v23+s14+$0x0], $0xffff;
	[tilespmem:s19+$0x2150] =	vst v54  }
0x27a: {  	v58 =	vadd.s32 $0x80, v57;
	[tilespmem:s19+$0x2050] =	vst v20;
	v59 =	vld.idx.msk [tilespmem:v55+s14+$0x0], $0xffff  }
0x27b: {  	[tilespmem:s16+$0x2060] =	vst v34;
	v60 =	vadd.s32 $0x100, v57;
	v22 =	vld.idx.msk [tilespmem:v53+s14+$0x0], $0xffff  }
0x27c: {  	v61 =	vld.idx.msk [tilespmem:v32+s14+$0x0], $0xffff;
	[tilespmem:s16+$0x20F0] =	vst v56  }
0x27d: {  	v62 =	vld.idx.msk [tilespmem:v21+s14+$0x0], $0xffff;
	[tilespmem:s19+$0x21E0] =	vst v16  }
0x27e: {  	v16 =	vld.idx.msk [tilespmem:v17+s14+$0x0], $0xffff;
	[tilespmem:s19+$0x20E0] =	vst v23  }
0x27f: {  	v17 =	vld.idx.msk [tilespmem:v58+s14+$0x0], $0xffff;
	[tilespmem:s19+$0x2160] =	vst v59  }
0x280: {  	[tilespmem:s19+$0x2060] =	vst v22;
	v63 =	vld.idx.msk [tilespmem:v60+s14+$0x0], $0xffff  }
0x281: {  	[tilespmem:s16+$0x2170] =	vst v61;
	v18 =	vld.idx.msk [tilespmem:v57+s14+$0x0], $0xffff  }
0x282: {  	s5 =	sshll.u32 s11, $0xD;
	[tilespmem:s16+$0x2070] =	vst v62  }
0x283: {  	s0 =	sadd.s32 $0x1, s0;
	s5 =	sadd.s32 s6, s5;
	[tilespmem:s19+$0x21F0] =	vst v16  }
0x284: {  	p0 =	sne.s32 s0, $0x8;
	s16 =	sor.u32 s7, s5;
	[tilespmem:s19+$0x20F0] =	vst v17  }
.Ltmp2:
0x285: {  	s5 =	sor.u32 s9, s5;
	s11 =	sshrl.u32 s16, $0x3;
	[tilespmem:s19+$0x2170] =	vst v63;
	(pc) =	sbr.rel @p0 .LBB2_2-.Ltmp2, $4  }
0x286: {  	s5 =	sshrl.u32 s5, $0x3;
	s11 =	sadd.s32 s2, s11;
	[tilespmem:s19+$0x2070] =	vst v18  }
0x287: {  	[hbm4b:s11+s3] =	stream.linear.scatter [tilespmem:s28], [sflag:$0x4], $0x2000, $0x38;
	[tilespmem:$0x14DC0] =	vst v63  }
0x288: {  	s5 =	sadd.s32 s2, s5  }
0x289: {  	[hbm4b:s5+s3] =	stream.linear.scatter [tilespmem:s29], [sflag:$0x4], $0x2000, $0x38;
	[tilespmem:$0x14DC0] =	vst v63  }
0x28a: {  	_ =	swait.ge [sflag:s30], $0x2000  }
0x28b: {  	[sflag:s30] =	ssyncset.done $0x0  }
0x28c: {  	[sflag:s30] =	ssyncadd.s32 $0xFFFFE000  }
0x28d: {  	_ =	swait.ge [sflag:s30], $0x2000  }
0x28e: {  	[sflag:s30] =	ssyncset.done $0x0  }
0x28f: {  	s1 =	sadd.s32 $0x1, s1;
	[sflag:s30] =	ssyncadd.s32 $0xFFFFE000  }
0x290: {  	p0 =	sne.s32 s1, s10;
	_ =	swait.ge [sflag:s31], $0x2000  }
.Ltmp3:
0x291: {  	[sflag:s31] =	ssyncset.done $0x0;
	(pc) =	sbr.rel @p0 .LBB2_1-.Ltmp3, $4  }
0x292: {  	[sflag:s31] =	ssyncadd.s32 $0xFFFFE000  }
0x293: {  	_ =	swait.ge [sflag:s31], $0x2000  }
0x294: {  	[sflag:s31] =	ssyncset.done $0x0  }
0x295: {  	[sflag:s31] =	ssyncadd.s32 $0xFFFFE000  }
0x296: {  	_ =	sfence.sel $0x180000  }
0x297: {  	[bflag:$0x0] =	sbarrier.arrive $0xFFFF  }
0x298: {  	_ =	strace $0x90000047  }
0x299: {  	s0 =	stileid.u32;
	[bflag:$0x2] =	sbarrier.arrive $0xFFFF  }
0x29a: {  	p0 =	sne.s32 s0, $0x0;
	s0 =	rddreg [dreg:$0x2]  }
0x29b: {  	s0 =	sadd.s32 @!p0 $0x100000, s0  }
0x29c: {  	[sflag:s0] =	ssyncadd.tile.s32 @!p0 $0x1;
	_ =	shalt  }
.Lfunc_end2:
_tile_overlayer_lowered:
.L_overlay_start_2:
0x29d: {  	(tag) =	ssettag $0x2  }
0x29e: {  	s0 =	rddreg [dreg:$0x0];
	s2 =	stileid.u32  }
0x29f: {  	s1 =	rddreg [dreg:$0x1];
	p0 =	sne.s32 s2, $0x0  }
0x2a0: {  	s3 =	rddreg [dreg:$0x2];
	[bflag:$0x3] =	sbarrier.arrive $0xFFFF;
	s2 =	simm.s32 @!p0 $0x1C05  }
0x2a1: {  	[timem:s3], [sflag:s2] =	dma.local @!p0 [hbm:s0], s1  }
0x2a2: {  	s0 =	simm.s32 @!p0 $0x5  }
0x2a3: {  	_ =	swait.ge @!p0 [sflag:s0], s1  }
0x2a4: {  	s1 =	ssub.s32 @!p0 $0x0, s1;
	[sflag:s0] =	ssyncset.done @!p0 $0x0  }
0x2a5: {  	[sflag:s0] =	ssyncadd.s32 @!p0 s1  }
0x2a6: {  	[bflag:$0x3] =	sbarrier.arrive $0xFFFF  }
0x2a7: {  	_ =	shalt  }

</sc_bundles>
